<compile_context>
chip_gen: v7x
topology: tpu7x:2x2x1
jax: 0.10.2.dev20260603
libtpu: 0.0.44.dev20260713+nightly
codegen_flags: <defaults>
</compile_context>

<pallas_src>
import functools

import jax
import jax.numpy as jnp
from jax import lax
from jax.experimental import pallas as pl
from jax.experimental.pallas import tpu as pltpu
from jax.experimental.pallas import tpu_sc as plsc

N = 10000
NPAD = 10240
CIN = 128
COUT = 128
KS = 4
RADIUS = 0.05
R2 = RADIUS * RADIUS
GRID = 12
NCELLS = GRID ** 3
C = 40
K = 32
DUMMY = N
NSUB = 32
PTS_PER = NPAD // NSUB
SLOTS = NCELLS * C
SLOTS_PER = SLOTS // NSUB
TB = 256
KB = 128



def _cellof(x, y, z):
    cx = jnp.clip(jnp.floor(x * 10.0).astype(jnp.int32), 0, 9) + 1
    cy = jnp.clip(jnp.floor(y * 10.0).astype(jnp.int32), 0, 9) + 1
    cz = jnp.clip(jnp.floor(z * 10.0).astype(jnp.int32), 0, 9) + 1
    return (cz * GRID + cy) * GRID + cx


def _t1_body(x_ref, y_ref, z_ref, xc_ref, yc_ref, zc_ref, slot_ref, cell_ref):
    i = pl.program_id(0)

    @pl.when(i == 0)
    def _():
        cell = _cellof(x_ref[...], y_ref[...], z_ref[...])
        pid = lax.broadcasted_iota(jnp.int32, cell.shape, 0) * 128 + \
            lax.broadcasted_iota(jnp.int32, cell.shape, 1)
        cell_ref[...] = jnp.where(pid < N, cell, 100000 + pid)

    cell_r = _cellof(xc_ref[...], yc_ref[...], zc_ref[...])
    pid_r = lax.broadcasted_iota(jnp.int32, (TB, 1), 0) + i * TB
    cell_r = jnp.where(pid_r < N, cell_r, 100000 + pid_r)
    base_r = cell_r * 16384

    def chunk(c, rank):
        cc = cell_ref[pl.ds(c, 1), :]
        combc = cc * 16384 + lax.broadcasted_iota(jnp.int32, (1, 128), 1) \
            + c * 128
        u = (combc - base_r).astype(jnp.uint32)
        lt = u < pid_r.astype(jnp.uint32)
        return rank + jnp.sum(lt.astype(jnp.int32), axis=1, keepdims=True)

    nchunks = (i + 1) * (TB // 128)
    rank = lax.fori_loop(0, nchunks, chunk, jnp.zeros((TB, 1), jnp.int32))
    slot = jnp.where((rank < C) & (pid_r < N), cell_r * C + rank, SLOTS)
    slot_ref[...] = slot


def _t1(x2, y2, z2, xc, yc, zc):
    return pl.pallas_call(
        _t1_body,
        grid=(NPAD // TB,),
        in_specs=[pl.BlockSpec((NPAD // 128, 128), lambda i: (0, 0))] * 3 +
                 [pl.BlockSpec((TB, 1), lambda i: (i, 0))] * 3,
        out_specs=pl.BlockSpec((TB, 1), lambda i: (i, 0)),
        out_shape=jax.ShapeDtypeStruct((NPAD, 1), jnp.int32),
        scratch_shapes=[pltpu.VMEM((NPAD // 128, 128), jnp.int32)],
    )(x2, y2, z2, xc, yc, zc)



def _k2_body(slot_hbm, bucket_hbm, slot_v, bucket_v):
    wid = lax.axis_index("s") * 2 + lax.axis_index("c")
    base = wid * SLOTS_PER
    pltpu.sync_copy(slot_hbm, slot_v)
    dummy = jnp.full((16,), DUMMY, jnp.int32)

    def init(i, _):
        bucket_v[pl.ds(i * 16, 16)] = dummy
        return 0

    lax.fori_loop(0, SLOTS_PER // 16, init, 0)

    lane = lax.iota(jnp.int32, 16)

    def scan(i, _):
        vals = slot_v[pl.ds(i * 16, 16)]
        pid = i * 16 + lane
        m = (vals >= base) & (vals < base + SLOTS_PER)
        adr = jnp.clip(vals - base, 0, SLOTS_PER - 1)
        plsc.store_scatter(bucket_v, [adr], pid, mask=m)
        return 0

    lax.fori_loop(0, NPAD // 16, scan, 0)
    pltpu.sync_copy(bucket_v, bucket_hbm.at[pl.ds(base, SLOTS_PER)])


def _k2(slot):
    mesh = plsc.VectorSubcoreMesh(core_axis_name="c", subcore_axis_name="s", num_cores=2, num_subcores=16)
    return pl.kernel(
        _k2_body,
        out_type=jax.ShapeDtypeStruct((SLOTS,), jnp.int32),
        mesh=mesh,
        compiler_params=pltpu.CompilerParams(needs_layout_passes=False),
        scratch_types=[
            pltpu.VMEM((NPAD,), jnp.int32),
            pltpu.VMEM((SLOTS_PER,), jnp.int32),
        ],
    )(slot)



def _k3_body(x_hbm, y_hbm, z_hbm, bucket_hbm,
             nbi_hbm, nbx_hbm, nby_hbm, nbz_hbm,
             xv, yv, zv, bucket_v, st_i, st_x, st_y, st_z):
    wid = lax.axis_index("s") * 2 + lax.axis_index("c")
    pltpu.sync_copy(x_hbm, xv)
    pltpu.sync_copy(y_hbm, yv)
    pltpu.sync_copy(z_hbm, zv)
    pltpu.sync_copy(bucket_hbm, bucket_v)

    lane = lax.iota(jnp.int32, 16)
    dummy_i = jnp.full((16,), DUMMY, jnp.int32)
    dummy_f = jnp.full((16,), 2.0, jnp.float32)

    def group(g, _):
        base = wid * PTS_PER + g * 16
        xi = xv[pl.ds(base, 16)]
        yi = yv[pl.ds(base, 16)]
        zi = zv[pl.ds(base, 16)]
        ivec = base + lane
        gxi = (xi * 10.0).astype(jnp.int32)
        gyi = (yi * 10.0).astype(jnp.int32)
        gzi = (zi * 10.0).astype(jnp.int32)
        cx = jnp.clip(gxi, 0, 9) + 1
        cy = jnp.clip(gyi, 0, 9) + 1
        cz = jnp.clip(gzi, 0, 9) + 1
        sx = jnp.where(xi * 10.0 - gxi.astype(jnp.float32) >= 0.5, 1, -1)
        sy = jnp.where(yi * 10.0 - gyi.astype(jnp.float32) >= 0.5, 1, -1)
        sz = jnp.where(zi * 10.0 - gzi.astype(jnp.float32) >= 0.5, 1, -1)

        for q in range(K // 16):
            for row in range(16):
                st_i[row, pl.ds(q * 16, 16)] = dummy_i
                st_x[row, pl.ds(q * 16, 16)] = dummy_f
                st_y[row, pl.ds(q * 16, 16)] = dummy_f
                st_z[row, pl.ds(q * 16, 16)] = dummy_f

        cnt = jnp.zeros((16,), jnp.int32)
        for t in range(8):
            ccx = cx + (sx if t & 1 else 0)
            ccy = cy + (sy if t & 2 else 0)
            ccz = cz + (sz if t & 4 else 0)
            rowbase = ((ccz * GRID + ccy) * GRID + ccx) * C

            def probe(s, cnt):
                j = plsc.load_gather(bucket_v, [rowbase + s])
                xj = plsc.load_gather(xv, [j])
                yj = plsc.load_gather(yv, [j])
                zj = plsc.load_gather(zv, [j])
                dx = xj - xi
                dy = yj - yi
                dz = zj - zi
                d2 = dx * dx + dy * dy + dz * dz
                m = (d2 <= R2) & (j != ivec) & (cnt < K)
                wpos = jnp.clip(cnt, 0, K - 1)
                plsc.store_scatter(st_i, [lane, wpos], j, mask=m)
                plsc.store_scatter(st_x, [lane, wpos], xj, mask=m)
                plsc.store_scatter(st_y, [lane, wpos], yj, mask=m)
                plsc.store_scatter(st_z, [lane, wpos], zj, mask=m)
                return cnt + jnp.where(m, 1, 0)

            cnt = lax.fori_loop(0, C, probe, cnt)

        pltpu.sync_copy(st_i, nbi_hbm.at[pl.ds(base, 16), :])
        pltpu.sync_copy(st_x, nbx_hbm.at[pl.ds(base, 16), :])
        pltpu.sync_copy(st_y, nby_hbm.at[pl.ds(base, 16), :])
        pltpu.sync_copy(st_z, nbz_hbm.at[pl.ds(base, 16), :])
        return 0

    lax.fori_loop(0, PTS_PER // 16, group, 0)


def _k3(x, y, z, bucket):
    mesh = plsc.VectorSubcoreMesh(core_axis_name="c", subcore_axis_name="s", num_cores=2, num_subcores=16)
    out = [
        jax.ShapeDtypeStruct((NPAD, K), jnp.int32),
        jax.ShapeDtypeStruct((NPAD, K), jnp.float32),
        jax.ShapeDtypeStruct((NPAD, K), jnp.float32),
        jax.ShapeDtypeStruct((NPAD, K), jnp.float32),
    ]
    return pl.kernel(
        _k3_body,
        out_type=out,
        mesh=mesh,
        compiler_params=pltpu.CompilerParams(needs_layout_passes=False),
        scratch_types=[
            pltpu.VMEM((NPAD,), jnp.float32),
            pltpu.VMEM((NPAD,), jnp.float32),
            pltpu.VMEM((NPAD,), jnp.float32),
            pltpu.VMEM((SLOTS,), jnp.int32),
            pltpu.VMEM((16, K), jnp.int32),
            pltpu.VMEM((16, K), jnp.float32),
            pltpu.VMEM((16, K), jnp.float32),
            pltpu.VMEM((16, K), jnp.float32),
        ],
    )(x, y, z, bucket)



K4_CH = 128
K4_NB = 4

def _k4_body(idx_hbm, feats_hbm, out_hbm, idx_v, b0, b1, b2, b3, gsem, wsem):
    wid = lax.axis_index("s") * 2 + lax.axis_index("c")
    rows_per = NPAD * K // NSUB
    base = wid * rows_per
    bufs = (b0, b1, b2, b3)
    pltpu.sync_copy(idx_hbm.at[pl.ds(base, rows_per)], idx_v)

    def superchunk(i, _):
        start = i * (K4_NB * K4_CH)
        gets = []
        for b in range(K4_NB):
            off = start + b * K4_CH
            gets.append(pltpu.async_copy(
                feats_hbm.at[idx_v.at[pl.ds(off, K4_CH)]], bufs[b], gsem))
        puts = []
        for b in range(K4_NB):
            off = start + b * K4_CH
            gets[b].wait()
            puts.append(pltpu.async_copy(
                bufs[b], out_hbm.at[pl.ds(base + off, K4_CH), :], wsem))
        for b in range(K4_NB):
            puts[b].wait()
        return 0

    lax.fori_loop(0, rows_per // (K4_NB * K4_CH), superchunk, 0)


def _k4(idx_flat, feats_pad):
    mesh = plsc.VectorSubcoreMesh(core_axis_name="c", subcore_axis_name="s", num_cores=2, num_subcores=16)
    return pl.kernel(
        _k4_body,
        out_type=jax.ShapeDtypeStruct((NPAD * K, CIN), jnp.float32),
        mesh=mesh,
        compiler_params=pltpu.CompilerParams(needs_layout_passes=False),
        scratch_types=[
            pltpu.VMEM((NPAD * K // NSUB,), jnp.int32),
            pltpu.VMEM((K4_CH, CIN), jnp.float32),
            pltpu.VMEM((K4_CH, CIN), jnp.float32),
            pltpu.VMEM((K4_CH, CIN), jnp.float32),
            pltpu.VMEM((K4_CH, CIN), jnp.float32),
            pltpu.SemaphoreType.DMA,
            pltpu.SemaphoreType.DMA,
        ],
    )(idx_flat, feats_pad)



def _k5_body(gath_ref, nbx_ref, nby_ref, nbz_ref, xq_ref, yq_ref, zq_ref,
             feats_ref, wflat_ref, bconv_ref, wdt_ref, bd_ref,
             conv_ref, dense_ref):
    nbx = nbx_ref[...]
    nby = nby_ref[...]
    nbz = nbz_ref[...]
    rx = (nbx - xq_ref[...]) * 20.0
    ry = (nby - yq_ref[...]) * 20.0
    rz = (nbz - zq_ref[...]) * 20.0
    nrm2 = jnp.sqrt(rx * rx + ry * ry + rz * rz)
    nrminf = jnp.maximum(jnp.maximum(jnp.abs(rx), jnp.abs(ry)), jnp.abs(rz))
    s = nrm2 / jnp.maximum(nrminf, 1e-8)
    ux = jnp.clip((rx * s + 1.0) * 1.5, 0.0, 3.0)
    uy = jnp.clip((ry * s + 1.0) * 1.5, 0.0, 3.0)
    uz = jnp.clip((rz * s + 1.0) * 1.5, 0.0, 3.0)
    c_iota = lax.broadcasted_iota(jnp.int32, (1, 1, 64), 2)
    izf = (c_iota >> 4).astype(jnp.float32)
    iyf = ((c_iota >> 2) & 3).astype(jnp.float32)
    ixf = (c_iota & 3).astype(jnp.float32)
    wone = (jnp.maximum(0.0, 1.0 - jnp.abs(uz[:, :, None] - izf)) *
            jnp.maximum(0.0, 1.0 - jnp.abs(uy[:, :, None] - iyf)) *
            jnp.maximum(0.0, 1.0 - jnp.abs(ux[:, :, None] - ixf)))
    g = gath_ref[...].reshape(KB, K, CIN)
    a = lax.dot_general(wone, g, (((1,), (1,)), ((0,), (0,))),
                        preferred_element_type=jnp.float32)
    conv_ref[...] = (a.reshape(KB, 64 * CIN) @ wflat_ref[...]) + bconv_ref[...]
    dense_ref[...] = (feats_ref[...] @ wdt_ref[...]) + bd_ref[...]


def _k5(gathered, nbx, nby, nbz, xq, yq, zq, feats_pad, wflat2, b_conv, wdt, bd):
    nsteps = NPAD // KB
    return pl.pallas_call(
        _k5_body,
        grid=(nsteps,),
        in_specs=[
            pl.BlockSpec((KB * K, CIN), lambda i: (i, 0)),
            pl.BlockSpec((KB, K), lambda i: (i, 0)),
            pl.BlockSpec((KB, K), lambda i: (i, 0)),
            pl.BlockSpec((KB, K), lambda i: (i, 0)),
            pl.BlockSpec((KB, 1), lambda i: (i, 0)),
            pl.BlockSpec((KB, 1), lambda i: (i, 0)),
            pl.BlockSpec((KB, 1), lambda i: (i, 0)),
            pl.BlockSpec((KB, CIN), lambda i: (i, 0)),
            pl.BlockSpec((64 * CIN, COUT), lambda i: (0, 0)),
            pl.BlockSpec((1, COUT), lambda i: (0, 0)),
            pl.BlockSpec((CIN, COUT), lambda i: (0, 0)),
            pl.BlockSpec((1, COUT), lambda i: (0, 0)),
        ],
        out_specs=[
            pl.BlockSpec((KB, COUT), lambda i: (i, 0)),
            pl.BlockSpec((KB, COUT), lambda i: (i, 0)),
        ],
        out_shape=[
            jax.ShapeDtypeStruct((NPAD, COUT), jnp.float32),
            jax.ShapeDtypeStruct((NPAD, COUT), jnp.float32),
        ],
    )(gathered, nbx, nby, nbz, xq, yq, zq, feats_pad, wflat2, b_conv, wdt, bd)



def kernel(feats, pos, Wk, b_conv, Wd, bd):
    x = jnp.full((NPAD,), 2.0, jnp.float32).at[:N].set(pos[:, 0])
    y = jnp.full((NPAD,), 2.0, jnp.float32).at[:N].set(pos[:, 1])
    z = jnp.full((NPAD,), 2.0, jnp.float32).at[:N].set(pos[:, 2])
    x2 = x.reshape(NPAD // 128, 128)
    y2 = y.reshape(NPAD // 128, 128)
    z2 = z.reshape(NPAD // 128, 128)
    feats_pad = jnp.zeros((NPAD, CIN), jnp.float32).at[:N].set(feats)

    slot2 = _t1(x2, y2, z2,
                x.reshape(NPAD, 1), y.reshape(NPAD, 1), z.reshape(NPAD, 1))
    bucket = _k2(slot2.reshape(NPAD))
    nbi, nbx, nby, nbz = _k3(x, y, z, bucket)
    gathered = _k4(nbi.reshape(NPAD * K), feats_pad)

    wflat2 = Wk.reshape(KS ** 3 * CIN, COUT)
    conv, dense = _k5(gathered, nbx, nby, nbz,
                      x.reshape(NPAD, 1), y.reshape(NPAD, 1), z.reshape(NPAD, 1),
                      feats_pad, wflat2, b_conv.reshape(1, COUT),
                      Wd.T, bd.reshape(1, COUT))
    return (conv[:N], dense[:N])

# --- scband reference (transcript-rebuilt; emitter-appended) ---
"""Pipeline reference for scband-continuous-convolution-block-25434796327480 (READ-ONLY COPY).

The authoritative reference and input builder live on the scoring server;
editing this copy changes nothing except your own understanding.
"""

import jax, jax.numpy as jnp
import numpy as np

N = 10000
CIN = 128
COUT = 128
KS = 4
EXTENT = 0.1
KMAX = 64


def setup_inputs(seed: int = 0):
    key = jax.random.key(seed)
    k1, k2, k3, k4, k5, k6 = jax.random.split(key, 6)
    feats = jax.random.normal(k1, (N, CIN), dtype=jnp.float32)
    pos = jax.random.uniform(k2, (N, 3), dtype=jnp.float32)
    Wk = jax.random.normal(k3, (KS, KS, KS, CIN, COUT), dtype=jnp.float32) * 0.02
    b_conv = jnp.zeros((COUT,), dtype=jnp.float32)
    Wd = jax.random.normal(k5, (COUT, CIN), dtype=jnp.float32) * (1.0 / np.sqrt(CIN))
    bd = jnp.zeros((COUT,), dtype=jnp.float32)
    return {"feats": feats, "pos": pos, "Wk": Wk, "b_conv": b_conv, "Wd": Wd, "bd": bd}


def _knn_radius(pos, radius, kmax):
    # brute-force fixed-radius search (chunked), equivalent to ml3d radius search
    n = pos.shape[0]
    chunk = 2000
    idx_list = []
    d2_list = []
    for s in range(0, n, chunk):
        q = pos[s:s + chunk]
        d2 = jnp.sum((q[:, None, :] - pos[None, :, :]) ** 2, axis=-1)
        neg, idx = jax.lax.top_k(-d2, kmax)
        idx_list.append(idx)
        d2_list.append(-neg)
    idx = jnp.concatenate(idx_list, 0)
    d2 = jnp.concatenate(d2_list, 0)
    # radius_search_ignore_query_points=True -> drop self
    mask = (d2 <= radius * radius) & (idx != jnp.arange(n)[:, None])
    return idx, mask


def _cconv(feats, pos, Wk, b_conv, idx, mask):
    n = pos.shape[0]
    radius = EXTENT / 2.0
    rel = (pos[idx] - pos[:, None, :]) / radius  # [N,K,3] normalized to unit ball
    nrm2 = jnp.sqrt(jnp.sum(rel * rel, -1, keepdims=True))
    nrminf = jnp.max(jnp.abs(rel), -1, keepdims=True)
    s = nrm2 / jnp.maximum(nrminf, 1e-8)
    cube = rel * s  # ball_to_cube_radial mapping, coords in [-1,1]
    u = (cube + 1.0) * 0.5 * (KS - 1)  # align_corners=True
    u = jnp.clip(u, 0.0, KS - 1.0)
    f0 = jnp.clip(jnp.floor(u), 0, KS - 2)
    frac = u - f0
    f0 = f0.astype(jnp.int32)
    dst = jnp.repeat(jnp.arange(n), KMAX)
    src = idx.reshape(-1)
    fs = feats[src] * mask.reshape(-1, 1).astype(feats.dtype)  # [E, CIN]
    A = jnp.zeros((n * KS ** 3, CIN), dtype=feats.dtype)
    for bz in (0, 1):
        for by in (0, 1):
            for bx in (0, 1):
                ix = f0[..., 0] + bx
                iy = f0[..., 1] + by
                iz = f0[..., 2] + bz
                w = (jnp.where(bx, frac[..., 0], 1.0 - frac[..., 0]) *
                     jnp.where(by, frac[..., 1], 1.0 - frac[..., 1]) *
                     jnp.where(bz, frac[..., 2], 1.0 - frac[..., 2]))
                cell = (iz * KS + iy) * KS + ix
                key_flat = dst * (KS ** 3) + cell.reshape(-1)
                A = A.at[key_flat].add(w.reshape(-1, 1) * fs)
    Wflat = Wk.reshape(KS ** 3, CIN, COUT)
    out = jnp.einsum('ncd,cde->ne', A.reshape(n, KS ** 3, CIN), Wflat) + b_conv
    return out


def reference(feats, pos, Wk, b_conv, Wd, bd):
    idx, mask = _knn_radius(pos, EXTENT / 2.0, KMAX)
    ans_conv = _cconv(feats, pos, Wk, b_conv, idx, mask)
    ans_dense = feats @ Wd.T + bd  # nn.Linear branch (dense=True)
    # activation=None, dropout=None -> passthrough
    return (ans_conv, ans_dense)

if __name__ == "__main__":
    import jax
    _d = setup_inputs()
    print(jax.jit(kernel)(*tuple(_d.values())))

</pallas_src>

<mosaic_0001>
#map = affine_map<(d0, d1) -> (0)>
#map1 = affine_map<(d0, d1) -> (0, 0)>
module attributes {stable_mosaic.version = 14 : i64} {
  func.func @_k4_body(%arg0: i32, %arg1: i32, %arg2: memref<327680xi32, #tpu.memory_space<hbm>>, %arg3: memref<10240x128xf32, #tpu.memory_space<hbm>>, %arg4: memref<327680x128xf32, #tpu.memory_space<hbm>>, %arg5: memref<10240xi32, #tpu.memory_space<vmem>>, %arg6: memref<128x128xf32, #tpu.memory_space<vmem>>, %arg7: memref<128x128xf32, #tpu.memory_space<vmem>>, %arg8: memref<128x128xf32, #tpu.memory_space<vmem>>, %arg9: memref<128x128xf32, #tpu.memory_space<vmem>>, %arg10: memref<!tpu.dma_semaphore, #tpu.memory_space<semaphore_mem>>, %arg11: memref<!tpu.dma_semaphore, #tpu.memory_space<semaphore_mem>>) attributes {dimension_semantics = [#tpu.dimension_semantics<core_parallel>, #tpu.dimension_semantics<subcore_parallel>], iteration_bounds = array<i64: 2, 16>, scalar_prefetch = 0 : i64, scratch_operands = 7 : i64, tpu.core_type = #tpu.core_type<sc_vector_subcore>, window_params = [{transform_indices = #map}, {transform_indices = #map1}, {transform_indices = #map1}]} {
    %mul3A = arith.constant 2 : i32
    %mul3A_0 = arith.muli %arg1, %mul3A : i32
    %add3A = arith.addi %mul3A_0, %arg0 : i32
    %mul3A_1 = arith.constant 10240 : i32
    %mul3A_2 = arith.muli %add3A, %mul3A_1 : i32
    "tpu.region"() ({
      %run_scoped3A = tpu.sem_alloc : memref<!tpu.dma_semaphore, #tpu.memory_space<semaphore_mem>>
      %dma_start3A = tpu.memref_slice %arg2[%mul3A_2] : memref<327680xi32, #tpu.memory_space<hbm>> -> memref<10240xi32, #tpu.memory_space<hbm>>
      %dma_start3A_9 = tpu.memref_slice %arg2[%mul3A_2] : memref<327680xi32, #tpu.memory_space<hbm>> -> memref<10240xi32, #tpu.memory_space<hbm>>
      tpu.enqueue_dma source(%dma_start3A_9 : memref<10240xi32, #tpu.memory_space<hbm>>) target(%arg5 : memref<10240xi32, #tpu.memory_space<vmem>>) target_semaphore(%run_scoped3A : memref<!tpu.dma_semaphore, #tpu.memory_space<semaphore_mem>>)
      %dma_wait3A = tpu.memref_slice %arg2[%mul3A_2] : memref<327680xi32, #tpu.memory_space<hbm>> -> memref<10240xi32, #tpu.memory_space<hbm>>
      %dma_wait3A_10 = tpu.memref_slice %arg2[%mul3A_2] : memref<327680xi32, #tpu.memory_space<hbm>> -> memref<10240xi32, #tpu.memory_space<hbm>>
      tpu.wait_dma2 semaphore(%run_scoped3A : memref<!tpu.dma_semaphore, #tpu.memory_space<semaphore_mem>>) src(%dma_wait3A_10 : memref<10240xi32, #tpu.memory_space<hbm>>) dst(%arg5 : memref<10240xi32, #tpu.memory_space<vmem>>)
      tpu.yield
    }) : () -> ()
    %scan3A = arith.constant 0 : i32
    %scan3A_3 = arith.constant 0 : i32
    %scan3A_4 = arith.constant 20 : i32
    %scan3A_5 = arith.addi %scan3A_3, %scan3A_4 : i32
    %scan3A_6 = arith.constant 1 : i32
    %scan3A_7 = scf.for %scan3A_9 = %scan3A_3 to %scan3A_5 step %scan3A_6 iter_args(%scan3A_10 = %scan3A) -> (i32)  : i32 {
      %mul3A_11 = arith.constant 512 : i32
      %mul3A_12 = arith.muli %scan3A_9, %mul3A_11 : i32
      %add3A_13 = arith.constant 0 : i32
      %add3A_14 = arith.addi %mul3A_12, %add3A_13 : i32
      %dma_start3A = tpu.memref_slice %arg5[%add3A_14] : memref<10240xi32, #tpu.memory_space<vmem>> -> memref<128xi32, #tpu.memory_space<vmem>>
      %dma_start3A_15 = arith.constant 0 : i32
      %dma_start3A_16 = arith.constant 0 : i32
      %dma_start3A_17 = tpu.memref_slice %arg3[%dma_start3A_15, %dma_start3A_16] : memref<10240x128xf32, #tpu.memory_space<hbm>> -> memref<10240x128xf32, #tpu.memory_space<hbm>>
      tpu.enqueue_indirect_dma source(%dma_start3A_17 : memref<10240x128xf32, #tpu.memory_space<hbm>>) target(%arg6 : memref<128x128xf32, #tpu.memory_space<vmem>>) offsets(%dma_start3A : memref<128xi32, #tpu.memory_space<vmem>>) semaphore(%arg10 : memref<!tpu.dma_semaphore, #tpu.memory_space<semaphore_mem>>)
      %add3A_18 = arith.constant 128 : i32
      %add3A_19 = arith.addi %mul3A_12, %add3A_18 : i32
      %dma_start3A_20 = tpu.memref_slice %arg5[%add3A_19] : memref<10240xi32, #tpu.memory_space<vmem>> -> memref<128xi32, #tpu.memory_space<vmem>>
      %dma_start3A_21 = arith.constant 0 : i32
      %dma_start3A_22 = arith.constant 0 : i32
      %dma_start3A_23 = tpu.memref_slice %arg3[%dma_start3A_21, %dma_start3A_22] : memref<10240x128xf32, #tpu.memory_space<hbm>> -> memref<10240x128xf32, #tpu.memory_space<hbm>>
      tpu.enqueue_indirect_dma source(%dma_start3A_23 : memref<10240x128xf32, #tpu.memory_space<hbm>>) target(%arg7 : memref<128x128xf32, #tpu.memory_space<vmem>>) offsets(%dma_start3A_20 : memref<128xi32, #tpu.memory_space<vmem>>) semaphore(%arg10 : memref<!tpu.dma_semaphore, #tpu.memory_space<semaphore_mem>>)
      %add3A_24 = arith.constant 256 : i32
      %add3A_25 = arith.addi %mul3A_12, %add3A_24 : i32
      %dma_start3A_26 = tpu.memref_slice %arg5[%add3A_25] : memref<10240xi32, #tpu.memory_space<vmem>> -> memref<128xi32, #tpu.memory_space<vmem>>
      %dma_start3A_27 = arith.constant 0 : i32
      %dma_start3A_28 = arith.constant 0 : i32
      %dma_start3A_29 = tpu.memref_slice %arg3[%dma_start3A_27, %dma_start3A_28] : memref<10240x128xf32, #tpu.memory_space<hbm>> -> memref<10240x128xf32, #tpu.memory_space<hbm>>
      tpu.enqueue_indirect_dma source(%dma_start3A_29 : memref<10240x128xf32, #tpu.memory_space<hbm>>) target(%arg8 : memref<128x128xf32, #tpu.memory_space<vmem>>) offsets(%dma_start3A_26 : memref<128xi32, #tpu.memory_space<vmem>>) semaphore(%arg10 : memref<!tpu.dma_semaphore, #tpu.memory_space<semaphore_mem>>)
      %add3A_30 = arith.constant 384 : i32
      %add3A_31 = arith.addi %mul3A_12, %add3A_30 : i32
      %dma_start3A_32 = tpu.memref_slice %arg5[%add3A_31] : memref<10240xi32, #tpu.memory_space<vmem>> -> memref<128xi32, #tpu.memory_space<vmem>>
      %dma_start3A_33 = arith.constant 0 : i32
      %dma_start3A_34 = arith.constant 0 : i32
      %dma_start3A_35 = tpu.memref_slice %arg3[%dma_start3A_33, %dma_start3A_34] : memref<10240x128xf32, #tpu.memory_space<hbm>> -> memref<10240x128xf32, #tpu.memory_space<hbm>>
      tpu.enqueue_indirect_dma source(%dma_start3A_35 : memref<10240x128xf32, #tpu.memory_space<hbm>>) target(%arg9 : memref<128x128xf32, #tpu.memory_space<vmem>>) offsets(%dma_start3A_32 : memref<128xi32, #tpu.memory_space<vmem>>) semaphore(%arg10 : memref<!tpu.dma_semaphore, #tpu.memory_space<semaphore_mem>>)
      %add3A_36 = arith.constant 0 : i32
      %add3A_37 = arith.addi %mul3A_12, %add3A_36 : i32
      %dma_wait3A = tpu.memref_slice %arg5[%add3A_14] : memref<10240xi32, #tpu.memory_space<vmem>> -> memref<128xi32, #tpu.memory_space<vmem>>
      %dma_wait3A_38 = arith.constant 0 : i32
      %dma_wait3A_39 = arith.constant 0 : i32
      %dma_wait3A_40 = tpu.memref_slice %arg3[%dma_wait3A_38, %dma_wait3A_39] : memref<10240x128xf32, #tpu.memory_space<hbm>> -> memref<10240x128xf32, #tpu.memory_space<hbm>>
      tpu.wait_indirect_dma semaphore(%arg10 : memref<!tpu.dma_semaphore, #tpu.memory_space<semaphore_mem>>) src(%dma_wait3A_40 : memref<10240x128xf32, #tpu.memory_space<hbm>>) dst(%arg6 : memref<128x128xf32, #tpu.memory_space<vmem>>)
      %add3A_41 = arith.addi %mul3A_2, %add3A_37 : i32
      %dma_start3A_42 = arith.constant 0 : i32
      %dma_start3A_43 = tpu.memref_slice %arg4[%add3A_41, %dma_start3A_42] : memref<327680x128xf32, #tpu.memory_space<hbm>> -> memref<128x128xf32, #tpu.memory_space<hbm>>
      %dma_start3A_44 = arith.constant 0 : i32
      %dma_start3A_45 = tpu.memref_slice %arg4[%add3A_41, %dma_start3A_44] : memref<327680x128xf32, #tpu.memory_space<hbm>> -> memref<128x128xf32, #tpu.memory_space<hbm>>
      tpu.enqueue_dma source(%arg6 : memref<128x128xf32, #tpu.memory_space<vmem>>) target(%dma_start3A_45 : memref<128x128xf32, #tpu.memory_space<hbm>>) target_semaphore(%arg11 : memref<!tpu.dma_semaphore, #tpu.memory_space<semaphore_mem>>)
      %add3A_46 = arith.constant 128 : i32
      %add3A_47 = arith.addi %mul3A_12, %add3A_46 : i32
      %dma_wait3A_48 = tpu.memref_slice %arg5[%add3A_19] : memref<10240xi32, #tpu.memory_space<vmem>> -> memref<128xi32, #tpu.memory_space<vmem>>
      %dma_wait3A_49 = arith.constant 0 : i32
      %dma_wait3A_50 = arith.constant 0 : i32
      %dma_wait3A_51 = tpu.memref_slice %arg3[%dma_wait3A_49, %dma_wait3A_50] : memref<10240x128xf32, #tpu.memory_space<hbm>> -> memref<10240x128xf32, #tpu.memory_space<hbm>>
      tpu.wait_indirect_dma semaphore(%arg10 : memref<!tpu.dma_semaphore, #tpu.memory_space<semaphore_mem>>) src(%dma_wait3A_51 : memref<10240x128xf32, #tpu.memory_space<hbm>>) dst(%arg7 : memref<128x128xf32, #tpu.memory_space<vmem>>)
      %add3A_52 = arith.addi %mul3A_2, %add3A_47 : i32
      %dma_start3A_53 = arith.constant 0 : i32
      %dma_start3A_54 = tpu.memref_slice %arg4[%add3A_52, %dma_start3A_53] : memref<327680x128xf32, #tpu.memory_space<hbm>> -> memref<128x128xf32, #tpu.memory_space<hbm>>
      %dma_start3A_55 = arith.constant 0 : i32
      %dma_start3A_56 = tpu.memref_slice %arg4[%add3A_52, %dma_start3A_55] : memref<327680x128xf32, #tpu.memory_space<hbm>> -> memref<128x128xf32, #tpu.memory_space<hbm>>
      tpu.enqueue_dma source(%arg7 : memref<128x128xf32, #tpu.memory_space<vmem>>) target(%dma_start3A_56 : memref<128x128xf32, #tpu.memory_space<hbm>>) target_semaphore(%arg11 : memref<!tpu.dma_semaphore, #tpu.memory_space<semaphore_mem>>)
      %add3A_57 = arith.constant 256 : i32
      %add3A_58 = arith.addi %mul3A_12, %add3A_57 : i32
      %dma_wait3A_59 = tpu.memref_slice %arg5[%add3A_25] : memref<10240xi32, #tpu.memory_space<vmem>> -> memref<128xi32, #tpu.memory_space<vmem>>
      %dma_wait3A_60 = arith.constant 0 : i32
      %dma_wait3A_61 = arith.constant 0 : i32
      %dma_wait3A_62 = tpu.memref_slice %arg3[%dma_wait3A_60, %dma_wait3A_61] : memref<10240x128xf32, #tpu.memory_space<hbm>> -> memref<10240x128xf32, #tpu.memory_space<hbm>>
      tpu.wait_indirect_dma semaphore(%arg10 : memref<!tpu.dma_semaphore, #tpu.memory_space<semaphore_mem>>) src(%dma_wait3A_62 : memref<10240x128xf32, #tpu.memory_space<hbm>>) dst(%arg8 : memref<128x128xf32, #tpu.memory_space<vmem>>)
      %add3A_63 = arith.addi %mul3A_2, %add3A_58 : i32
      %dma_start3A_64 = arith.constant 0 : i32
      %dma_start3A_65 = tpu.memref_slice %arg4[%add3A_63, %dma_start3A_64] : memref<327680x128xf32, #tpu.memory_space<hbm>> -> memref<128x128xf32, #tpu.memory_space<hbm>>
      %dma_start3A_66 = arith.constant 0 : i32
      %dma_start3A_67 = tpu.memref_slice %arg4[%add3A_63, %dma_start3A_66] : memref<327680x128xf32, #tpu.memory_space<hbm>> -> memref<128x128xf32, #tpu.memory_space<hbm>>
      tpu.enqueue_dma source(%arg8 : memref<128x128xf32, #tpu.memory_space<vmem>>) target(%dma_start3A_67 : memref<128x128xf32, #tpu.memory_space<hbm>>) target_semaphore(%arg11 : memref<!tpu.dma_semaphore, #tpu.memory_space<semaphore_mem>>)
      %add3A_68 = arith.constant 384 : i32
      %add3A_69 = arith.addi %mul3A_12, %add3A_68 : i32
      %dma_wait3A_70 = tpu.memref_slice %arg5[%add3A_31] : memref<10240xi32, #tpu.memory_space<vmem>> -> memref<128xi32, #tpu.memory_space<vmem>>
      %dma_wait3A_71 = arith.constant 0 : i32
      %dma_wait3A_72 = arith.constant 0 : i32
      %dma_wait3A_73 = tpu.memref_slice %arg3[%dma_wait3A_71, %dma_wait3A_72] : memref<10240x128xf32, #tpu.memory_space<hbm>> -> memref<10240x128xf32, #tpu.memory_space<hbm>>
      tpu.wait_indirect_dma semaphore(%arg10 : memref<!tpu.dma_semaphore, #tpu.memory_space<semaphore_mem>>) src(%dma_wait3A_73 : memref<10240x128xf32, #tpu.memory_space<hbm>>) dst(%arg9 : memref<128x128xf32, #tpu.memory_space<vmem>>)
      %add3A_74 = arith.addi %mul3A_2, %add3A_69 : i32
      %dma_start3A_75 = arith.constant 0 : i32
      %dma_start3A_76 = tpu.memref_slice %arg4[%add3A_74, %dma_start3A_75] : memref<327680x128xf32, #tpu.memory_space<hbm>> -> memref<128x128xf32, #tpu.memory_space<hbm>>
      %dma_start3A_77 = arith.constant 0 : i32
      %dma_start3A_78 = tpu.memref_slice %arg4[%add3A_74, %dma_start3A_77] : memref<327680x128xf32, #tpu.memory_space<hbm>> -> memref<128x128xf32, #tpu.memory_space<hbm>>
      tpu.enqueue_dma source(%arg9 : memref<128x128xf32, #tpu.memory_space<vmem>>) target(%dma_start3A_78 : memref<128x128xf32, #tpu.memory_space<hbm>>) target_semaphore(%arg11 : memref<!tpu.dma_semaphore, #tpu.memory_space<semaphore_mem>>)
      %dma_wait3A_79 = arith.constant 0 : i32
      %dma_wait3A_80 = tpu.memref_slice %arg4[%add3A_41, %dma_wait3A_79] : memref<327680x128xf32, #tpu.memory_space<hbm>> -> memref<128x128xf32, #tpu.memory_space<hbm>>
      %dma_wait3A_81 = arith.constant 0 : i32
      %dma_wait3A_82 = tpu.memref_slice %arg4[%add3A_41, %dma_wait3A_81] : memref<327680x128xf32, #tpu.memory_space<hbm>> -> memref<128x128xf32, #tpu.memory_space<hbm>>
      tpu.wait_dma2 semaphore(%arg11 : memref<!tpu.dma_semaphore, #tpu.memory_space<semaphore_mem>>) src(%arg6 : memref<128x128xf32, #tpu.memory_space<vmem>>) dst(%dma_wait3A_82 : memref<128x128xf32, #tpu.memory_space<hbm>>)
      %dma_wait3A_83 = arith.constant 0 : i32
      %dma_wait3A_84 = tpu.memref_slice %arg4[%add3A_52, %dma_wait3A_83] : memref<327680x128xf32, #tpu.memory_space<hbm>> -> memref<128x128xf32, #tpu.memory_space<hbm>>
      %dma_wait3A_85 = arith.constant 0 : i32
      %dma_wait3A_86 = tpu.memref_slice %arg4[%add3A_52, %dma_wait3A_85] : memref<327680x128xf32, #tpu.memory_space<hbm>> -> memref<128x128xf32, #tpu.memory_space<hbm>>
      tpu.wait_dma2 semaphore(%arg11 : memref<!tpu.dma_semaphore, #tpu.memory_space<semaphore_mem>>) src(%arg7 : memref<128x128xf32, #tpu.memory_space<vmem>>) dst(%dma_wait3A_86 : memref<128x128xf32, #tpu.memory_space<hbm>>)
      %dma_wait3A_87 = arith.constant 0 : i32
      %dma_wait3A_88 = tpu.memref_slice %arg4[%add3A_63, %dma_wait3A_87] : memref<327680x128xf32, #tpu.memory_space<hbm>> -> memref<128x128xf32, #tpu.memory_space<hbm>>
      %dma_wait3A_89 = arith.constant 0 : i32
      %dma_wait3A_90 = tpu.memref_slice %arg4[%add3A_63, %dma_wait3A_89] : memref<327680x128xf32, #tpu.memory_space<hbm>> -> memref<128x128xf32, #tpu.memory_space<hbm>>
      tpu.wait_dma2 semaphore(%arg11 : memref<!tpu.dma_semaphore, #tpu.memory_space<semaphore_mem>>) src(%arg8 : memref<128x128xf32, #tpu.memory_space<vmem>>) dst(%dma_wait3A_90 : memref<128x128xf32, #tpu.memory_space<hbm>>)
      %dma_wait3A_91 = arith.constant 0 : i32
      %dma_wait3A_92 = tpu.memref_slice %arg4[%add3A_74, %dma_wait3A_91] : memref<327680x128xf32, #tpu.memory_space<hbm>> -> memref<128x128xf32, #tpu.memory_space<hbm>>
      %dma_wait3A_93 = arith.constant 0 : i32
      %dma_wait3A_94 = tpu.memref_slice %arg4[%add3A_74, %dma_wait3A_93] : memref<327680x128xf32, #tpu.memory_space<hbm>> -> memref<128x128xf32, #tpu.memory_space<hbm>>
      tpu.wait_dma2 semaphore(%arg11 : memref<!tpu.dma_semaphore, #tpu.memory_space<semaphore_mem>>) src(%arg9 : memref<128x128xf32, #tpu.memory_space<vmem>>) dst(%dma_wait3A_94 : memref<128x128xf32, #tpu.memory_space<hbm>>)
      %scan3A_95 = arith.constant 0 : i32
      scf.yield %scan3A_95 : i32
    }
    %scan3A_8 = arith.constant 20 : i32
    return
  }
}

#map = affine_map<(d0, d1) -> (0)>
module attributes {stable_mosaic.version = 14 : i64} {
  func.func @_k2_body(%arg0: i32, %arg1: i32, %arg2: memref<10240xi32, #tpu.memory_space<hbm>>, %arg3: memref<69120xi32, #tpu.memory_space<hbm>>, %arg4: memref<10240xi32, #tpu.memory_space<vmem>>, %arg5: memref<2160xi32, #tpu.memory_space<vmem>>) attributes {dimension_semantics = [#tpu.dimension_semantics<core_parallel>, #tpu.dimension_semantics<subcore_parallel>], iteration_bounds = array<i64: 2, 16>, scalar_prefetch = 0 : i64, scratch_operands = 2 : i64, tpu.core_type = #tpu.core_type<sc_vector_subcore>, window_params = [{transform_indices = #map}, {transform_indices = #map}]} {
    %mul3A = arith.constant 2 : i32
    %mul3A_0 = arith.muli %arg1, %mul3A : i32
    %add3A = arith.addi %mul3A_0, %arg0 : i32
    %mul3A_1 = arith.constant 2160 : i32
    %mul3A_2 = arith.muli %add3A, %mul3A_1 : i32
    "tpu.region"() ({
      %run_scoped3A = tpu.sem_alloc : memref<!tpu.dma_semaphore, #tpu.memory_space<semaphore_mem>>
      tpu.enqueue_dma source(%arg2 : memref<10240xi32, #tpu.memory_space<hbm>>) target(%arg4 : memref<10240xi32, #tpu.memory_space<vmem>>) target_semaphore(%run_scoped3A : memref<!tpu.dma_semaphore, #tpu.memory_space<semaphore_mem>>)
      tpu.wait_dma2 semaphore(%run_scoped3A : memref<!tpu.dma_semaphore, #tpu.memory_space<semaphore_mem>>) src(%arg2 : memref<10240xi32, #tpu.memory_space<hbm>>) dst(%arg4 : memref<10240xi32, #tpu.memory_space<vmem>>)
      tpu.yield
    }) : () -> ()
    %broadcast_in_dim3A = arith.constant 10000 : i32
    %broadcast_in_dim3A_3 = vector.broadcast %broadcast_in_dim3A : i32 to vector<16xi32>
    %scan3A = arith.constant 0 : i32
    %scan3A_4 = arith.constant 0 : i32
    %scan3A_5 = arith.constant 135 : i32
    %scan3A_6 = arith.addi %scan3A_4, %scan3A_5 : i32
    %scan3A_7 = arith.constant 1 : i32
    %scan3A_8 = scf.for %scan3A_17 = %scan3A_4 to %scan3A_6 step %scan3A_7 iter_args(%scan3A_18 = %scan3A) -> (i32)  : i32 {
      %mul3A_19 = arith.constant 16 : i32
      %mul3A_20 = arith.muli %scan3A_17, %mul3A_19 : i32
      %swap3A = arith.index_cast %mul3A_20 : i32 to index
      %swap3A_21 = tpu.vector_load %arg5[%swap3A] {strides = array<i32>} : memref<2160xi32, #tpu.memory_space<vmem>>, vector<16xi32>,
      tpu.vector_store %arg5[%swap3A], %broadcast_in_dim3A_3 {strides = array<i32>} : memref<2160xi32, #tpu.memory_space<vmem>>, vector<16xi32>,
      %scan3A_22 = arith.constant 0 : i32
      scf.yield %scan3A_22 : i32
    }
    %scan3A_9 = arith.constant 135 : i32
    %iota3A = tpu.iota {dimensions = array<i32: 0>} : vector<16xi32>
    %scan3A_10 = arith.constant 0 : i32
    %scan3A_11 = arith.constant 0 : i32
    %scan3A_12 = arith.constant 640 : i32
    %scan3A_13 = arith.addi %scan3A_11, %scan3A_12 : i32
    %scan3A_14 = arith.constant 1 : i32
    %scan3A_15 = scf.for %scan3A_17 = %scan3A_11 to %scan3A_13 step %scan3A_14 iter_args(%scan3A_18 = %scan3A_10) -> (i32)  : i32 {
      %mul3A_19 = arith.constant 16 : i32
      %mul3A_20 = arith.muli %scan3A_17, %mul3A_19 : i32
      %get3A = arith.index_cast %mul3A_20 : i32 to index
      %get3A_21 = tpu.vector_load %arg4[%get3A] {strides = array<i32>} : memref<10240xi32, #tpu.memory_space<vmem>>, vector<16xi32>,
      %mul3A_22 = arith.constant 16 : i32
      %mul3A_23 = arith.muli %scan3A_17, %mul3A_22 : i32
      %add3A_24 = vector.broadcast %mul3A_23 : i32 to vector<16xi32>
      %add3A_25 = arith.addi %add3A_24, %iota3A : vector<16xi32>
      %ge3A = vector.broadcast %mul3A_2 : i32 to vector<16xi32>
      %ge3A_26 = arith.cmpi sge, %get3A_21, %ge3A : vector<16xi32>
      %add3A_27 = arith.constant 2160 : i32
      %add3A_28 = arith.addi %mul3A_2, %add3A_27 : i32
      %lt3A = vector.broadcast %add3A_28 : i32 to vector<16xi32>
      %lt3A_29 = arith.cmpi slt, %get3A_21, %lt3A : vector<16xi32>
      %and3A = arith.andi %ge3A_26, %lt3A_29 : vector<16xi1>
      %sub3A = vector.broadcast %mul3A_2 : i32 to vector<16xi32>
      %sub3A_30 = arith.subi %get3A_21, %sub3A : vector<16xi32>
      %jit3A = arith.constant 0 : i32
      %jit3A_31 = arith.constant 2159 : i32
      %max3A = vector.broadcast %jit3A : i32 to vector<16xi32>
      %max3A_32 = arith.maxsi %max3A, %sub3A_30 : vector<16xi32>
      %min3A = vector.broadcast %jit3A_31 : i32 to vector<16xi32>
      %min3A_33 = arith.minsi %min3A, %max3A_32 : vector<16xi32>
      tpu.vector_store_idx %arg5[%min3A_33], %add3A_25 masked %and3A : memref<2160xi32, #tpu.memory_space<vmem>>[vector<16xi32>], vector<16xi32>, vector<16xi1>
      %scan3A_34 = arith.constant 0 : i32
      scf.yield %scan3A_34 : i32
    }
    %scan3A_16 = arith.constant 640 : i32
    "tpu.region"() ({
      %run_scoped3A = tpu.sem_alloc : memref<!tpu.dma_semaphore, #tpu.memory_space<semaphore_mem>>
      %dma_start3A = tpu.memref_slice %arg3[%mul3A_2] : memref<69120xi32, #tpu.memory_space<hbm>> -> memref<2160xi32, #tpu.memory_space<hbm>>
      %dma_start3A_17 = tpu.memref_slice %arg3[%mul3A_2] : memref<69120xi32, #tpu.memory_space<hbm>> -> memref<2160xi32, #tpu.memory_space<hbm>>
      tpu.enqueue_dma source(%arg5 : memref<2160xi32, #tpu.memory_space<vmem>>) target(%dma_start3A_17 : memref<2160xi32, #tpu.memory_space<hbm>>) target_semaphore(%run_scoped3A : memref<!tpu.dma_semaphore, #tpu.memory_space<semaphore_mem>>)
      %dma_wait3A = tpu.memref_slice %arg3[%mul3A_2] : memref<69120xi32, #tpu.memory_space<hbm>> -> memref<2160xi32, #tpu.memory_space<hbm>>
      %dma_wait3A_18 = tpu.memref_slice %arg3[%mul3A_2] : memref<69120xi32, #tpu.memory_space<hbm>> -> memref<2160xi32, #tpu.memory_space<hbm>>
      tpu.wait_dma2 semaphore(%run_scoped3A : memref<!tpu.dma_semaphore, #tpu.memory_space<semaphore_mem>>) src(%arg5 : memref<2160xi32, #tpu.memory_space<vmem>>) dst(%dma_wait3A_18 : memref<2160xi32, #tpu.memory_space<hbm>>)
      tpu.yield
    }) : () -> ()
    return
  }
}

#map = affine_map<(d0, d1) -> (0)>
#map1 = affine_map<(d0, d1) -> (0, 0)>
module attributes {stable_mosaic.version = 14 : i64} {
  func.func @_k3_body(%arg0: i32, %arg1: i32, %arg2: memref<10240xf32, #tpu.memory_space<hbm>>, %arg3: memref<10240xf32, #tpu.memory_space<hbm>>, %arg4: memref<10240xf32, #tpu.memory_space<hbm>>, %arg5: memref<69120xi32, #tpu.memory_space<hbm>>, %arg6: memref<10240x32xi32, #tpu.memory_space<hbm>>, %arg7: memref<10240x32xf32, #tpu.memory_space<hbm>>, %arg8: memref<10240x32xf32, #tpu.memory_space<hbm>>, %arg9: memref<10240x32xf32, #tpu.memory_space<hbm>>, %arg10: memref<10240xf32, #tpu.memory_space<vmem>>, %arg11: memref<10240xf32, #tpu.memory_space<vmem>>, %arg12: memref<10240xf32, #tpu.memory_space<vmem>>, %arg13: memref<69120xi32, #tpu.memory_space<vmem>>, %arg14: memref<16x32xi32, #tpu.memory_space<vmem>>, %arg15: memref<16x32xf32, #tpu.memory_space<vmem>>, %arg16: memref<16x32xf32, #tpu.memory_space<vmem>>, %arg17: memref<16x32xf32, #tpu.memory_space<vmem>>) attributes {dimension_semantics = [#tpu.dimension_semantics<core_parallel>, #tpu.dimension_semantics<subcore_parallel>], iteration_bounds = array<i64: 2, 16>, scalar_prefetch = 0 : i64, scratch_operands = 8 : i64, tpu.core_type = #tpu.core_type<sc_vector_subcore>, window_params = [{transform_indices = #map}, {transform_indices = #map}, {transform_indices = #map}, {transform_indices = #map}, {transform_indices = #map1}, {transform_indices = #map1}, {transform_indices = #map1}, {transform_indices = #map1}]} {
    %mul3A = arith.constant 2 : i32
    %mul3A_0 = arith.muli %arg1, %mul3A : i32
    %add3A = arith.addi %mul3A_0, %arg0 : i32
    "tpu.region"() ({
      %run_scoped3A = tpu.sem_alloc : memref<!tpu.dma_semaphore, #tpu.memory_space<semaphore_mem>>
      tpu.enqueue_dma source(%arg2 : memref<10240xf32, #tpu.memory_space<hbm>>) target(%arg10 : memref<10240xf32, #tpu.memory_space<vmem>>) target_semaphore(%run_scoped3A : memref<!tpu.dma_semaphore, #tpu.memory_space<semaphore_mem>>)
      tpu.wait_dma2 semaphore(%run_scoped3A : memref<!tpu.dma_semaphore, #tpu.memory_space<semaphore_mem>>) src(%arg2 : memref<10240xf32, #tpu.memory_space<hbm>>) dst(%arg10 : memref<10240xf32, #tpu.memory_space<vmem>>)
      tpu.yield
    }) : () -> ()
    "tpu.region"() ({
      %run_scoped3A = tpu.sem_alloc : memref<!tpu.dma_semaphore, #tpu.memory_space<semaphore_mem>>
      tpu.enqueue_dma source(%arg3 : memref<10240xf32, #tpu.memory_space<hbm>>) target(%arg11 : memref<10240xf32, #tpu.memory_space<vmem>>) target_semaphore(%run_scoped3A : memref<!tpu.dma_semaphore, #tpu.memory_space<semaphore_mem>>)
      tpu.wait_dma2 semaphore(%run_scoped3A : memref<!tpu.dma_semaphore, #tpu.memory_space<semaphore_mem>>) src(%arg3 : memref<10240xf32, #tpu.memory_space<hbm>>) dst(%arg11 : memref<10240xf32, #tpu.memory_space<vmem>>)
      tpu.yield
    }) : () -> ()
    "tpu.region"() ({
      %run_scoped3A = tpu.sem_alloc : memref<!tpu.dma_semaphore, #tpu.memory_space<semaphore_mem>>
      tpu.enqueue_dma source(%arg4 : memref<10240xf32, #tpu.memory_space<hbm>>) target(%arg12 : memref<10240xf32, #tpu.memory_space<vmem>>) target_semaphore(%run_scoped3A : memref<!tpu.dma_semaphore, #tpu.memory_space<semaphore_mem>>)
      tpu.wait_dma2 semaphore(%run_scoped3A : memref<!tpu.dma_semaphore, #tpu.memory_space<semaphore_mem>>) src(%arg4 : memref<10240xf32, #tpu.memory_space<hbm>>) dst(%arg12 : memref<10240xf32, #tpu.memory_space<vmem>>)
      tpu.yield
    }) : () -> ()
    "tpu.region"() ({
      %run_scoped3A = tpu.sem_alloc : memref<!tpu.dma_semaphore, #tpu.memory_space<semaphore_mem>>
      tpu.enqueue_dma source(%arg5 : memref<69120xi32, #tpu.memory_space<hbm>>) target(%arg13 : memref<69120xi32, #tpu.memory_space<vmem>>) target_semaphore(%run_scoped3A : memref<!tpu.dma_semaphore, #tpu.memory_space<semaphore_mem>>)
      tpu.wait_dma2 semaphore(%run_scoped3A : memref<!tpu.dma_semaphore, #tpu.memory_space<semaphore_mem>>) src(%arg5 : memref<69120xi32, #tpu.memory_space<hbm>>) dst(%arg13 : memref<69120xi32, #tpu.memory_space<vmem>>)
      tpu.yield
    }) : () -> ()
    %iota3A = tpu.iota {dimensions = array<i32: 0>} : vector<16xi32>
    %broadcast_in_dim3A = arith.constant 10000 : i32
    %broadcast_in_dim3A_1 = vector.broadcast %broadcast_in_dim3A : i32 to vector<16xi32>
    %broadcast_in_dim3A_2 = arith.constant 2.000000e+00 : f32
    %broadcast_in_dim3A_3 = vector.broadcast %broadcast_in_dim3A_2 : f32 to vector<16xf32>
    %scan3A = arith.constant 0 : i32
    %scan3A_4 = arith.constant 0 : i32
    %scan3A_5 = arith.constant 20 : i32
    %scan3A_6 = arith.addi %scan3A_4, %scan3A_5 : i32
    %scan3A_7 = arith.constant 1 : i32
    %scan3A_8 = scf.for %scan3A_10 = %scan3A_4 to %scan3A_6 step %scan3A_7 iter_args(%scan3A_11 = %scan3A) -> (i32)  : i32 {
      %mul3A_12 = arith.constant 320 : i32
      %mul3A_13 = arith.muli %add3A, %mul3A_12 : i32
      %mul3A_14 = arith.constant 16 : i32
      %mul3A_15 = arith.muli %scan3A_10, %mul3A_14 : i32
      %add3A_16 = arith.addi %mul3A_13, %mul3A_15 : i32
      %get3A = arith.index_cast %add3A_16 : i32 to index
      %get3A_17 = tpu.vector_load %arg10[%get3A] {strides = array<i32>} : memref<10240xf32, #tpu.memory_space<vmem>>, vector<16xf32>,
      %get3A_18 = arith.index_cast %add3A_16 : i32 to index
      %get3A_19 = tpu.vector_load %arg11[%get3A_18] {strides = array<i32>} : memref<10240xf32, #tpu.memory_space<vmem>>, vector<16xf32>,
      %get3A_20 = arith.index_cast %add3A_16 : i32 to index
      %get3A_21 = tpu.vector_load %arg12[%get3A_20] {strides = array<i32>} : memref<10240xf32, #tpu.memory_space<vmem>>, vector<16xf32>,
      %add3A_22 = vector.broadcast %add3A_16 : i32 to vector<16xi32>
      %add3A_23 = arith.addi %add3A_22, %iota3A : vector<16xi32>
      %mul3A_24 = arith.constant 1.000000e+01 : f32
      %mul3A_25 = vector.broadcast %mul3A_24 : f32 to vector<16xf32>
      %mul3A_26 = arith.mulf %get3A_17, %mul3A_25 : vector<16xf32>
      %convert_element_type3A = arith.fptosi %mul3A_26 : vector<16xf32> to vector<16xi32>
      %mul3A_27 = arith.constant 1.000000e+01 : f32
      %mul3A_28 = vector.broadcast %mul3A_27 : f32 to vector<16xf32>
      %mul3A_29 = arith.mulf %get3A_19, %mul3A_28 : vector<16xf32>
      %convert_element_type3A_30 = arith.fptosi %mul3A_29 : vector<16xf32> to vector<16xi32>
      %mul3A_31 = arith.constant 1.000000e+01 : f32
      %mul3A_32 = vector.broadcast %mul3A_31 : f32 to vector<16xf32>
      %mul3A_33 = arith.mulf %get3A_21, %mul3A_32 : vector<16xf32>
      %convert_element_type3A_34 = arith.fptosi %mul3A_33 : vector<16xf32> to vector<16xi32>
      %jit3A = arith.constant 0 : i32
      %jit3A_35 = arith.constant 9 : i32
      %max3A = vector.broadcast %jit3A : i32 to vector<16xi32>
      %max3A_36 = arith.maxsi %max3A, %convert_element_type3A : vector<16xi32>
      %min3A = vector.broadcast %jit3A_35 : i32 to vector<16xi32>
      %min3A_37 = arith.minsi %min3A, %max3A_36 : vector<16xi32>
      %add3A_38 = arith.constant 1 : i32
      %add3A_39 = vector.broadcast %add3A_38 : i32 to vector<16xi32>
      %add3A_40 = arith.addi %min3A_37, %add3A_39 : vector<16xi32>
      %jit3A_41 = arith.constant 0 : i32
      %jit3A_42 = arith.constant 9 : i32
      %max3A_43 = vector.broadcast %jit3A_41 : i32 to vector<16xi32>
      %max3A_44 = arith.maxsi %max3A_43, %convert_element_type3A_30 : vector<16xi32>
      %min3A_45 = vector.broadcast %jit3A_42 : i32 to vector<16xi32>
      %min3A_46 = arith.minsi %min3A_45, %max3A_44 : vector<16xi32>
      %add3A_47 = arith.constant 1 : i32
      %add3A_48 = vector.broadcast %add3A_47 : i32 to vector<16xi32>
      %add3A_49 = arith.addi %min3A_46, %add3A_48 : vector<16xi32>
      %jit3A_50 = arith.constant 0 : i32
      %jit3A_51 = arith.constant 9 : i32
      %max3A_52 = vector.broadcast %jit3A_50 : i32 to vector<16xi32>
      %max3A_53 = arith.maxsi %max3A_52, %convert_element_type3A_34 : vector<16xi32>
      %min3A_54 = vector.broadcast %jit3A_51 : i32 to vector<16xi32>
      %min3A_55 = arith.minsi %min3A_54, %max3A_53 : vector<16xi32>
      %add3A_56 = arith.constant 1 : i32
      %add3A_57 = vector.broadcast %add3A_56 : i32 to vector<16xi32>
      %add3A_58 = arith.addi %min3A_55, %add3A_57 : vector<16xi32>
      %mul3A_59 = arith.constant 1.000000e+01 : f32
      %mul3A_60 = vector.broadcast %mul3A_59 : f32 to vector<16xf32>
      %mul3A_61 = arith.mulf %get3A_17, %mul3A_60 : vector<16xf32>
      %convert_element_type3A_62 = arith.sitofp %convert_element_type3A : vector<16xi32> to vector<16xf32>
      %sub3A = arith.subf %mul3A_61, %convert_element_type3A_62 : vector<16xf32>
      %ge3A = arith.constant 5.000000e-01 : f32
      %ge3A_63 = vector.broadcast %ge3A : f32 to vector<16xf32>
      %ge3A_64 = arith.cmpf oge, %sub3A, %ge3A_63 : vector<16xf32>
      %jit3A_65 = arith.constant 1 : i32
      %jit3A_66 = arith.constant -1 : i32
      %broadcast_in_dim3A_67 = vector.broadcast %jit3A_65 : i32 to vector<16xi32>
      %broadcast_in_dim3A_68 = vector.broadcast %jit3A_66 : i32 to vector<16xi32>
      %select_n3A = arith.select %ge3A_64, %broadcast_in_dim3A_67, %broadcast_in_dim3A_68 : vector<16xi1>, vector<16xi32>
      %mul3A_69 = arith.constant 1.000000e+01 : f32
      %mul3A_70 = vector.broadcast %mul3A_69 : f32 to vector<16xf32>
      %mul3A_71 = arith.mulf %get3A_19, %mul3A_70 : vector<16xf32>
      %convert_element_type3A_72 = arith.sitofp %convert_element_type3A_30 : vector<16xi32> to vector<16xf32>
      %sub3A_73 = arith.subf %mul3A_71, %convert_element_type3A_72 : vector<16xf32>
      %ge3A_74 = arith.constant 5.000000e-01 : f32
      %ge3A_75 = vector.broadcast %ge3A_74 : f32 to vector<16xf32>
      %ge3A_76 = arith.cmpf oge, %sub3A_73, %ge3A_75 : vector<16xf32>
      %jit3A_77 = arith.constant 1 : i32
      %jit3A_78 = arith.constant -1 : i32
      %broadcast_in_dim3A_79 = vector.broadcast %jit3A_77 : i32 to vector<16xi32>
      %broadcast_in_dim3A_80 = vector.broadcast %jit3A_78 : i32 to vector<16xi32>
      %select_n3A_81 = arith.select %ge3A_76, %broadcast_in_dim3A_79, %broadcast_in_dim3A_80 : vector<16xi1>, vector<16xi32>
      %mul3A_82 = arith.constant 1.000000e+01 : f32
      %mul3A_83 = vector.broadcast %mul3A_82 : f32 to vector<16xf32>
      %mul3A_84 = arith.mulf %get3A_21, %mul3A_83 : vector<16xf32>
      %convert_element_type3A_85 = arith.sitofp %convert_element_type3A_34 : vector<16xi32> to vector<16xf32>
      %sub3A_86 = arith.subf %mul3A_84, %convert_element_type3A_85 : vector<16xf32>
      %ge3A_87 = arith.constant 5.000000e-01 : f32
      %ge3A_88 = vector.broadcast %ge3A_87 : f32 to vector<16xf32>
      %ge3A_89 = arith.cmpf oge, %sub3A_86, %ge3A_88 : vector<16xf32>
      %jit3A_90 = arith.constant 1 : i32
      %jit3A_91 = arith.constant -1 : i32
      %broadcast_in_dim3A_92 = vector.broadcast %jit3A_90 : i32 to vector<16xi32>
      %broadcast_in_dim3A_93 = vector.broadcast %jit3A_91 : i32 to vector<16xi32>
      %select_n3A_94 = arith.select %ge3A_89, %broadcast_in_dim3A_92, %broadcast_in_dim3A_93 : vector<16xi1>, vector<16xi32>
      %swap3A = arith.constant 0 : i32
      %swap3A_95 = arith.index_cast %swap3A : i32 to index
      %swap3A_96 = arith.constant 0 : index
      %swap3A_97 = tpu.vector_load %arg14[%swap3A_95, %swap3A_96] {strides = array<i32>} : memref<16x32xi32, #tpu.memory_space<vmem>>, vector<16xi32>,
      tpu.vector_store %arg14[%swap3A_95, %swap3A_96], %broadcast_in_dim3A_1 {strides = array<i32>} : memref<16x32xi32, #tpu.memory_space<vmem>>, vector<16xi32>,
      %swap3A_98 = arith.constant 0 : i32
      %swap3A_99 = arith.index_cast %swap3A_98 : i32 to index
      %swap3A_100 = arith.constant 0 : index
      %swap3A_101 = tpu.vector_load %arg15[%swap3A_99, %swap3A_100] {strides = array<i32>} : memref<16x32xf32, #tpu.memory_space<vmem>>, vector<16xf32>,
      tpu.vector_store %arg15[%swap3A_99, %swap3A_100], %broadcast_in_dim3A_3 {strides = array<i32>} : memref<16x32xf32, #tpu.memory_space<vmem>>, vector<16xf32>,
      %swap3A_102 = arith.constant 0 : i32
      %swap3A_103 = arith.index_cast %swap3A_102 : i32 to index
      %swap3A_104 = arith.constant 0 : index
      %swap3A_105 = tpu.vector_load %arg16[%swap3A_103, %swap3A_104] {strides = array<i32>} : memref<16x32xf32, #tpu.memory_space<vmem>>, vector<16xf32>,
      tpu.vector_store %arg16[%swap3A_103, %swap3A_104], %broadcast_in_dim3A_3 {strides = array<i32>} : memref<16x32xf32, #tpu.memory_space<vmem>>, vector<16xf32>,
      %swap3A_106 = arith.constant 0 : i32
      %swap3A_107 = arith.index_cast %swap3A_106 : i32 to index
      %swap3A_108 = arith.constant 0 : index
      %swap3A_109 = tpu.vector_load %arg17[%swap3A_107, %swap3A_108] {strides = array<i32>} : memref<16x32xf32, #tpu.memory_space<vmem>>, vector<16xf32>,
      tpu.vector_store %arg17[%swap3A_107, %swap3A_108], %broadcast_in_dim3A_3 {strides = array<i32>} : memref<16x32xf32, #tpu.memory_space<vmem>>, vector<16xf32>,
      %swap3A_110 = arith.constant 1 : i32
      %swap3A_111 = arith.index_cast %swap3A_110 : i32 to index
      %swap3A_112 = arith.constant 0 : index
      %swap3A_113 = tpu.vector_load %arg14[%swap3A_111, %swap3A_112] {strides = array<i32>} : memref<16x32xi32, #tpu.memory_space<vmem>>, vector<16xi32>,
      tpu.vector_store %arg14[%swap3A_111, %swap3A_112], %broadcast_in_dim3A_1 {strides = array<i32>} : memref<16x32xi32, #tpu.memory_space<vmem>>, vector<16xi32>,
      %swap3A_114 = arith.constant 1 : i32
      %swap3A_115 = arith.index_cast %swap3A_114 : i32 to index
      %swap3A_116 = arith.constant 0 : index
      %swap3A_117 = tpu.vector_load %arg15[%swap3A_115, %swap3A_116] {strides = array<i32>} : memref<16x32xf32, #tpu.memory_space<vmem>>, vector<16xf32>,
      tpu.vector_store %arg15[%swap3A_115, %swap3A_116], %broadcast_in_dim3A_3 {strides = array<i32>} : memref<16x32xf32, #tpu.memory_space<vmem>>, vector<16xf32>,
      %swap3A_118 = arith.constant 1 : i32
      %swap3A_119 = arith.index_cast %swap3A_118 : i32 to index
      %swap3A_120 = arith.constant 0 : index
      %swap3A_121 = tpu.vector_load %arg16[%swap3A_119, %swap3A_120] {strides = array<i32>} : memref<16x32xf32, #tpu.memory_space<vmem>>, vector<16xf32>,
      tpu.vector_store %arg16[%swap3A_119, %swap3A_120], %broadcast_in_dim3A_3 {strides = array<i32>} : memref<16x32xf32, #tpu.memory_space<vmem>>, vector<16xf32>,
      %swap3A_122 = arith.constant 1 : i32
      %swap3A_123 = arith.index_cast %swap3A_122 : i32 to index
      %swap3A_124 = arith.constant 0 : index
      %swap3A_125 = tpu.vector_load %arg17[%swap3A_123, %swap3A_124] {strides = array<i32>} : memref<16x32xf32, #tpu.memory_space<vmem>>, vector<16xf32>,
      tpu.vector_store %arg17[%swap3A_123, %swap3A_124], %broadcast_in_dim3A_3 {strides = array<i32>} : memref<16x32xf32, #tpu.memory_space<vmem>>, vector<16xf32>,
      %swap3A_126 = arith.constant 2 : i32
      %swap3A_127 = arith.index_cast %swap3A_126 : i32 to index
      %swap3A_128 = arith.constant 0 : index
      %swap3A_129 = tpu.vector_load %arg14[%swap3A_127, %swap3A_128] {strides = array<i32>} : memref<16x32xi32, #tpu.memory_space<vmem>>, vector<16xi32>,
      tpu.vector_store %arg14[%swap3A_127, %swap3A_128], %broadcast_in_dim3A_1 {strides = array<i32>} : memref<16x32xi32, #tpu.memory_space<vmem>>, vector<16xi32>,
      %swap3A_130 = arith.constant 2 : i32
      %swap3A_131 = arith.index_cast %swap3A_130 : i32 to index
      %swap3A_132 = arith.constant 0 : index
      %swap3A_133 = tpu.vector_load %arg15[%swap3A_131, %swap3A_132] {strides = array<i32>} : memref<16x32xf32, #tpu.memory_space<vmem>>, vector<16xf32>,
      tpu.vector_store %arg15[%swap3A_131, %swap3A_132], %broadcast_in_dim3A_3 {strides = array<i32>} : memref<16x32xf32, #tpu.memory_space<vmem>>, vector<16xf32>,
      %swap3A_134 = arith.constant 2 : i32
      %swap3A_135 = arith.index_cast %swap3A_134 : i32 to index
      %swap3A_136 = arith.constant 0 : index
      %swap3A_137 = tpu.vector_load %arg16[%swap3A_135, %swap3A_136] {strides = array<i32>} : memref<16x32xf32, #tpu.memory_space<vmem>>, vector<16xf32>,
      tpu.vector_store %arg16[%swap3A_135, %swap3A_136], %broadcast_in_dim3A_3 {strides = array<i32>} : memref<16x32xf32, #tpu.memory_space<vmem>>, vector<16xf32>,
      %swap3A_138 = arith.constant 2 : i32
      %swap3A_139 = arith.index_cast %swap3A_138 : i32 to index
      %swap3A_140 = arith.constant 0 : index
      %swap3A_141 = tpu.vector_load %arg17[%swap3A_139, %swap3A_140] {strides = array<i32>} : memref<16x32xf32, #tpu.memory_space<vmem>>, vector<16xf32>,
      tpu.vector_store %arg17[%swap3A_139, %swap3A_140], %broadcast_in_dim3A_3 {strides = array<i32>} : memref<16x32xf32, #tpu.memory_space<vmem>>, vector<16xf32>,
      %swap3A_142 = arith.constant 3 : i32
      %swap3A_143 = arith.index_cast %swap3A_142 : i32 to index
      %swap3A_144 = arith.constant 0 : index
      %swap3A_145 = tpu.vector_load %arg14[%swap3A_143, %swap3A_144] {strides = array<i32>} : memref<16x32xi32, #tpu.memory_space<vmem>>, vector<16xi32>,
      tpu.vector_store %arg14[%swap3A_143, %swap3A_144], %broadcast_in_dim3A_1 {strides = array<i32>} : memref<16x32xi32, #tpu.memory_space<vmem>>, vector<16xi32>,
      %swap3A_146 = arith.constant 3 : i32
      %swap3A_147 = arith.index_cast %swap3A_146 : i32 to index
      %swap3A_148 = arith.constant 0 : index
      %swap3A_149 = tpu.vector_load %arg15[%swap3A_147, %swap3A_148] {strides = array<i32>} : memref<16x32xf32, #tpu.memory_space<vmem>>, vector<16xf32>,
      tpu.vector_store %arg15[%swap3A_147, %swap3A_148], %broadcast_in_dim3A_3 {strides = array<i32>} : memref<16x32xf32, #tpu.memory_space<vmem>>, vector<16xf32>,
      %swap3A_150 = arith.constant 3 : i32
      %swap3A_151 = arith.index_cast %swap3A_150 : i32 to index
      %swap3A_152 = arith.constant 0 : index
      %swap3A_153 = tpu.vector_load %arg16[%swap3A_151, %swap3A_152] {strides = array<i32>} : memref<16x32xf32, #tpu.memory_space<vmem>>, vector<16xf32>,
      tpu.vector_store %arg16[%swap3A_151, %swap3A_152], %broadcast_in_dim3A_3 {strides = array<i32>} : memref<16x32xf32, #tpu.memory_space<vmem>>, vector<16xf32>,
      %swap3A_154 = arith.constant 3 : i32
      %swap3A_155 = arith.index_cast %swap3A_154 : i32 to index
      %swap3A_156 = arith.constant 0 : index
      %swap3A_157 = tpu.vector_load %arg17[%swap3A_155, %swap3A_156] {strides = array<i32>} : memref<16x32xf32, #tpu.memory_space<vmem>>, vector<16xf32>,
      tpu.vector_store %arg17[%swap3A_155, %swap3A_156], %broadcast_in_dim3A_3 {strides = array<i32>} : memref<16x32xf32, #tpu.memory_space<vmem>>, vector<16xf32>,
      %swap3A_158 = arith.constant 4 : i32
      %swap3A_159 = arith.index_cast %swap3A_158 : i32 to index
      %swap3A_160 = arith.constant 0 : index
      %swap3A_161 = tpu.vector_load %arg14[%swap3A_159, %swap3A_160] {strides = array<i32>} : memref<16x32xi32, #tpu.memory_space<vmem>>, vector<16xi32>,
      tpu.vector_store %arg14[%swap3A_159, %swap3A_160], %broadcast_in_dim3A_1 {strides = array<i32>} : memref<16x32xi32, #tpu.memory_space<vmem>>, vector<16xi32>,
      %swap3A_162 = arith.constant 4 : i32
      %swap3A_163 = arith.index_cast %swap3A_162 : i32 to index
      %swap3A_164 = arith.constant 0 : index
      %swap3A_165 = tpu.vector_load %arg15[%swap3A_163, %swap3A_164] {strides = array<i32>} : memref<16x32xf32, #tpu.memory_space<vmem>>, vector<16xf32>,
      tpu.vector_store %arg15[%swap3A_163, %swap3A_164], %broadcast_in_dim3A_3 {strides = array<i32>} : memref<16x32xf32, #tpu.memory_space<vmem>>, vector<16xf32>,
      %swap3A_166 = arith.constant 4 : i32
      %swap3A_167 = arith.index_cast %swap3A_166 : i32 to index
      %swap3A_168 = arith.constant 0 : index
      %swap3A_169 = tpu.vector_load %arg16[%swap3A_167, %swap3A_168] {strides = array<i32>} : memref<16x32xf32, #tpu.memory_space<vmem>>, vector<16xf32>,
      tpu.vector_store %arg16[%swap3A_167, %swap3A_168], %broadcast_in_dim3A_3 {strides = array<i32>} : memref<16x32xf32, #tpu.memory_space<vmem>>, vector<16xf32>,
      %swap3A_170 = arith.constant 4 : i32
      %swap3A_171 = arith.index_cast %swap3A_170 : i32 to index
      %swap3A_172 = arith.constant 0 : index
      %swap3A_173 = tpu.vector_load %arg17[%swap3A_171, %swap3A_172] {strides = array<i32>} : memref<16x32xf32, #tpu.memory_space<vmem>>, vector<16xf32>,
      tpu.vector_store %arg17[%swap3A_171, %swap3A_172], %broadcast_in_dim3A_3 {strides = array<i32>} : memref<16x32xf32, #tpu.memory_space<vmem>>, vector<16xf32>,
      %swap3A_174 = arith.constant 5 : i32
      %swap3A_175 = arith.index_cast %swap3A_174 : i32 to index
      %swap3A_176 = arith.constant 0 : index
      %swap3A_177 = tpu.vector_load %arg14[%swap3A_175, %swap3A_176] {strides = array<i32>} : memref<16x32xi32, #tpu.memory_space<vmem>>, vector<16xi32>,
      tpu.vector_store %arg14[%swap3A_175, %swap3A_176], %broadcast_in_dim3A_1 {strides = array<i32>} : memref<16x32xi32, #tpu.memory_space<vmem>>, vector<16xi32>,
      %swap3A_178 = arith.constant 5 : i32
      %swap3A_179 = arith.index_cast %swap3A_178 : i32 to index
      %swap3A_180 = arith.constant 0 : index
      %swap3A_181 = tpu.vector_load %arg15[%swap3A_179, %swap3A_180] {strides = array<i32>} : memref<16x32xf32, #tpu.memory_space<vmem>>, vector<16xf32>,
      tpu.vector_store %arg15[%swap3A_179, %swap3A_180], %broadcast_in_dim3A_3 {strides = array<i32>} : memref<16x32xf32, #tpu.memory_space<vmem>>, vector<16xf32>,
      %swap3A_182 = arith.constant 5 : i32
      %swap3A_183 = arith.index_cast %swap3A_182 : i32 to index
      %swap3A_184 = arith.constant 0 : index
      %swap3A_185 = tpu.vector_load %arg16[%swap3A_183, %swap3A_184] {strides = array<i32>} : memref<16x32xf32, #tpu.memory_space<vmem>>, vector<16xf32>,
      tpu.vector_store %arg16[%swap3A_183, %swap3A_184], %broadcast_in_dim3A_3 {strides = array<i32>} : memref<16x32xf32, #tpu.memory_space<vmem>>, vector<16xf32>,
      %swap3A_186 = arith.constant 5 : i32
      %swap3A_187 = arith.index_cast %swap3A_186 : i32 to index
      %swap3A_188 = arith.constant 0 : index
      %swap3A_189 = tpu.vector_load %arg17[%swap3A_187, %swap3A_188] {strides = array<i32>} : memref<16x32xf32, #tpu.memory_space<vmem>>, vector<16xf32>,
      tpu.vector_store %arg17[%swap3A_187, %swap3A_188], %broadcast_in_dim3A_3 {strides = array<i32>} : memref<16x32xf32, #tpu.memory_space<vmem>>, vector<16xf32>,
      %swap3A_190 = arith.constant 6 : i32
      %swap3A_191 = arith.index_cast %swap3A_190 : i32 to index
      %swap3A_192 = arith.constant 0 : index
      %swap3A_193 = tpu.vector_load %arg14[%swap3A_191, %swap3A_192] {strides = array<i32>} : memref<16x32xi32, #tpu.memory_space<vmem>>, vector<16xi32>,
      tpu.vector_store %arg14[%swap3A_191, %swap3A_192], %broadcast_in_dim3A_1 {strides = array<i32>} : memref<16x32xi32, #tpu.memory_space<vmem>>, vector<16xi32>,
      %swap3A_194 = arith.constant 6 : i32
      %swap3A_195 = arith.index_cast %swap3A_194 : i32 to index
      %swap3A_196 = arith.constant 0 : index
      %swap3A_197 = tpu.vector_load %arg15[%swap3A_195, %swap3A_196] {strides = array<i32>} : memref<16x32xf32, #tpu.memory_space<vmem>>, vector<16xf32>,
      tpu.vector_store %arg15[%swap3A_195, %swap3A_196], %broadcast_in_dim3A_3 {strides = array<i32>} : memref<16x32xf32, #tpu.memory_space<vmem>>, vector<16xf32>,
      %swap3A_198 = arith.constant 6 : i32
      %swap3A_199 = arith.index_cast %swap3A_198 : i32 to index
      %swap3A_200 = arith.constant 0 : index
      %swap3A_201 = tpu.vector_load %arg16[%swap3A_199, %swap3A_200] {strides = array<i32>} : memref<16x32xf32, #tpu.memory_space<vmem>>, vector<16xf32>,
      tpu.vector_store %arg16[%swap3A_199, %swap3A_200], %broadcast_in_dim3A_3 {strides = array<i32>} : memref<16x32xf32, #tpu.memory_space<vmem>>, vector<16xf32>,
      %swap3A_202 = arith.constant 6 : i32
      %swap3A_203 = arith.index_cast %swap3A_202 : i32 to index
      %swap3A_204 = arith.constant 0 : index
      %swap3A_205 = tpu.vector_load %arg17[%swap3A_203, %swap3A_204] {strides = array<i32>} : memref<16x32xf32, #tpu.memory_space<vmem>>, vector<16xf32>,
      tpu.vector_store %arg17[%swap3A_203, %swap3A_204], %broadcast_in_dim3A_3 {strides = array<i32>} : memref<16x32xf32, #tpu.memory_space<vmem>>, vector<16xf32>,
      %swap3A_206 = arith.constant 7 : i32
      %swap3A_207 = arith.index_cast %swap3A_206 : i32 to index
      %swap3A_208 = arith.constant 0 : index
      %swap3A_209 = tpu.vector_load %arg14[%swap3A_207, %swap3A_208] {strides = array<i32>} : memref<16x32xi32, #tpu.memory_space<vmem>>, vector<16xi32>,
      tpu.vector_store %arg14[%swap3A_207, %swap3A_208], %broadcast_in_dim3A_1 {strides = array<i32>} : memref<16x32xi32, #tpu.memory_space<vmem>>, vector<16xi32>,
      %swap3A_210 = arith.constant 7 : i32
      %swap3A_211 = arith.index_cast %swap3A_210 : i32 to index
      %swap3A_212 = arith.constant 0 : index
      %swap3A_213 = tpu.vector_load %arg15[%swap3A_211, %swap3A_212] {strides = array<i32>} : memref<16x32xf32, #tpu.memory_space<vmem>>, vector<16xf32>,
      tpu.vector_store %arg15[%swap3A_211, %swap3A_212], %broadcast_in_dim3A_3 {strides = array<i32>} : memref<16x32xf32, #tpu.memory_space<vmem>>, vector<16xf32>,
      %swap3A_214 = arith.constant 7 : i32
      %swap3A_215 = arith.index_cast %swap3A_214 : i32 to index
      %swap3A_216 = arith.constant 0 : index
      %swap3A_217 = tpu.vector_load %arg16[%swap3A_215, %swap3A_216] {strides = array<i32>} : memref<16x32xf32, #tpu.memory_space<vmem>>, vector<16xf32>,
      tpu.vector_store %arg16[%swap3A_215, %swap3A_216], %broadcast_in_dim3A_3 {strides = array<i32>} : memref<16x32xf32, #tpu.memory_space<vmem>>, vector<16xf32>,
      %swap3A_218 = arith.constant 7 : i32
      %swap3A_219 = arith.index_cast %swap3A_218 : i32 to index
      %swap3A_220 = arith.constant 0 : index
      %swap3A_221 = tpu.vector_load %arg17[%swap3A_219, %swap3A_220] {strides = array<i32>} : memref<16x32xf32, #tpu.memory_space<vmem>>, vector<16xf32>,
      tpu.vector_store %arg17[%swap3A_219, %swap3A_220], %broadcast_in_dim3A_3 {strides = array<i32>} : memref<16x32xf32, #tpu.memory_space<vmem>>, vector<16xf32>,
      %swap3A_222 = arith.constant 8 : i32
      %swap3A_223 = arith.index_cast %swap3A_222 : i32 to index
      %swap3A_224 = arith.constant 0 : index
      %swap3A_225 = tpu.vector_load %arg14[%swap3A_223, %swap3A_224] {strides = array<i32>} : memref<16x32xi32, #tpu.memory_space<vmem>>, vector<16xi32>,
      tpu.vector_store %arg14[%swap3A_223, %swap3A_224], %broadcast_in_dim3A_1 {strides = array<i32>} : memref<16x32xi32, #tpu.memory_space<vmem>>, vector<16xi32>,
      %swap3A_226 = arith.constant 8 : i32
      %swap3A_227 = arith.index_cast %swap3A_226 : i32 to index
      %swap3A_228 = arith.constant 0 : index
      %swap3A_229 = tpu.vector_load %arg15[%swap3A_227, %swap3A_228] {strides = array<i32>} : memref<16x32xf32, #tpu.memory_space<vmem>>, vector<16xf32>,
      tpu.vector_store %arg15[%swap3A_227, %swap3A_228], %broadcast_in_dim3A_3 {strides = array<i32>} : memref<16x32xf32, #tpu.memory_space<vmem>>, vector<16xf32>,
      %swap3A_230 = arith.constant 8 : i32
      %swap3A_231 = arith.index_cast %swap3A_230 : i32 to index
      %swap3A_232 = arith.constant 0 : index
      %swap3A_233 = tpu.vector_load %arg16[%swap3A_231, %swap3A_232] {strides = array<i32>} : memref<16x32xf32, #tpu.memory_space<vmem>>, vector<16xf32>,
      tpu.vector_store %arg16[%swap3A_231, %swap3A_232], %broadcast_in_dim3A_3 {strides = array<i32>} : memref<16x32xf32, #tpu.memory_space<vmem>>, vector<16xf32>,
      %swap3A_234 = arith.constant 8 : i32
      %swap3A_235 = arith.index_cast %swap3A_234 : i32 to index
      %swap3A_236 = arith.constant 0 : index
      %swap3A_237 = tpu.vector_load %arg17[%swap3A_235, %swap3A_236] {strides = array<i32>} : memref<16x32xf32, #tpu.memory_space<vmem>>, vector<16xf32>,
      tpu.vector_store %arg17[%swap3A_235, %swap3A_236], %broadcast_in_dim3A_3 {strides = array<i32>} : memref<16x32xf32, #tpu.memory_space<vmem>>, vector<16xf32>,
      %swap3A_238 = arith.constant 9 : i32
      %swap3A_239 = arith.index_cast %swap3A_238 : i32 to index
      %swap3A_240 = arith.constant 0 : index
      %swap3A_241 = tpu.vector_load %arg14[%swap3A_239, %swap3A_240] {strides = array<i32>} : memref<16x32xi32, #tpu.memory_space<vmem>>, vector<16xi32>,
      tpu.vector_store %arg14[%swap3A_239, %swap3A_240], %broadcast_in_dim3A_1 {strides = array<i32>} : memref<16x32xi32, #tpu.memory_space<vmem>>, vector<16xi32>,
      %swap3A_242 = arith.constant 9 : i32
      %swap3A_243 = arith.index_cast %swap3A_242 : i32 to index
      %swap3A_244 = arith.constant 0 : index
      %swap3A_245 = tpu.vector_load %arg15[%swap3A_243, %swap3A_244] {strides = array<i32>} : memref<16x32xf32, #tpu.memory_space<vmem>>, vector<16xf32>,
      tpu.vector_store %arg15[%swap3A_243, %swap3A_244], %broadcast_in_dim3A_3 {strides = array<i32>} : memref<16x32xf32, #tpu.memory_space<vmem>>, vector<16xf32>,
      %swap3A_246 = arith.constant 9 : i32
      %swap3A_247 = arith.index_cast %swap3A_246 : i32 to index
      %swap3A_248 = arith.constant 0 : index
      %swap3A_249 = tpu.vector_load %arg16[%swap3A_247, %swap3A_248] {strides = array<i32>} : memref<16x32xf32, #tpu.memory_space<vmem>>, vector<16xf32>,
      tpu.vector_store %arg16[%swap3A_247, %swap3A_248], %broadcast_in_dim3A_3 {strides = array<i32>} : memref<16x32xf32, #tpu.memory_space<vmem>>, vector<16xf32>,
      %swap3A_250 = arith.constant 9 : i32
      %swap3A_251 = arith.index_cast %swap3A_250 : i32 to index
      %swap3A_252 = arith.constant 0 : index
      %swap3A_253 = tpu.vector_load %arg17[%swap3A_251, %swap3A_252] {strides = array<i32>} : memref<16x32xf32, #tpu.memory_space<vmem>>, vector<16xf32>,
      tpu.vector_store %arg17[%swap3A_251, %swap3A_252], %broadcast_in_dim3A_3 {strides = array<i32>} : memref<16x32xf32, #tpu.memory_space<vmem>>, vector<16xf32>,
      %swap3A_254 = arith.constant 10 : i32
      %swap3A_255 = arith.index_cast %swap3A_254 : i32 to index
      %swap3A_256 = arith.constant 0 : index
      %swap3A_257 = tpu.vector_load %arg14[%swap3A_255, %swap3A_256] {strides = array<i32>} : memref<16x32xi32, #tpu.memory_space<vmem>>, vector<16xi32>,
      tpu.vector_store %arg14[%swap3A_255, %swap3A_256], %broadcast_in_dim3A_1 {strides = array<i32>} : memref<16x32xi32, #tpu.memory_space<vmem>>, vector<16xi32>,
      %swap3A_258 = arith.constant 10 : i32
      %swap3A_259 = arith.index_cast %swap3A_258 : i32 to index
      %swap3A_260 = arith.constant 0 : index
      %swap3A_261 = tpu.vector_load %arg15[%swap3A_259, %swap3A_260] {strides = array<i32>} : memref<16x32xf32, #tpu.memory_space<vmem>>, vector<16xf32>,
      tpu.vector_store %arg15[%swap3A_259, %swap3A_260], %broadcast_in_dim3A_3 {strides = array<i32>} : memref<16x32xf32, #tpu.memory_space<vmem>>, vector<16xf32>,
      %swap3A_262 = arith.constant 10 : i32
      %swap3A_263 = arith.index_cast %swap3A_262 : i32 to index
      %swap3A_264 = arith.constant 0 : index
      %swap3A_265 = tpu.vector_load %arg16[%swap3A_263, %swap3A_264] {strides = array<i32>} : memref<16x32xf32, #tpu.memory_space<vmem>>, vector<16xf32>,
      tpu.vector_store %arg16[%swap3A_263, %swap3A_264], %broadcast_in_dim3A_3 {strides = array<i32>} : memref<16x32xf32, #tpu.memory_space<vmem>>, vector<16xf32>,
      %swap3A_266 = arith.constant 10 : i32
      %swap3A_267 = arith.index_cast %swap3A_266 : i32 to index
      %swap3A_268 = arith.constant 0 : index
      %swap3A_269 = tpu.vector_load %arg17[%swap3A_267, %swap3A_268] {strides = array<i32>} : memref<16x32xf32, #tpu.memory_space<vmem>>, vector<16xf32>,
      tpu.vector_store %arg17[%swap3A_267, %swap3A_268], %broadcast_in_dim3A_3 {strides = array<i32>} : memref<16x32xf32, #tpu.memory_space<vmem>>, vector<16xf32>,
      %swap3A_270 = arith.constant 11 : i32
      %swap3A_271 = arith.index_cast %swap3A_270 : i32 to index
      %swap3A_272 = arith.constant 0 : index
      %swap3A_273 = tpu.vector_load %arg14[%swap3A_271, %swap3A_272] {strides = array<i32>} : memref<16x32xi32, #tpu.memory_space<vmem>>, vector<16xi32>,
      tpu.vector_store %arg14[%swap3A_271, %swap3A_272], %broadcast_in_dim3A_1 {strides = array<i32>} : memref<16x32xi32, #tpu.memory_space<vmem>>, vector<16xi32>,
      %swap3A_274 = arith.constant 11 : i32
      %swap3A_275 = arith.index_cast %swap3A_274 : i32 to index
      %swap3A_276 = arith.constant 0 : index
      %swap3A_277 = tpu.vector_load %arg15[%swap3A_275, %swap3A_276] {strides = array<i32>} : memref<16x32xf32, #tpu.memory_space<vmem>>, vector<16xf32>,
      tpu.vector_store %arg15[%swap3A_275, %swap3A_276], %broadcast_in_dim3A_3 {strides = array<i32>} : memref<16x32xf32, #tpu.memory_space<vmem>>, vector<16xf32>,
      %swap3A_278 = arith.constant 11 : i32
      %swap3A_279 = arith.index_cast %swap3A_278 : i32 to index
      %swap3A_280 = arith.constant 0 : index
      %swap3A_281 = tpu.vector_load %arg16[%swap3A_279, %swap3A_280] {strides = array<i32>} : memref<16x32xf32, #tpu.memory_space<vmem>>, vector<16xf32>,
      tpu.vector_store %arg16[%swap3A_279, %swap3A_280], %broadcast_in_dim3A_3 {strides = array<i32>} : memref<16x32xf32, #tpu.memory_space<vmem>>, vector<16xf32>,
      %swap3A_282 = arith.constant 11 : i32
      %swap3A_283 = arith.index_cast %swap3A_282 : i32 to index
      %swap3A_284 = arith.constant 0 : index
      %swap3A_285 = tpu.vector_load %arg17[%swap3A_283, %swap3A_284] {strides = array<i32>} : memref<16x32xf32, #tpu.memory_space<vmem>>, vector<16xf32>,
      tpu.vector_store %arg17[%swap3A_283, %swap3A_284], %broadcast_in_dim3A_3 {strides = array<i32>} : memref<16x32xf32, #tpu.memory_space<vmem>>, vector<16xf32>,
      %swap3A_286 = arith.constant 12 : i32
      %swap3A_287 = arith.index_cast %swap3A_286 : i32 to index
      %swap3A_288 = arith.constant 0 : index
      %swap3A_289 = tpu.vector_load %arg14[%swap3A_287, %swap3A_288] {strides = array<i32>} : memref<16x32xi32, #tpu.memory_space<vmem>>, vector<16xi32>,
      tpu.vector_store %arg14[%swap3A_287, %swap3A_288], %broadcast_in_dim3A_1 {strides = array<i32>} : memref<16x32xi32, #tpu.memory_space<vmem>>, vector<16xi32>,
      %swap3A_290 = arith.constant 12 : i32
      %swap3A_291 = arith.index_cast %swap3A_290 : i32 to index
      %swap3A_292 = arith.constant 0 : index
      %swap3A_293 = tpu.vector_load %arg15[%swap3A_291, %swap3A_292] {strides = array<i32>} : memref<16x32xf32, #tpu.memory_space<vmem>>, vector<16xf32>,
      tpu.vector_store %arg15[%swap3A_291, %swap3A_292], %broadcast_in_dim3A_3 {strides = array<i32>} : memref<16x32xf32, #tpu.memory_space<vmem>>, vector<16xf32>,
      %swap3A_294 = arith.constant 12 : i32
      %swap3A_295 = arith.index_cast %swap3A_294 : i32 to index
      %swap3A_296 = arith.constant 0 : index
      %swap3A_297 = tpu.vector_load %arg16[%swap3A_295, %swap3A_296] {strides = array<i32>} : memref<16x32xf32, #tpu.memory_space<vmem>>, vector<16xf32>,
      tpu.vector_store %arg16[%swap3A_295, %swap3A_296], %broadcast_in_dim3A_3 {strides = array<i32>} : memref<16x32xf32, #tpu.memory_space<vmem>>, vector<16xf32>,
      %swap3A_298 = arith.constant 12 : i32
      %swap3A_299 = arith.index_cast %swap3A_298 : i32 to index
      %swap3A_300 = arith.constant 0 : index
      %swap3A_301 = tpu.vector_load %arg17[%swap3A_299, %swap3A_300] {strides = array<i32>} : memref<16x32xf32, #tpu.memory_space<vmem>>, vector<16xf32>,
      tpu.vector_store %arg17[%swap3A_299, %swap3A_300], %broadcast_in_dim3A_3 {strides = array<i32>} : memref<16x32xf32, #tpu.memory_space<vmem>>, vector<16xf32>,
      %swap3A_302 = arith.constant 13 : i32
      %swap3A_303 = arith.index_cast %swap3A_302 : i32 to index
      %swap3A_304 = arith.constant 0 : index
      %swap3A_305 = tpu.vector_load %arg14[%swap3A_303, %swap3A_304] {strides = array<i32>} : memref<16x32xi32, #tpu.memory_space<vmem>>, vector<16xi32>,
      tpu.vector_store %arg14[%swap3A_303, %swap3A_304], %broadcast_in_dim3A_1 {strides = array<i32>} : memref<16x32xi32, #tpu.memory_space<vmem>>, vector<16xi32>,
      %swap3A_306 = arith.constant 13 : i32
      %swap3A_307 = arith.index_cast %swap3A_306 : i32 to index
      %swap3A_308 = arith.constant 0 : index
      %swap3A_309 = tpu.vector_load %arg15[%swap3A_307, %swap3A_308] {strides = array<i32>} : memref<16x32xf32, #tpu.memory_space<vmem>>, vector<16xf32>,
      tpu.vector_store %arg15[%swap3A_307, %swap3A_308], %broadcast_in_dim3A_3 {strides = array<i32>} : memref<16x32xf32, #tpu.memory_space<vmem>>, vector<16xf32>,
      %swap3A_310 = arith.constant 13 : i32
      %swap3A_311 = arith.index_cast %swap3A_310 : i32 to index
      %swap3A_312 = arith.constant 0 : index
      %swap3A_313 = tpu.vector_load %arg16[%swap3A_311, %swap3A_312] {strides = array<i32>} : memref<16x32xf32, #tpu.memory_space<vmem>>, vector<16xf32>,
      tpu.vector_store %arg16[%swap3A_311, %swap3A_312], %broadcast_in_dim3A_3 {strides = array<i32>} : memref<16x32xf32, #tpu.memory_space<vmem>>, vector<16xf32>,
      %swap3A_314 = arith.constant 13 : i32
      %swap3A_315 = arith.index_cast %swap3A_314 : i32 to index
      %swap3A_316 = arith.constant 0 : index
      %swap3A_317 = tpu.vector_load %arg17[%swap3A_315, %swap3A_316] {strides = array<i32>} : memref<16x32xf32, #tpu.memory_space<vmem>>, vector<16xf32>,
      tpu.vector_store %arg17[%swap3A_315, %swap3A_316], %broadcast_in_dim3A_3 {strides = array<i32>} : memref<16x32xf32, #tpu.memory_space<vmem>>, vector<16xf32>,
      %swap3A_318 = arith.constant 14 : i32
      %swap3A_319 = arith.index_cast %swap3A_318 : i32 to index
      %swap3A_320 = arith.constant 0 : index
      %swap3A_321 = tpu.vector_load %arg14[%swap3A_319, %swap3A_320] {strides = array<i32>} : memref<16x32xi32, #tpu.memory_space<vmem>>, vector<16xi32>,
      tpu.vector_store %arg14[%swap3A_319, %swap3A_320], %broadcast_in_dim3A_1 {strides = array<i32>} : memref<16x32xi32, #tpu.memory_space<vmem>>, vector<16xi32>,
      %swap3A_322 = arith.constant 14 : i32
      %swap3A_323 = arith.index_cast %swap3A_322 : i32 to index
      %swap3A_324 = arith.constant 0 : index
      %swap3A_325 = tpu.vector_load %arg15[%swap3A_323, %swap3A_324] {strides = array<i32>} : memref<16x32xf32, #tpu.memory_space<vmem>>, vector<16xf32>,
      tpu.vector_store %arg15[%swap3A_323, %swap3A_324], %broadcast_in_dim3A_3 {strides = array<i32>} : memref<16x32xf32, #tpu.memory_space<vmem>>, vector<16xf32>,
      %swap3A_326 = arith.constant 14 : i32
      %swap3A_327 = arith.index_cast %swap3A_326 : i32 to index
      %swap3A_328 = arith.constant 0 : index
      %swap3A_329 = tpu.vector_load %arg16[%swap3A_327, %swap3A_328] {strides = array<i32>} : memref<16x32xf32, #tpu.memory_space<vmem>>, vector<16xf32>,
      tpu.vector_store %arg16[%swap3A_327, %swap3A_328], %broadcast_in_dim3A_3 {strides = array<i32>} : memref<16x32xf32, #tpu.memory_space<vmem>>, vector<16xf32>,
      %swap3A_330 = arith.constant 14 : i32
      %swap3A_331 = arith.index_cast %swap3A_330 : i32 to index
      %swap3A_332 = arith.constant 0 : index
      %swap3A_333 = tpu.vector_load %arg17[%swap3A_331, %swap3A_332] {strides = array<i32>} : memref<16x32xf32, #tpu.memory_space<vmem>>, vector<16xf32>,
      tpu.vector_store %arg17[%swap3A_331, %swap3A_332], %broadcast_in_dim3A_3 {strides = array<i32>} : memref<16x32xf32, #tpu.memory_space<vmem>>, vector<16xf32>,
      %swap3A_334 = arith.constant 15 : i32
      %swap3A_335 = arith.index_cast %swap3A_334 : i32 to index
      %swap3A_336 = arith.constant 0 : index
      %swap3A_337 = tpu.vector_load %arg14[%swap3A_335, %swap3A_336] {strides = array<i32>} : memref<16x32xi32, #tpu.memory_space<vmem>>, vector<16xi32>,
      tpu.vector_store %arg14[%swap3A_335, %swap3A_336], %broadcast_in_dim3A_1 {strides = array<i32>} : memref<16x32xi32, #tpu.memory_space<vmem>>, vector<16xi32>,
      %swap3A_338 = arith.constant 15 : i32
      %swap3A_339 = arith.index_cast %swap3A_338 : i32 to index
      %swap3A_340 = arith.constant 0 : index
      %swap3A_341 = tpu.vector_load %arg15[%swap3A_339, %swap3A_340] {strides = array<i32>} : memref<16x32xf32, #tpu.memory_space<vmem>>, vector<16xf32>,
      tpu.vector_store %arg15[%swap3A_339, %swap3A_340], %broadcast_in_dim3A_3 {strides = array<i32>} : memref<16x32xf32, #tpu.memory_space<vmem>>, vector<16xf32>,
      %swap3A_342 = arith.constant 15 : i32
      %swap3A_343 = arith.index_cast %swap3A_342 : i32 to index
      %swap3A_344 = arith.constant 0 : index
      %swap3A_345 = tpu.vector_load %arg16[%swap3A_343, %swap3A_344] {strides = array<i32>} : memref<16x32xf32, #tpu.memory_space<vmem>>, vector<16xf32>,
      tpu.vector_store %arg16[%swap3A_343, %swap3A_344], %broadcast_in_dim3A_3 {strides = array<i32>} : memref<16x32xf32, #tpu.memory_space<vmem>>, vector<16xf32>,
      %swap3A_346 = arith.constant 15 : i32
      %swap3A_347 = arith.index_cast %swap3A_346 : i32 to index
      %swap3A_348 = arith.constant 0 : index
      %swap3A_349 = tpu.vector_load %arg17[%swap3A_347, %swap3A_348] {strides = array<i32>} : memref<16x32xf32, #tpu.memory_space<vmem>>, vector<16xf32>,
      tpu.vector_store %arg17[%swap3A_347, %swap3A_348], %broadcast_in_dim3A_3 {strides = array<i32>} : memref<16x32xf32, #tpu.memory_space<vmem>>, vector<16xf32>,
      %swap3A_350 = arith.constant 0 : i32
      %swap3A_351 = arith.index_cast %swap3A_350 : i32 to index
      %swap3A_352 = arith.constant 16 : index
      %swap3A_353 = tpu.vector_load %arg14[%swap3A_351, %swap3A_352] {strides = array<i32>} : memref<16x32xi32, #tpu.memory_space<vmem>>, vector<16xi32>,
      tpu.vector_store %arg14[%swap3A_351, %swap3A_352], %broadcast_in_dim3A_1 {strides = array<i32>} : memref<16x32xi32, #tpu.memory_space<vmem>>, vector<16xi32>,
      %swap3A_354 = arith.constant 0 : i32
      %swap3A_355 = arith.index_cast %swap3A_354 : i32 to index
      %swap3A_356 = arith.constant 16 : index
      %swap3A_357 = tpu.vector_load %arg15[%swap3A_355, %swap3A_356] {strides = array<i32>} : memref<16x32xf32, #tpu.memory_space<vmem>>, vector<16xf32>,
      tpu.vector_store %arg15[%swap3A_355, %swap3A_356], %broadcast_in_dim3A_3 {strides = array<i32>} : memref<16x32xf32, #tpu.memory_space<vmem>>, vector<16xf32>,
      %swap3A_358 = arith.constant 0 : i32
      %swap3A_359 = arith.index_cast %swap3A_358 : i32 to index
      %swap3A_360 = arith.constant 16 : index
      %swap3A_361 = tpu.vector_load %arg16[%swap3A_359, %swap3A_360] {strides = array<i32>} : memref<16x32xf32, #tpu.memory_space<vmem>>, vector<16xf32>,
      tpu.vector_store %arg16[%swap3A_359, %swap3A_360], %broadcast_in_dim3A_3 {strides = array<i32>} : memref<16x32xf32, #tpu.memory_space<vmem>>, vector<16xf32>,
      %swap3A_362 = arith.constant 0 : i32
      %swap3A_363 = arith.index_cast %swap3A_362 : i32 to index
      %swap3A_364 = arith.constant 16 : index
      %swap3A_365 = tpu.vector_load %arg17[%swap3A_363, %swap3A_364] {strides = array<i32>} : memref<16x32xf32, #tpu.memory_space<vmem>>, vector<16xf32>,
      tpu.vector_store %arg17[%swap3A_363, %swap3A_364], %broadcast_in_dim3A_3 {strides = array<i32>} : memref<16x32xf32, #tpu.memory_space<vmem>>, vector<16xf32>,
      %swap3A_366 = arith.constant 1 : i32
      %swap3A_367 = arith.index_cast %swap3A_366 : i32 to index
      %swap3A_368 = arith.constant 16 : index
      %swap3A_369 = tpu.vector_load %arg14[%swap3A_367, %swap3A_368] {strides = array<i32>} : memref<16x32xi32, #tpu.memory_space<vmem>>, vector<16xi32>,
      tpu.vector_store %arg14[%swap3A_367, %swap3A_368], %broadcast_in_dim3A_1 {strides = array<i32>} : memref<16x32xi32, #tpu.memory_space<vmem>>, vector<16xi32>,
      %swap3A_370 = arith.constant 1 : i32
      %swap3A_371 = arith.index_cast %swap3A_370 : i32 to index
      %swap3A_372 = arith.constant 16 : index
      %swap3A_373 = tpu.vector_load %arg15[%swap3A_371, %swap3A_372] {strides = array<i32>} : memref<16x32xf32, #tpu.memory_space<vmem>>, vector<16xf32>,
      tpu.vector_store %arg15[%swap3A_371, %swap3A_372], %broadcast_in_dim3A_3 {strides = array<i32>} : memref<16x32xf32, #tpu.memory_space<vmem>>, vector<16xf32>,
      %swap3A_374 = arith.constant 1 : i32
      %swap3A_375 = arith.index_cast %swap3A_374 : i32 to index
      %swap3A_376 = arith.constant 16 : index
      %swap3A_377 = tpu.vector_load %arg16[%swap3A_375, %swap3A_376] {strides = array<i32>} : memref<16x32xf32, #tpu.memory_space<vmem>>, vector<16xf32>,
      tpu.vector_store %arg16[%swap3A_375, %swap3A_376], %broadcast_in_dim3A_3 {strides = array<i32>} : memref<16x32xf32, #tpu.memory_space<vmem>>, vector<16xf32>,
      %swap3A_378 = arith.constant 1 : i32
      %swap3A_379 = arith.index_cast %swap3A_378 : i32 to index
      %swap3A_380 = arith.constant 16 : index
      %swap3A_381 = tpu.vector_load %arg17[%swap3A_379, %swap3A_380] {strides = array<i32>} : memref<16x32xf32, #tpu.memory_space<vmem>>, vector<16xf32>,
      tpu.vector_store %arg17[%swap3A_379, %swap3A_380], %broadcast_in_dim3A_3 {strides = array<i32>} : memref<16x32xf32, #tpu.memory_space<vmem>>, vector<16xf32>,
      %swap3A_382 = arith.constant 2 : i32
      %swap3A_383 = arith.index_cast %swap3A_382 : i32 to index
      %swap3A_384 = arith.constant 16 : index
      %swap3A_385 = tpu.vector_load %arg14[%swap3A_383, %swap3A_384] {strides = array<i32>} : memref<16x32xi32, #tpu.memory_space<vmem>>, vector<16xi32>,
      tpu.vector_store %arg14[%swap3A_383, %swap3A_384], %broadcast_in_dim3A_1 {strides = array<i32>} : memref<16x32xi32, #tpu.memory_space<vmem>>, vector<16xi32>,
      %swap3A_386 = arith.constant 2 : i32
      %swap3A_387 = arith.index_cast %swap3A_386 : i32 to index
      %swap3A_388 = arith.constant 16 : index
      %swap3A_389 = tpu.vector_load %arg15[%swap3A_387, %swap3A_388] {strides = array<i32>} : memref<16x32xf32, #tpu.memory_space<vmem>>, vector<16xf32>,
      tpu.vector_store %arg15[%swap3A_387, %swap3A_388], %broadcast_in_dim3A_3 {strides = array<i32>} : memref<16x32xf32, #tpu.memory_space<vmem>>, vector<16xf32>,
      %swap3A_390 = arith.constant 2 : i32
      %swap3A_391 = arith.index_cast %swap3A_390 : i32 to index
      %swap3A_392 = arith.constant 16 : index
      %swap3A_393 = tpu.vector_load %arg16[%swap3A_391, %swap3A_392] {strides = array<i32>} : memref<16x32xf32, #tpu.memory_space<vmem>>, vector<16xf32>,
      tpu.vector_store %arg16[%swap3A_391, %swap3A_392], %broadcast_in_dim3A_3 {strides = array<i32>} : memref<16x32xf32, #tpu.memory_space<vmem>>, vector<16xf32>,
      %swap3A_394 = arith.constant 2 : i32
      %swap3A_395 = arith.index_cast %swap3A_394 : i32 to index
      %swap3A_396 = arith.constant 16 : index
      %swap3A_397 = tpu.vector_load %arg17[%swap3A_395, %swap3A_396] {strides = array<i32>} : memref<16x32xf32, #tpu.memory_space<vmem>>, vector<16xf32>,
      tpu.vector_store %arg17[%swap3A_395, %swap3A_396], %broadcast_in_dim3A_3 {strides = array<i32>} : memref<16x32xf32, #tpu.memory_space<vmem>>, vector<16xf32>,
      %swap3A_398 = arith.constant 3 : i32
      %swap3A_399 = arith.index_cast %swap3A_398 : i32 to index
      %swap3A_400 = arith.constant 16 : index
      %swap3A_401 = tpu.vector_load %arg14[%swap3A_399, %swap3A_400] {strides = array<i32>} : memref<16x32xi32, #tpu.memory_space<vmem>>, vector<16xi32>,
      tpu.vector_store %arg14[%swap3A_399, %swap3A_400], %broadcast_in_dim3A_1 {strides = array<i32>} : memref<16x32xi32, #tpu.memory_space<vmem>>, vector<16xi32>,
      %swap3A_402 = arith.constant 3 : i32
      %swap3A_403 = arith.index_cast %swap3A_402 : i32 to index
      %swap3A_404 = arith.constant 16 : index
      %swap3A_405 = tpu.vector_load %arg15[%swap3A_403, %swap3A_404] {strides = array<i32>} : memref<16x32xf32, #tpu.memory_space<vmem>>, vector<16xf32>,
      tpu.vector_store %arg15[%swap3A_403, %swap3A_404], %broadcast_in_dim3A_3 {strides = array<i32>} : memref<16x32xf32, #tpu.memory_space<vmem>>, vector<16xf32>,
      %swap3A_406 = arith.constant 3 : i32
      %swap3A_407 = arith.index_cast %swap3A_406 : i32 to index
      %swap3A_408 = arith.constant 16 : index
      %swap3A_409 = tpu.vector_load %arg16[%swap3A_407, %swap3A_408] {strides = array<i32>} : memref<16x32xf32, #tpu.memory_space<vmem>>, vector<16xf32>,
      tpu.vector_store %arg16[%swap3A_407, %swap3A_408], %broadcast_in_dim3A_3 {strides = array<i32>} : memref<16x32xf32, #tpu.memory_space<vmem>>, vector<16xf32>,
      %swap3A_410 = arith.constant 3 : i32
      %swap3A_411 = arith.index_cast %swap3A_410 : i32 to index
      %swap3A_412 = arith.constant 16 : index
      %swap3A_413 = tpu.vector_load %arg17[%swap3A_411, %swap3A_412] {strides = array<i32>} : memref<16x32xf32, #tpu.memory_space<vmem>>, vector<16xf32>,
      tpu.vector_store %arg17[%swap3A_411, %swap3A_412], %broadcast_in_dim3A_3 {strides = array<i32>} : memref<16x32xf32, #tpu.memory_space<vmem>>, vector<16xf32>,
      %swap3A_414 = arith.constant 4 : i32
      %swap3A_415 = arith.index_cast %swap3A_414 : i32 to index
      %swap3A_416 = arith.constant 16 : index
      %swap3A_417 = tpu.vector_load %arg14[%swap3A_415, %swap3A_416] {strides = array<i32>} : memref<16x32xi32, #tpu.memory_space<vmem>>, vector<16xi32>,
      tpu.vector_store %arg14[%swap3A_415, %swap3A_416], %broadcast_in_dim3A_1 {strides = array<i32>} : memref<16x32xi32, #tpu.memory_space<vmem>>, vector<16xi32>,
      %swap3A_418 = arith.constant 4 : i32
      %swap3A_419 = arith.index_cast %swap3A_418 : i32 to index
      %swap3A_420 = arith.constant 16 : index
      %swap3A_421 = tpu.vector_load %arg15[%swap3A_419, %swap3A_420] {strides = array<i32>} : memref<16x32xf32, #tpu.memory_space<vmem>>, vector<16xf32>,
      tpu.vector_store %arg15[%swap3A_419, %swap3A_420], %broadcast_in_dim3A_3 {strides = array<i32>} : memref<16x32xf32, #tpu.memory_space<vmem>>, vector<16xf32>,
      %swap3A_422 = arith.constant 4 : i32
      %swap3A_423 = arith.index_cast %swap3A_422 : i32 to index
      %swap3A_424 = arith.constant 16 : index
      %swap3A_425 = tpu.vector_load %arg16[%swap3A_423, %swap3A_424] {strides = array<i32>} : memref<16x32xf32, #tpu.memory_space<vmem>>, vector<16xf32>,
      tpu.vector_store %arg16[%swap3A_423, %swap3A_424], %broadcast_in_dim3A_3 {strides = array<i32>} : memref<16x32xf32, #tpu.memory_space<vmem>>, vector<16xf32>,
      %swap3A_426 = arith.constant 4 : i32
      %swap3A_427 = arith.index_cast %swap3A_426 : i32 to index
      %swap3A_428 = arith.constant 16 : index
      %swap3A_429 = tpu.vector_load %arg17[%swap3A_427, %swap3A_428] {strides = array<i32>} : memref<16x32xf32, #tpu.memory_space<vmem>>, vector<16xf32>,
      tpu.vector_store %arg17[%swap3A_427, %swap3A_428], %broadcast_in_dim3A_3 {strides = array<i32>} : memref<16x32xf32, #tpu.memory_space<vmem>>, vector<16xf32>,
      %swap3A_430 = arith.constant 5 : i32
      %swap3A_431 = arith.index_cast %swap3A_430 : i32 to index
      %swap3A_432 = arith.constant 16 : index
      %swap3A_433 = tpu.vector_load %arg14[%swap3A_431, %swap3A_432] {strides = array<i32>} : memref<16x32xi32, #tpu.memory_space<vmem>>, vector<16xi32>,
      tpu.vector_store %arg14[%swap3A_431, %swap3A_432], %broadcast_in_dim3A_1 {strides = array<i32>} : memref<16x32xi32, #tpu.memory_space<vmem>>, vector<16xi32>,
      %swap3A_434 = arith.constant 5 : i32
      %swap3A_435 = arith.index_cast %swap3A_434 : i32 to index
      %swap3A_436 = arith.constant 16 : index
      %swap3A_437 = tpu.vector_load %arg15[%swap3A_435, %swap3A_436] {strides = array<i32>} : memref<16x32xf32, #tpu.memory_space<vmem>>, vector<16xf32>,
      tpu.vector_store %arg15[%swap3A_435, %swap3A_436], %broadcast_in_dim3A_3 {strides = array<i32>} : memref<16x32xf32, #tpu.memory_space<vmem>>, vector<16xf32>,
      %swap3A_438 = arith.constant 5 : i32
      %swap3A_439 = arith.index_cast %swap3A_438 : i32 to index
      %swap3A_440 = arith.constant 16 : index
      %swap3A_441 = tpu.vector_load %arg16[%swap3A_439, %swap3A_440] {strides = array<i32>} : memref<16x32xf32, #tpu.memory_space<vmem>>, vector<16xf32>,
      tpu.vector_store %arg16[%swap3A_439, %swap3A_440], %broadcast_in_dim3A_3 {strides = array<i32>} : memref<16x32xf32, #tpu.memory_space<vmem>>, vector<16xf32>,
      %swap3A_442 = arith.constant 5 : i32
      %swap3A_443 = arith.index_cast %swap3A_442 : i32 to index
      %swap3A_444 = arith.constant 16 : index
      %swap3A_445 = tpu.vector_load %arg17[%swap3A_443, %swap3A_444] {strides = array<i32>} : memref<16x32xf32, #tpu.memory_space<vmem>>, vector<16xf32>,
      tpu.vector_store %arg17[%swap3A_443, %swap3A_444], %broadcast_in_dim3A_3 {strides = array<i32>} : memref<16x32xf32, #tpu.memory_space<vmem>>, vector<16xf32>,
      %swap3A_446 = arith.constant 6 : i32
      %swap3A_447 = arith.index_cast %swap3A_446 : i32 to index
      %swap3A_448 = arith.constant 16 : index
      %swap3A_449 = tpu.vector_load %arg14[%swap3A_447, %swap3A_448] {strides = array<i32>} : memref<16x32xi32, #tpu.memory_space<vmem>>, vector<16xi32>,
      tpu.vector_store %arg14[%swap3A_447, %swap3A_448], %broadcast_in_dim3A_1 {strides = array<i32>} : memref<16x32xi32, #tpu.memory_space<vmem>>, vector<16xi32>,
      %swap3A_450 = arith.constant 6 : i32
      %swap3A_451 = arith.index_cast %swap3A_450 : i32 to index
      %swap3A_452 = arith.constant 16 : index
      %swap3A_453 = tpu.vector_load %arg15[%swap3A_451, %swap3A_452] {strides = array<i32>} : memref<16x32xf32, #tpu.memory_space<vmem>>, vector<16xf32>,
      tpu.vector_store %arg15[%swap3A_451, %swap3A_452], %broadcast_in_dim3A_3 {strides = array<i32>} : memref<16x32xf32, #tpu.memory_space<vmem>>, vector<16xf32>,
      %swap3A_454 = arith.constant 6 : i32
      %swap3A_455 = arith.index_cast %swap3A_454 : i32 to index
      %swap3A_456 = arith.constant 16 : index
      %swap3A_457 = tpu.vector_load %arg16[%swap3A_455, %swap3A_456] {strides = array<i32>} : memref<16x32xf32, #tpu.memory_space<vmem>>, vector<16xf32>,
      tpu.vector_store %arg16[%swap3A_455, %swap3A_456], %broadcast_in_dim3A_3 {strides = array<i32>} : memref<16x32xf32, #tpu.memory_space<vmem>>, vector<16xf32>,
      %swap3A_458 = arith.constant 6 : i32
      %swap3A_459 = arith.index_cast %swap3A_458 : i32 to index
      %swap3A_460 = arith.constant 16 : index
      %swap3A_461 = tpu.vector_load %arg17[%swap3A_459, %swap3A_460] {strides = array<i32>} : memref<16x32xf32, #tpu.memory_space<vmem>>, vector<16xf32>,
      tpu.vector_store %arg17[%swap3A_459, %swap3A_460], %broadcast_in_dim3A_3 {strides = array<i32>} : memref<16x32xf32, #tpu.memory_space<vmem>>, vector<16xf32>,
      %swap3A_462 = arith.constant 7 : i32
      %swap3A_463 = arith.index_cast %swap3A_462 : i32 to index
      %swap3A_464 = arith.constant 16 : index
      %swap3A_465 = tpu.vector_load %arg14[%swap3A_463, %swap3A_464] {strides = array<i32>} : memref<16x32xi32, #tpu.memory_space<vmem>>, vector<16xi32>,
      tpu.vector_store %arg14[%swap3A_463, %swap3A_464], %broadcast_in_dim3A_1 {strides = array<i32>} : memref<16x32xi32, #tpu.memory_space<vmem>>, vector<16xi32>,
      %swap3A_466 = arith.constant 7 : i32
      %swap3A_467 = arith.index_cast %swap3A_466 : i32 to index
      %swap3A_468 = arith.constant 16 : index
      %swap3A_469 = tpu.vector_load %arg15[%swap3A_467, %swap3A_468] {strides = array<i32>} : memref<16x32xf32, #tpu.memory_space<vmem>>, vector<16xf32>,
      tpu.vector_store %arg15[%swap3A_467, %swap3A_468], %broadcast_in_dim3A_3 {strides = array<i32>} : memref<16x32xf32, #tpu.memory_space<vmem>>, vector<16xf32>,
      %swap3A_470 = arith.constant 7 : i32
      %swap3A_471 = arith.index_cast %swap3A_470 : i32 to index
      %swap3A_472 = arith.constant 16 : index
      %swap3A_473 = tpu.vector_load %arg16[%swap3A_471, %swap3A_472] {strides = array<i32>} : memref<16x32xf32, #tpu.memory_space<vmem>>, vector<16xf32>,
      tpu.vector_store %arg16[%swap3A_471, %swap3A_472], %broadcast_in_dim3A_3 {strides = array<i32>} : memref<16x32xf32, #tpu.memory_space<vmem>>, vector<16xf32>,
      %swap3A_474 = arith.constant 7 : i32
      %swap3A_475 = arith.index_cast %swap3A_474 : i32 to index
      %swap3A_476 = arith.constant 16 : index
      %swap3A_477 = tpu.vector_load %arg17[%swap3A_475, %swap3A_476] {strides = array<i32>} : memref<16x32xf32, #tpu.memory_space<vmem>>, vector<16xf32>,
      tpu.vector_store %arg17[%swap3A_475, %swap3A_476], %broadcast_in_dim3A_3 {strides = array<i32>} : memref<16x32xf32, #tpu.memory_space<vmem>>, vector<16xf32>,
      %swap3A_478 = arith.constant 8 : i32
      %swap3A_479 = arith.index_cast %swap3A_478 : i32 to index
      %swap3A_480 = arith.constant 16 : index
      %swap3A_481 = tpu.vector_load %arg14[%swap3A_479, %swap3A_480] {strides = array<i32>} : memref<16x32xi32, #tpu.memory_space<vmem>>, vector<16xi32>,
      tpu.vector_store %arg14[%swap3A_479, %swap3A_480], %broadcast_in_dim3A_1 {strides = array<i32>} : memref<16x32xi32, #tpu.memory_space<vmem>>, vector<16xi32>,
      %swap3A_482 = arith.constant 8 : i32
      %swap3A_483 = arith.index_cast %swap3A_482 : i32 to index
      %swap3A_484 = arith.constant 16 : index
      %swap3A_485 = tpu.vector_load %arg15[%swap3A_483, %swap3A_484] {strides = array<i32>} : memref<16x32xf32, #tpu.memory_space<vmem>>, vector<16xf32>,
      tpu.vector_store %arg15[%swap3A_483, %swap3A_484], %broadcast_in_dim3A_3 {strides = array<i32>} : memref<16x32xf32, #tpu.memory_space<vmem>>, vector<16xf32>,
      %swap3A_486 = arith.constant 8 : i32
      %swap3A_487 = arith.index_cast %swap3A_486 : i32 to index
      %swap3A_488 = arith.constant 16 : index
      %swap3A_489 = tpu.vector_load %arg16[%swap3A_487, %swap3A_488] {strides = array<i32>} : memref<16x32xf32, #tpu.memory_space<vmem>>, vector<16xf32>,
      tpu.vector_store %arg16[%swap3A_487, %swap3A_488], %broadcast_in_dim3A_3 {strides = array<i32>} : memref<16x32xf32, #tpu.memory_space<vmem>>, vector<16xf32>,
      %swap3A_490 = arith.constant 8 : i32
      %swap3A_491 = arith.index_cast %swap3A_490 : i32 to index
      %swap3A_492 = arith.constant 16 : index
      %swap3A_493 = tpu.vector_load %arg17[%swap3A_491, %swap3A_492] {strides = array<i32>} : memref<16x32xf32, #tpu.memory_space<vmem>>, vector<16xf32>,
      tpu.vector_store %arg17[%swap3A_491, %swap3A_492], %broadcast_in_dim3A_3 {strides = array<i32>} : memref<16x32xf32, #tpu.memory_space<vmem>>, vector<16xf32>,
      %swap3A_494 = arith.constant 9 : i32
      %swap3A_495 = arith.index_cast %swap3A_494 : i32 to index
      %swap3A_496 = arith.constant 16 : index
      %swap3A_497 = tpu.vector_load %arg14[%swap3A_495, %swap3A_496] {strides = array<i32>} : memref<16x32xi32, #tpu.memory_space<vmem>>, vector<16xi32>,
      tpu.vector_store %arg14[%swap3A_495, %swap3A_496], %broadcast_in_dim3A_1 {strides = array<i32>} : memref<16x32xi32, #tpu.memory_space<vmem>>, vector<16xi32>,
      %swap3A_498 = arith.constant 9 : i32
      %swap3A_499 = arith.index_cast %swap3A_498 : i32 to index
      %swap3A_500 = arith.constant 16 : index
      %swap3A_501 = tpu.vector_load %arg15[%swap3A_499, %swap3A_500] {strides = array<i32>} : memref<16x32xf32, #tpu.memory_space<vmem>>, vector<16xf32>,
      tpu.vector_store %arg15[%swap3A_499, %swap3A_500], %broadcast_in_dim3A_3 {strides = array<i32>} : memref<16x32xf32, #tpu.memory_space<vmem>>, vector<16xf32>,
      %swap3A_502 = arith.constant 9 : i32
      %swap3A_503 = arith.index_cast %swap3A_502 : i32 to index
      %swap3A_504 = arith.constant 16 : index
      %swap3A_505 = tpu.vector_load %arg16[%swap3A_503, %swap3A_504] {strides = array<i32>} : memref<16x32xf32, #tpu.memory_space<vmem>>, vector<16xf32>,
      tpu.vector_store %arg16[%swap3A_503, %swap3A_504], %broadcast_in_dim3A_3 {strides = array<i32>} : memref<16x32xf32, #tpu.memory_space<vmem>>, vector<16xf32>,
      %swap3A_506 = arith.constant 9 : i32
      %swap3A_507 = arith.index_cast %swap3A_506 : i32 to index
      %swap3A_508 = arith.constant 16 : index
      %swap3A_509 = tpu.vector_load %arg17[%swap3A_507, %swap3A_508] {strides = array<i32>} : memref<16x32xf32, #tpu.memory_space<vmem>>, vector<16xf32>,
      tpu.vector_store %arg17[%swap3A_507, %swap3A_508], %broadcast_in_dim3A_3 {strides = array<i32>} : memref<16x32xf32, #tpu.memory_space<vmem>>, vector<16xf32>,
      %swap3A_510 = arith.constant 10 : i32
      %swap3A_511 = arith.index_cast %swap3A_510 : i32 to index
      %swap3A_512 = arith.constant 16 : index
      %swap3A_513 = tpu.vector_load %arg14[%swap3A_511, %swap3A_512] {strides = array<i32>} : memref<16x32xi32, #tpu.memory_space<vmem>>, vector<16xi32>,
      tpu.vector_store %arg14[%swap3A_511, %swap3A_512], %broadcast_in_dim3A_1 {strides = array<i32>} : memref<16x32xi32, #tpu.memory_space<vmem>>, vector<16xi32>,
      %swap3A_514 = arith.constant 10 : i32
      %swap3A_515 = arith.index_cast %swap3A_514 : i32 to index
      %swap3A_516 = arith.constant 16 : index
      %swap3A_517 = tpu.vector_load %arg15[%swap3A_515, %swap3A_516] {strides = array<i32>} : memref<16x32xf32, #tpu.memory_space<vmem>>, vector<16xf32>,
      tpu.vector_store %arg15[%swap3A_515, %swap3A_516], %broadcast_in_dim3A_3 {strides = array<i32>} : memref<16x32xf32, #tpu.memory_space<vmem>>, vector<16xf32>,
      %swap3A_518 = arith.constant 10 : i32
      %swap3A_519 = arith.index_cast %swap3A_518 : i32 to index
      %swap3A_520 = arith.constant 16 : index
      %swap3A_521 = tpu.vector_load %arg16[%swap3A_519, %swap3A_520] {strides = array<i32>} : memref<16x32xf32, #tpu.memory_space<vmem>>, vector<16xf32>,
      tpu.vector_store %arg16[%swap3A_519, %swap3A_520], %broadcast_in_dim3A_3 {strides = array<i32>} : memref<16x32xf32, #tpu.memory_space<vmem>>, vector<16xf32>,
      %swap3A_522 = arith.constant 10 : i32
      %swap3A_523 = arith.index_cast %swap3A_522 : i32 to index
      %swap3A_524 = arith.constant 16 : index
      %swap3A_525 = tpu.vector_load %arg17[%swap3A_523, %swap3A_524] {strides = array<i32>} : memref<16x32xf32, #tpu.memory_space<vmem>>, vector<16xf32>,
      tpu.vector_store %arg17[%swap3A_523, %swap3A_524], %broadcast_in_dim3A_3 {strides = array<i32>} : memref<16x32xf32, #tpu.memory_space<vmem>>, vector<16xf32>,
      %swap3A_526 = arith.constant 11 : i32
      %swap3A_527 = arith.index_cast %swap3A_526 : i32 to index
      %swap3A_528 = arith.constant 16 : index
      %swap3A_529 = tpu.vector_load %arg14[%swap3A_527, %swap3A_528] {strides = array<i32>} : memref<16x32xi32, #tpu.memory_space<vmem>>, vector<16xi32>,
      tpu.vector_store %arg14[%swap3A_527, %swap3A_528], %broadcast_in_dim3A_1 {strides = array<i32>} : memref<16x32xi32, #tpu.memory_space<vmem>>, vector<16xi32>,
      %swap3A_530 = arith.constant 11 : i32
      %swap3A_531 = arith.index_cast %swap3A_530 : i32 to index
      %swap3A_532 = arith.constant 16 : index
      %swap3A_533 = tpu.vector_load %arg15[%swap3A_531, %swap3A_532] {strides = array<i32>} : memref<16x32xf32, #tpu.memory_space<vmem>>, vector<16xf32>,
      tpu.vector_store %arg15[%swap3A_531, %swap3A_532], %broadcast_in_dim3A_3 {strides = array<i32>} : memref<16x32xf32, #tpu.memory_space<vmem>>, vector<16xf32>,
      %swap3A_534 = arith.constant 11 : i32
      %swap3A_535 = arith.index_cast %swap3A_534 : i32 to index
      %swap3A_536 = arith.constant 16 : index
      %swap3A_537 = tpu.vector_load %arg16[%swap3A_535, %swap3A_536] {strides = array<i32>} : memref<16x32xf32, #tpu.memory_space<vmem>>, vector<16xf32>,
      tpu.vector_store %arg16[%swap3A_535, %swap3A_536], %broadcast_in_dim3A_3 {strides = array<i32>} : memref<16x32xf32, #tpu.memory_space<vmem>>, vector<16xf32>,
      %swap3A_538 = arith.constant 11 : i32
      %swap3A_539 = arith.index_cast %swap3A_538 : i32 to index
      %swap3A_540 = arith.constant 16 : index
      %swap3A_541 = tpu.vector_load %arg17[%swap3A_539, %swap3A_540] {strides = array<i32>} : memref<16x32xf32, #tpu.memory_space<vmem>>, vector<16xf32>,
      tpu.vector_store %arg17[%swap3A_539, %swap3A_540], %broadcast_in_dim3A_3 {strides = array<i32>} : memref<16x32xf32, #tpu.memory_space<vmem>>, vector<16xf32>,
      %swap3A_542 = arith.constant 12 : i32
      %swap3A_543 = arith.index_cast %swap3A_542 : i32 to index
      %swap3A_544 = arith.constant 16 : index
      %swap3A_545 = tpu.vector_load %arg14[%swap3A_543, %swap3A_544] {strides = array<i32>} : memref<16x32xi32, #tpu.memory_space<vmem>>, vector<16xi32>,
      tpu.vector_store %arg14[%swap3A_543, %swap3A_544], %broadcast_in_dim3A_1 {strides = array<i32>} : memref<16x32xi32, #tpu.memory_space<vmem>>, vector<16xi32>,
      %swap3A_546 = arith.constant 12 : i32
      %swap3A_547 = arith.index_cast %swap3A_546 : i32 to index
      %swap3A_548 = arith.constant 16 : index
      %swap3A_549 = tpu.vector_load %arg15[%swap3A_547, %swap3A_548] {strides = array<i32>} : memref<16x32xf32, #tpu.memory_space<vmem>>, vector<16xf32>,
      tpu.vector_store %arg15[%swap3A_547, %swap3A_548], %broadcast_in_dim3A_3 {strides = array<i32>} : memref<16x32xf32, #tpu.memory_space<vmem>>, vector<16xf32>,
      %swap3A_550 = arith.constant 12 : i32
      %swap3A_551 = arith.index_cast %swap3A_550 : i32 to index
      %swap3A_552 = arith.constant 16 : index
      %swap3A_553 = tpu.vector_load %arg16[%swap3A_551, %swap3A_552] {strides = array<i32>} : memref<16x32xf32, #tpu.memory_space<vmem>>, vector<16xf32>,
      tpu.vector_store %arg16[%swap3A_551, %swap3A_552], %broadcast_in_dim3A_3 {strides = array<i32>} : memref<16x32xf32, #tpu.memory_space<vmem>>, vector<16xf32>,
      %swap3A_554 = arith.constant 12 : i32
      %swap3A_555 = arith.index_cast %swap3A_554 : i32 to index
      %swap3A_556 = arith.constant 16 : index
      %swap3A_557 = tpu.vector_load %arg17[%swap3A_555, %swap3A_556] {strides = array<i32>} : memref<16x32xf32, #tpu.memory_space<vmem>>, vector<16xf32>,
      tpu.vector_store %arg17[%swap3A_555, %swap3A_556], %broadcast_in_dim3A_3 {strides = array<i32>} : memref<16x32xf32, #tpu.memory_space<vmem>>, vector<16xf32>,
      %swap3A_558 = arith.constant 13 : i32
      %swap3A_559 = arith.index_cast %swap3A_558 : i32 to index
      %swap3A_560 = arith.constant 16 : index
      %swap3A_561 = tpu.vector_load %arg14[%swap3A_559, %swap3A_560] {strides = array<i32>} : memref<16x32xi32, #tpu.memory_space<vmem>>, vector<16xi32>,
      tpu.vector_store %arg14[%swap3A_559, %swap3A_560], %broadcast_in_dim3A_1 {strides = array<i32>} : memref<16x32xi32, #tpu.memory_space<vmem>>, vector<16xi32>,
      %swap3A_562 = arith.constant 13 : i32
      %swap3A_563 = arith.index_cast %swap3A_562 : i32 to index
      %swap3A_564 = arith.constant 16 : index
      %swap3A_565 = tpu.vector_load %arg15[%swap3A_563, %swap3A_564] {strides = array<i32>} : memref<16x32xf32, #tpu.memory_space<vmem>>, vector<16xf32>,
      tpu.vector_store %arg15[%swap3A_563, %swap3A_564], %broadcast_in_dim3A_3 {strides = array<i32>} : memref<16x32xf32, #tpu.memory_space<vmem>>, vector<16xf32>,
      %swap3A_566 = arith.constant 13 : i32
      %swap3A_567 = arith.index_cast %swap3A_566 : i32 to index
      %swap3A_568 = arith.constant 16 : index
      %swap3A_569 = tpu.vector_load %arg16[%swap3A_567, %swap3A_568] {strides = array<i32>} : memref<16x32xf32, #tpu.memory_space<vmem>>, vector<16xf32>,
      tpu.vector_store %arg16[%swap3A_567, %swap3A_568], %broadcast_in_dim3A_3 {strides = array<i32>} : memref<16x32xf32, #tpu.memory_space<vmem>>, vector<16xf32>,
      %swap3A_570 = arith.constant 13 : i32
      %swap3A_571 = arith.index_cast %swap3A_570 : i32 to index
      %swap3A_572 = arith.constant 16 : index
      %swap3A_573 = tpu.vector_load %arg17[%swap3A_571, %swap3A_572] {strides = array<i32>} : memref<16x32xf32, #tpu.memory_space<vmem>>, vector<16xf32>,
      tpu.vector_store %arg17[%swap3A_571, %swap3A_572], %broadcast_in_dim3A_3 {strides = array<i32>} : memref<16x32xf32, #tpu.memory_space<vmem>>, vector<16xf32>,
      %swap3A_574 = arith.constant 14 : i32
      %swap3A_575 = arith.index_cast %swap3A_574 : i32 to index
      %swap3A_576 = arith.constant 16 : index
      %swap3A_577 = tpu.vector_load %arg14[%swap3A_575, %swap3A_576] {strides = array<i32>} : memref<16x32xi32, #tpu.memory_space<vmem>>, vector<16xi32>,
      tpu.vector_store %arg14[%swap3A_575, %swap3A_576], %broadcast_in_dim3A_1 {strides = array<i32>} : memref<16x32xi32, #tpu.memory_space<vmem>>, vector<16xi32>,
      %swap3A_578 = arith.constant 14 : i32
      %swap3A_579 = arith.index_cast %swap3A_578 : i32 to index
      %swap3A_580 = arith.constant 16 : index
      %swap3A_581 = tpu.vector_load %arg15[%swap3A_579, %swap3A_580] {strides = array<i32>} : memref<16x32xf32, #tpu.memory_space<vmem>>, vector<16xf32>,
      tpu.vector_store %arg15[%swap3A_579, %swap3A_580], %broadcast_in_dim3A_3 {strides = array<i32>} : memref<16x32xf32, #tpu.memory_space<vmem>>, vector<16xf32>,
      %swap3A_582 = arith.constant 14 : i32
      %swap3A_583 = arith.index_cast %swap3A_582 : i32 to index
      %swap3A_584 = arith.constant 16 : index
      %swap3A_585 = tpu.vector_load %arg16[%swap3A_583, %swap3A_584] {strides = array<i32>} : memref<16x32xf32, #tpu.memory_space<vmem>>, vector<16xf32>,
      tpu.vector_store %arg16[%swap3A_583, %swap3A_584], %broadcast_in_dim3A_3 {strides = array<i32>} : memref<16x32xf32, #tpu.memory_space<vmem>>, vector<16xf32>,
      %swap3A_586 = arith.constant 14 : i32
      %swap3A_587 = arith.index_cast %swap3A_586 : i32 to index
      %swap3A_588 = arith.constant 16 : index
      %swap3A_589 = tpu.vector_load %arg17[%swap3A_587, %swap3A_588] {strides = array<i32>} : memref<16x32xf32, #tpu.memory_space<vmem>>, vector<16xf32>,
      tpu.vector_store %arg17[%swap3A_587, %swap3A_588], %broadcast_in_dim3A_3 {strides = array<i32>} : memref<16x32xf32, #tpu.memory_space<vmem>>, vector<16xf32>,
      %swap3A_590 = arith.constant 15 : i32
      %swap3A_591 = arith.index_cast %swap3A_590 : i32 to index
      %swap3A_592 = arith.constant 16 : index
      %swap3A_593 = tpu.vector_load %arg14[%swap3A_591, %swap3A_592] {strides = array<i32>} : memref<16x32xi32, #tpu.memory_space<vmem>>, vector<16xi32>,
      tpu.vector_store %arg14[%swap3A_591, %swap3A_592], %broadcast_in_dim3A_1 {strides = array<i32>} : memref<16x32xi32, #tpu.memory_space<vmem>>, vector<16xi32>,
      %swap3A_594 = arith.constant 15 : i32
      %swap3A_595 = arith.index_cast %swap3A_594 : i32 to index
      %swap3A_596 = arith.constant 16 : index
      %swap3A_597 = tpu.vector_load %arg15[%swap3A_595, %swap3A_596] {strides = array<i32>} : memref<16x32xf32, #tpu.memory_space<vmem>>, vector<16xf32>,
      tpu.vector_store %arg15[%swap3A_595, %swap3A_596], %broadcast_in_dim3A_3 {strides = array<i32>} : memref<16x32xf32, #tpu.memory_space<vmem>>, vector<16xf32>,
      %swap3A_598 = arith.constant 15 : i32
      %swap3A_599 = arith.index_cast %swap3A_598 : i32 to index
      %swap3A_600 = arith.constant 16 : index
      %swap3A_601 = tpu.vector_load %arg16[%swap3A_599, %swap3A_600] {strides = array<i32>} : memref<16x32xf32, #tpu.memory_space<vmem>>, vector<16xf32>,
      tpu.vector_store %arg16[%swap3A_599, %swap3A_600], %broadcast_in_dim3A_3 {strides = array<i32>} : memref<16x32xf32, #tpu.memory_space<vmem>>, vector<16xf32>,
      %swap3A_602 = arith.constant 15 : i32
      %swap3A_603 = arith.index_cast %swap3A_602 : i32 to index
      %swap3A_604 = arith.constant 16 : index
      %swap3A_605 = tpu.vector_load %arg17[%swap3A_603, %swap3A_604] {strides = array<i32>} : memref<16x32xf32, #tpu.memory_space<vmem>>, vector<16xf32>,
      tpu.vector_store %arg17[%swap3A_603, %swap3A_604], %broadcast_in_dim3A_3 {strides = array<i32>} : memref<16x32xf32, #tpu.memory_space<vmem>>, vector<16xf32>,
      %broadcast_in_dim3A_606 = arith.constant 0 : i32
      %broadcast_in_dim3A_607 = vector.broadcast %broadcast_in_dim3A_606 : i32 to vector<16xi32>
      %add3A_608 = arith.constant 0 : i32
      %add3A_609 = vector.broadcast %add3A_608 : i32 to vector<16xi32>
      %add3A_610 = arith.addi %add3A_40, %add3A_609 : vector<16xi32>
      %add3A_611 = arith.constant 0 : i32
      %add3A_612 = vector.broadcast %add3A_611 : i32 to vector<16xi32>
      %add3A_613 = arith.addi %add3A_49, %add3A_612 : vector<16xi32>
      %add3A_614 = arith.constant 0 : i32
      %add3A_615 = vector.broadcast %add3A_614 : i32 to vector<16xi32>
      %add3A_616 = arith.addi %add3A_58, %add3A_615 : vector<16xi32>
      %mul3A_617 = arith.constant 12 : i32
      %mul3A_618 = vector.broadcast %mul3A_617 : i32 to vector<16xi32>
      %mul3A_619 = arith.muli %add3A_616, %mul3A_618 : vector<16xi32>
      %add3A_620 = arith.addi %mul3A_619, %add3A_613 : vector<16xi32>
      %mul3A_621 = arith.constant 12 : i32
      %mul3A_622 = vector.broadcast %mul3A_621 : i32 to vector<16xi32>
      %mul3A_623 = arith.muli %add3A_620, %mul3A_622 : vector<16xi32>
      %add3A_624 = arith.addi %mul3A_623, %add3A_610 : vector<16xi32>
      %mul3A_625 = arith.constant 40 : i32
      %mul3A_626 = vector.broadcast %mul3A_625 : i32 to vector<16xi32>
      %mul3A_627 = arith.muli %add3A_624, %mul3A_626 : vector<16xi32>
      %scan3A_628 = arith.constant 0 : i32
      %scan3A_629 = arith.constant 40 : i32
      %scan3A_630 = arith.addi %scan3A_628, %scan3A_629 : i32
      %scan3A_631 = arith.constant 1 : i32
      %scan3A_632 = scf.for %scan3A_793 = %scan3A_628 to %scan3A_630 step %scan3A_631 iter_args(%scan3A_794 = %broadcast_in_dim3A_607) -> (vector<16xi32>)  : i32 {
        %add3A_795 = vector.broadcast %scan3A_793 : i32 to vector<16xi32>
        %add3A_796 = arith.addi %mul3A_627, %add3A_795 : vector<16xi32>
        %gather3A = tpu.vector_load_idx %arg13[%add3A_796] : memref<69120xi32, #tpu.memory_space<vmem>>[vector<16xi32>], vector<16xi32>,
        %gather3A_797 = tpu.vector_load_idx %arg10[%gather3A] : memref<10240xf32, #tpu.memory_space<vmem>>[vector<16xi32>], vector<16xf32>,
        %gather3A_798 = tpu.vector_load_idx %arg11[%gather3A] : memref<10240xf32, #tpu.memory_space<vmem>>[vector<16xi32>], vector<16xf32>,
        %gather3A_799 = tpu.vector_load_idx %arg12[%gather3A] : memref<10240xf32, #tpu.memory_space<vmem>>[vector<16xi32>], vector<16xf32>,
        %sub3A_800 = arith.subf %gather3A_797, %get3A_17 : vector<16xf32>
        %sub3A_801 = arith.subf %gather3A_798, %get3A_19 : vector<16xf32>
        %sub3A_802 = arith.subf %gather3A_799, %get3A_21 : vector<16xf32>
        %mul3A_803 = arith.mulf %sub3A_800, %sub3A_800 : vector<16xf32>
        %mul3A_804 = arith.mulf %sub3A_801, %sub3A_801 : vector<16xf32>
        %add3A_805 = arith.addf %mul3A_803, %mul3A_804 : vector<16xf32>
        %mul3A_806 = arith.mulf %sub3A_802, %sub3A_802 : vector<16xf32>
        %add3A_807 = arith.addf %add3A_805, %mul3A_806 : vector<16xf32>
        %le3A = arith.constant 2.500000e-03 : f32
        %le3A_808 = vector.broadcast %le3A : f32 to vector<16xf32>
        %le3A_809 = arith.cmpf ole, %add3A_807, %le3A_808 : vector<16xf32>
        %ne3A = arith.cmpi ne, %gather3A, %add3A_23 : vector<16xi32>
        %and3A = arith.andi %le3A_809, %ne3A : vector<16xi1>
        %lt3A = arith.constant 32 : i32
        %lt3A_810 = vector.broadcast %lt3A : i32 to vector<16xi32>
        %lt3A_811 = arith.cmpi slt, %scan3A_794, %lt3A_810 : vector<16xi32>
        %and3A_812 = arith.andi %and3A, %lt3A_811 : vector<16xi1>
        %jit3A_813 = arith.constant 0 : i32
        %jit3A_814 = arith.constant 31 : i32
        %max3A_815 = vector.broadcast %jit3A_813 : i32 to vector<16xi32>
        %max3A_816 = arith.maxsi %max3A_815, %scan3A_794 : vector<16xi32>
        %min3A_817 = vector.broadcast %jit3A_814 : i32 to vector<16xi32>
        %min3A_818 = arith.minsi %min3A_817, %max3A_816 : vector<16xi32>
        tpu.vector_store_idx %arg14[%iota3A, %min3A_818], %gather3A masked %and3A_812 : memref<16x32xi32, #tpu.memory_space<vmem>>[vector<16xi32>, vector<16xi32>], vector<16xi32>, vector<16xi1>
        tpu.vector_store_idx %arg15[%iota3A, %min3A_818], %gather3A_797 masked %and3A_812 : memref<16x32xf32, #tpu.memory_space<vmem>>[vector<16xi32>, vector<16xi32>], vector<16xf32>, vector<16xi1>
        tpu.vector_store_idx %arg16[%iota3A, %min3A_818], %gather3A_798 masked %and3A_812 : memref<16x32xf32, #tpu.memory_space<vmem>>[vector<16xi32>, vector<16xi32>], vector<16xf32>, vector<16xi1>
        tpu.vector_store_idx %arg17[%iota3A, %min3A_818], %gather3A_799 masked %and3A_812 : memref<16x32xf32, #tpu.memory_space<vmem>>[vector<16xi32>, vector<16xi32>], vector<16xf32>, vector<16xi1>
        %jit3A_819 = arith.constant 1 : i32
        %jit3A_820 = arith.constant 0 : i32
        %broadcast_in_dim3A_821 = vector.broadcast %jit3A_819 : i32 to vector<16xi32>
        %broadcast_in_dim3A_822 = vector.broadcast %jit3A_820 : i32 to vector<16xi32>
        %select_n3A_823 = arith.select %and3A_812, %broadcast_in_dim3A_821, %broadcast_in_dim3A_822 : vector<16xi1>, vector<16xi32>
        %add3A_824 = arith.addi %scan3A_794, %select_n3A_823 : vector<16xi32>
        scf.yield %add3A_824 : vector<16xi32>
      }
      %scan3A_633 = arith.constant 40 : i32
      %add3A_634 = arith.addi %add3A_40, %select_n3A : vector<16xi32>
      %add3A_635 = arith.constant 0 : i32
      %add3A_636 = vector.broadcast %add3A_635 : i32 to vector<16xi32>
      %add3A_637 = arith.addi %add3A_49, %add3A_636 : vector<16xi32>
      %add3A_638 = arith.constant 0 : i32
      %add3A_639 = vector.broadcast %add3A_638 : i32 to vector<16xi32>
      %add3A_640 = arith.addi %add3A_58, %add3A_639 : vector<16xi32>
      %mul3A_641 = arith.constant 12 : i32
      %mul3A_642 = vector.broadcast %mul3A_641 : i32 to vector<16xi32>
      %mul3A_643 = arith.muli %add3A_640, %mul3A_642 : vector<16xi32>
      %add3A_644 = arith.addi %mul3A_643, %add3A_637 : vector<16xi32>
      %mul3A_645 = arith.constant 12 : i32
      %mul3A_646 = vector.broadcast %mul3A_645 : i32 to vector<16xi32>
      %mul3A_647 = arith.muli %add3A_644, %mul3A_646 : vector<16xi32>
      %add3A_648 = arith.addi %mul3A_647, %add3A_634 : vector<16xi32>
      %mul3A_649 = arith.constant 40 : i32
      %mul3A_650 = vector.broadcast %mul3A_649 : i32 to vector<16xi32>
      %mul3A_651 = arith.muli %add3A_648, %mul3A_650 : vector<16xi32>
      %scan3A_652 = arith.constant 0 : i32
      %scan3A_653 = arith.constant 40 : i32
      %scan3A_654 = arith.addi %scan3A_652, %scan3A_653 : i32
      %scan3A_655 = arith.constant 1 : i32
      %scan3A_656 = scf.for %scan3A_793 = %scan3A_652 to %scan3A_654 step %scan3A_655 iter_args(%scan3A_794 = %scan3A_632) -> (vector<16xi32>)  : i32 {
        %add3A_795 = vector.broadcast %scan3A_793 : i32 to vector<16xi32>
        %add3A_796 = arith.addi %mul3A_651, %add3A_795 : vector<16xi32>
        %gather3A = tpu.vector_load_idx %arg13[%add3A_796] : memref<69120xi32, #tpu.memory_space<vmem>>[vector<16xi32>], vector<16xi32>,
        %gather3A_797 = tpu.vector_load_idx %arg10[%gather3A] : memref<10240xf32, #tpu.memory_space<vmem>>[vector<16xi32>], vector<16xf32>,
        %gather3A_798 = tpu.vector_load_idx %arg11[%gather3A] : memref<10240xf32, #tpu.memory_space<vmem>>[vector<16xi32>], vector<16xf32>,
        %gather3A_799 = tpu.vector_load_idx %arg12[%gather3A] : memref<10240xf32, #tpu.memory_space<vmem>>[vector<16xi32>], vector<16xf32>,
        %sub3A_800 = arith.subf %gather3A_797, %get3A_17 : vector<16xf32>
        %sub3A_801 = arith.subf %gather3A_798, %get3A_19 : vector<16xf32>
        %sub3A_802 = arith.subf %gather3A_799, %get3A_21 : vector<16xf32>
        %mul3A_803 = arith.mulf %sub3A_800, %sub3A_800 : vector<16xf32>
        %mul3A_804 = arith.mulf %sub3A_801, %sub3A_801 : vector<16xf32>
        %add3A_805 = arith.addf %mul3A_803, %mul3A_804 : vector<16xf32>
        %mul3A_806 = arith.mulf %sub3A_802, %sub3A_802 : vector<16xf32>
        %add3A_807 = arith.addf %add3A_805, %mul3A_806 : vector<16xf32>
        %le3A = arith.constant 2.500000e-03 : f32
        %le3A_808 = vector.broadcast %le3A : f32 to vector<16xf32>
        %le3A_809 = arith.cmpf ole, %add3A_807, %le3A_808 : vector<16xf32>
        %ne3A = arith.cmpi ne, %gather3A, %add3A_23 : vector<16xi32>
        %and3A = arith.andi %le3A_809, %ne3A : vector<16xi1>
        %lt3A = arith.constant 32 : i32
        %lt3A_810 = vector.broadcast %lt3A : i32 to vector<16xi32>
        %lt3A_811 = arith.cmpi slt, %scan3A_794, %lt3A_810 : vector<16xi32>
        %and3A_812 = arith.andi %and3A, %lt3A_811 : vector<16xi1>
        %jit3A_813 = arith.constant 0 : i32
        %jit3A_814 = arith.constant 31 : i32
        %max3A_815 = vector.broadcast %jit3A_813 : i32 to vector<16xi32>
        %max3A_816 = arith.maxsi %max3A_815, %scan3A_794 : vector<16xi32>
        %min3A_817 = vector.broadcast %jit3A_814 : i32 to vector<16xi32>
        %min3A_818 = arith.minsi %min3A_817, %max3A_816 : vector<16xi32>
        tpu.vector_store_idx %arg14[%iota3A, %min3A_818], %gather3A masked %and3A_812 : memref<16x32xi32, #tpu.memory_space<vmem>>[vector<16xi32>, vector<16xi32>], vector<16xi32>, vector<16xi1>
        tpu.vector_store_idx %arg15[%iota3A, %min3A_818], %gather3A_797 masked %and3A_812 : memref<16x32xf32, #tpu.memory_space<vmem>>[vector<16xi32>, vector<16xi32>], vector<16xf32>, vector<16xi1>
        tpu.vector_store_idx %arg16[%iota3A, %min3A_818], %gather3A_798 masked %and3A_812 : memref<16x32xf32, #tpu.memory_space<vmem>>[vector<16xi32>, vector<16xi32>], vector<16xf32>, vector<16xi1>
        tpu.vector_store_idx %arg17[%iota3A, %min3A_818], %gather3A_799 masked %and3A_812 : memref<16x32xf32, #tpu.memory_space<vmem>>[vector<16xi32>, vector<16xi32>], vector<16xf32>, vector<16xi1>
        %jit3A_819 = arith.constant 1 : i32
        %jit3A_820 = arith.constant 0 : i32
        %broadcast_in_dim3A_821 = vector.broadcast %jit3A_819 : i32 to vector<16xi32>
        %broadcast_in_dim3A_822 = vector.broadcast %jit3A_820 : i32 to vector<16xi32>
        %select_n3A_823 = arith.select %and3A_812, %broadcast_in_dim3A_821, %broadcast_in_dim3A_822 : vector<16xi1>, vector<16xi32>
        %add3A_824 = arith.addi %scan3A_794, %select_n3A_823 : vector<16xi32>
        scf.yield %add3A_824 : vector<16xi32>
      }
      %scan3A_657 = arith.constant 40 : i32
      %add3A_658 = arith.constant 0 : i32
      %add3A_659 = vector.broadcast %add3A_658 : i32 to vector<16xi32>
      %add3A_660 = arith.addi %add3A_40, %add3A_659 : vector<16xi32>
      %add3A_661 = arith.addi %add3A_49, %select_n3A_81 : vector<16xi32>
      %add3A_662 = arith.constant 0 : i32
      %add3A_663 = vector.broadcast %add3A_662 : i32 to vector<16xi32>
      %add3A_664 = arith.addi %add3A_58, %add3A_663 : vector<16xi32>
      %mul3A_665 = arith.constant 12 : i32
      %mul3A_666 = vector.broadcast %mul3A_665 : i32 to vector<16xi32>
      %mul3A_667 = arith.muli %add3A_664, %mul3A_666 : vector<16xi32>
      %add3A_668 = arith.addi %mul3A_667, %add3A_661 : vector<16xi32>
      %mul3A_669 = arith.constant 12 : i32
      %mul3A_670 = vector.broadcast %mul3A_669 : i32 to vector<16xi32>
      %mul3A_671 = arith.muli %add3A_668, %mul3A_670 : vector<16xi32>
      %add3A_672 = arith.addi %mul3A_671, %add3A_660 : vector<16xi32>
      %mul3A_673 = arith.constant 40 : i32
      %mul3A_674 = vector.broadcast %mul3A_673 : i32 to vector<16xi32>
      %mul3A_675 = arith.muli %add3A_672, %mul3A_674 : vector<16xi32>
      %scan3A_676 = arith.constant 0 : i32
      %scan3A_677 = arith.constant 40 : i32
      %scan3A_678 = arith.addi %scan3A_676, %scan3A_677 : i32
      %scan3A_679 = arith.constant 1 : i32
      %scan3A_680 = scf.for %scan3A_793 = %scan3A_676 to %scan3A_678 step %scan3A_679 iter_args(%scan3A_794 = %scan3A_656) -> (vector<16xi32>)  : i32 {
        %add3A_795 = vector.broadcast %scan3A_793 : i32 to vector<16xi32>
        %add3A_796 = arith.addi %mul3A_675, %add3A_795 : vector<16xi32>
        %gather3A = tpu.vector_load_idx %arg13[%add3A_796] : memref<69120xi32, #tpu.memory_space<vmem>>[vector<16xi32>], vector<16xi32>,
        %gather3A_797 = tpu.vector_load_idx %arg10[%gather3A] : memref<10240xf32, #tpu.memory_space<vmem>>[vector<16xi32>], vector<16xf32>,
        %gather3A_798 = tpu.vector_load_idx %arg11[%gather3A] : memref<10240xf32, #tpu.memory_space<vmem>>[vector<16xi32>], vector<16xf32>,
        %gather3A_799 = tpu.vector_load_idx %arg12[%gather3A] : memref<10240xf32, #tpu.memory_space<vmem>>[vector<16xi32>], vector<16xf32>,
        %sub3A_800 = arith.subf %gather3A_797, %get3A_17 : vector<16xf32>
        %sub3A_801 = arith.subf %gather3A_798, %get3A_19 : vector<16xf32>
        %sub3A_802 = arith.subf %gather3A_799, %get3A_21 : vector<16xf32>
        %mul3A_803 = arith.mulf %sub3A_800, %sub3A_800 : vector<16xf32>
        %mul3A_804 = arith.mulf %sub3A_801, %sub3A_801 : vector<16xf32>
        %add3A_805 = arith.addf %mul3A_803, %mul3A_804 : vector<16xf32>
        %mul3A_806 = arith.mulf %sub3A_802, %sub3A_802 : vector<16xf32>
        %add3A_807 = arith.addf %add3A_805, %mul3A_806 : vector<16xf32>
        %le3A = arith.constant 2.500000e-03 : f32
        %le3A_808 = vector.broadcast %le3A : f32 to vector<16xf32>
        %le3A_809 = arith.cmpf ole, %add3A_807, %le3A_808 : vector<16xf32>
        %ne3A = arith.cmpi ne, %gather3A, %add3A_23 : vector<16xi32>
        %and3A = arith.andi %le3A_809, %ne3A : vector<16xi1>
        %lt3A = arith.constant 32 : i32
        %lt3A_810 = vector.broadcast %lt3A : i32 to vector<16xi32>
        %lt3A_811 = arith.cmpi slt, %scan3A_794, %lt3A_810 : vector<16xi32>
        %and3A_812 = arith.andi %and3A, %lt3A_811 : vector<16xi1>
        %jit3A_813 = arith.constant 0 : i32
        %jit3A_814 = arith.constant 31 : i32
        %max3A_815 = vector.broadcast %jit3A_813 : i32 to vector<16xi32>
        %max3A_816 = arith.maxsi %max3A_815, %scan3A_794 : vector<16xi32>
        %min3A_817 = vector.broadcast %jit3A_814 : i32 to vector<16xi32>
        %min3A_818 = arith.minsi %min3A_817, %max3A_816 : vector<16xi32>
        tpu.vector_store_idx %arg14[%iota3A, %min3A_818], %gather3A masked %and3A_812 : memref<16x32xi32, #tpu.memory_space<vmem>>[vector<16xi32>, vector<16xi32>], vector<16xi32>, vector<16xi1>
        tpu.vector_store_idx %arg15[%iota3A, %min3A_818], %gather3A_797 masked %and3A_812 : memref<16x32xf32, #tpu.memory_space<vmem>>[vector<16xi32>, vector<16xi32>], vector<16xf32>, vector<16xi1>
        tpu.vector_store_idx %arg16[%iota3A, %min3A_818], %gather3A_798 masked %and3A_812 : memref<16x32xf32, #tpu.memory_space<vmem>>[vector<16xi32>, vector<16xi32>], vector<16xf32>, vector<16xi1>
        tpu.vector_store_idx %arg17[%iota3A, %min3A_818], %gather3A_799 masked %and3A_812 : memref<16x32xf32, #tpu.memory_space<vmem>>[vector<16xi32>, vector<16xi32>], vector<16xf32>, vector<16xi1>
        %jit3A_819 = arith.constant 1 : i32
        %jit3A_820 = arith.constant 0 : i32
        %broadcast_in_dim3A_821 = vector.broadcast %jit3A_819 : i32 to vector<16xi32>
        %broadcast_in_dim3A_822 = vector.broadcast %jit3A_820 : i32 to vector<16xi32>
        %select_n3A_823 = arith.select %and3A_812, %broadcast_in_dim3A_821, %broadcast_in_dim3A_822 : vector<16xi1>, vector<16xi32>
        %add3A_824 = arith.addi %scan3A_794, %select_n3A_823 : vector<16xi32>
        scf.yield %add3A_824 : vector<16xi32>
      }
      %scan3A_681 = arith.constant 40 : i32
      %add3A_682 = arith.addi %add3A_40, %select_n3A : vector<16xi32>
      %add3A_683 = arith.addi %add3A_49, %select_n3A_81 : vector<16xi32>
      %add3A_684 = arith.constant 0 : i32
      %add3A_685 = vector.broadcast %add3A_684 : i32 to vector<16xi32>
      %add3A_686 = arith.addi %add3A_58, %add3A_685 : vector<16xi32>
      %mul3A_687 = arith.constant 12 : i32
      %mul3A_688 = vector.broadcast %mul3A_687 : i32 to vector<16xi32>
      %mul3A_689 = arith.muli %add3A_686, %mul3A_688 : vector<16xi32>
      %add3A_690 = arith.addi %mul3A_689, %add3A_683 : vector<16xi32>
      %mul3A_691 = arith.constant 12 : i32
      %mul3A_692 = vector.broadcast %mul3A_691 : i32 to vector<16xi32>
      %mul3A_693 = arith.muli %add3A_690, %mul3A_692 : vector<16xi32>
      %add3A_694 = arith.addi %mul3A_693, %add3A_682 : vector<16xi32>
      %mul3A_695 = arith.constant 40 : i32
      %mul3A_696 = vector.broadcast %mul3A_695 : i32 to vector<16xi32>
      %mul3A_697 = arith.muli %add3A_694, %mul3A_696 : vector<16xi32>
      %scan3A_698 = arith.constant 0 : i32
      %scan3A_699 = arith.constant 40 : i32
      %scan3A_700 = arith.addi %scan3A_698, %scan3A_699 : i32
      %scan3A_701 = arith.constant 1 : i32
      %scan3A_702 = scf.for %scan3A_793 = %scan3A_698 to %scan3A_700 step %scan3A_701 iter_args(%scan3A_794 = %scan3A_680) -> (vector<16xi32>)  : i32 {
        %add3A_795 = vector.broadcast %scan3A_793 : i32 to vector<16xi32>
        %add3A_796 = arith.addi %mul3A_697, %add3A_795 : vector<16xi32>
        %gather3A = tpu.vector_load_idx %arg13[%add3A_796] : memref<69120xi32, #tpu.memory_space<vmem>>[vector<16xi32>], vector<16xi32>,
        %gather3A_797 = tpu.vector_load_idx %arg10[%gather3A] : memref<10240xf32, #tpu.memory_space<vmem>>[vector<16xi32>], vector<16xf32>,
        %gather3A_798 = tpu.vector_load_idx %arg11[%gather3A] : memref<10240xf32, #tpu.memory_space<vmem>>[vector<16xi32>], vector<16xf32>,
        %gather3A_799 = tpu.vector_load_idx %arg12[%gather3A] : memref<10240xf32, #tpu.memory_space<vmem>>[vector<16xi32>], vector<16xf32>,
        %sub3A_800 = arith.subf %gather3A_797, %get3A_17 : vector<16xf32>
        %sub3A_801 = arith.subf %gather3A_798, %get3A_19 : vector<16xf32>
        %sub3A_802 = arith.subf %gather3A_799, %get3A_21 : vector<16xf32>
        %mul3A_803 = arith.mulf %sub3A_800, %sub3A_800 : vector<16xf32>
        %mul3A_804 = arith.mulf %sub3A_801, %sub3A_801 : vector<16xf32>
        %add3A_805 = arith.addf %mul3A_803, %mul3A_804 : vector<16xf32>
        %mul3A_806 = arith.mulf %sub3A_802, %sub3A_802 : vector<16xf32>
        %add3A_807 = arith.addf %add3A_805, %mul3A_806 : vector<16xf32>
        %le3A = arith.constant 2.500000e-03 : f32
        %le3A_808 = vector.broadcast %le3A : f32 to vector<16xf32>
        %le3A_809 = arith.cmpf ole, %add3A_807, %le3A_808 : vector<16xf32>
        %ne3A = arith.cmpi ne, %gather3A, %add3A_23 : vector<16xi32>
        %and3A = arith.andi %le3A_809, %ne3A : vector<16xi1>
        %lt3A = arith.constant 32 : i32
        %lt3A_810 = vector.broadcast %lt3A : i32 to vector<16xi32>
        %lt3A_811 = arith.cmpi slt, %scan3A_794, %lt3A_810 : vector<16xi32>
        %and3A_812 = arith.andi %and3A, %lt3A_811 : vector<16xi1>
        %jit3A_813 = arith.constant 0 : i32
        %jit3A_814 = arith.constant 31 : i32
        %max3A_815 = vector.broadcast %jit3A_813 : i32 to vector<16xi32>
        %max3A_816 = arith.maxsi %max3A_815, %scan3A_794 : vector<16xi32>
        %min3A_817 = vector.broadcast %jit3A_814 : i32 to vector<16xi32>
        %min3A_818 = arith.minsi %min3A_817, %max3A_816 : vector<16xi32>
        tpu.vector_store_idx %arg14[%iota3A, %min3A_818], %gather3A masked %and3A_812 : memref<16x32xi32, #tpu.memory_space<vmem>>[vector<16xi32>, vector<16xi32>], vector<16xi32>, vector<16xi1>
        tpu.vector_store_idx %arg15[%iota3A, %min3A_818], %gather3A_797 masked %and3A_812 : memref<16x32xf32, #tpu.memory_space<vmem>>[vector<16xi32>, vector<16xi32>], vector<16xf32>, vector<16xi1>
        tpu.vector_store_idx %arg16[%iota3A, %min3A_818], %gather3A_798 masked %and3A_812 : memref<16x32xf32, #tpu.memory_space<vmem>>[vector<16xi32>, vector<16xi32>], vector<16xf32>, vector<16xi1>
        tpu.vector_store_idx %arg17[%iota3A, %min3A_818], %gather3A_799 masked %and3A_812 : memref<16x32xf32, #tpu.memory_space<vmem>>[vector<16xi32>, vector<16xi32>], vector<16xf32>, vector<16xi1>
        %jit3A_819 = arith.constant 1 : i32
        %jit3A_820 = arith.constant 0 : i32
        %broadcast_in_dim3A_821 = vector.broadcast %jit3A_819 : i32 to vector<16xi32>
        %broadcast_in_dim3A_822 = vector.broadcast %jit3A_820 : i32 to vector<16xi32>
        %select_n3A_823 = arith.select %and3A_812, %broadcast_in_dim3A_821, %broadcast_in_dim3A_822 : vector<16xi1>, vector<16xi32>
        %add3A_824 = arith.addi %scan3A_794, %select_n3A_823 : vector<16xi32>
        scf.yield %add3A_824 : vector<16xi32>
      }
      %scan3A_703 = arith.constant 40 : i32
      %add3A_704 = arith.constant 0 : i32
      %add3A_705 = vector.broadcast %add3A_704 : i32 to vector<16xi32>
      %add3A_706 = arith.addi %add3A_40, %add3A_705 : vector<16xi32>
      %add3A_707 = arith.constant 0 : i32
      %add3A_708 = vector.broadcast %add3A_707 : i32 to vector<16xi32>
      %add3A_709 = arith.addi %add3A_49, %add3A_708 : vector<16xi32>
      %add3A_710 = arith.addi %add3A_58, %select_n3A_94 : vector<16xi32>
      %mul3A_711 = arith.constant 12 : i32
      %mul3A_712 = vector.broadcast %mul3A_711 : i32 to vector<16xi32>
      %mul3A_713 = arith.muli %add3A_710, %mul3A_712 : vector<16xi32>
      %add3A_714 = arith.addi %mul3A_713, %add3A_709 : vector<16xi32>
      %mul3A_715 = arith.constant 12 : i32
      %mul3A_716 = vector.broadcast %mul3A_715 : i32 to vector<16xi32>
      %mul3A_717 = arith.muli %add3A_714, %mul3A_716 : vector<16xi32>
      %add3A_718 = arith.addi %mul3A_717, %add3A_706 : vector<16xi32>
      %mul3A_719 = arith.constant 40 : i32
      %mul3A_720 = vector.broadcast %mul3A_719 : i32 to vector<16xi32>
      %mul3A_721 = arith.muli %add3A_718, %mul3A_720 : vector<16xi32>
      %scan3A_722 = arith.constant 0 : i32
      %scan3A_723 = arith.constant 40 : i32
      %scan3A_724 = arith.addi %scan3A_722, %scan3A_723 : i32
      %scan3A_725 = arith.constant 1 : i32
      %scan3A_726 = scf.for %scan3A_793 = %scan3A_722 to %scan3A_724 step %scan3A_725 iter_args(%scan3A_794 = %scan3A_702) -> (vector<16xi32>)  : i32 {
        %add3A_795 = vector.broadcast %scan3A_793 : i32 to vector<16xi32>
        %add3A_796 = arith.addi %mul3A_721, %add3A_795 : vector<16xi32>
        %gather3A = tpu.vector_load_idx %arg13[%add3A_796] : memref<69120xi32, #tpu.memory_space<vmem>>[vector<16xi32>], vector<16xi32>,
        %gather3A_797 = tpu.vector_load_idx %arg10[%gather3A] : memref<10240xf32, #tpu.memory_space<vmem>>[vector<16xi32>], vector<16xf32>,
        %gather3A_798 = tpu.vector_load_idx %arg11[%gather3A] : memref<10240xf32, #tpu.memory_space<vmem>>[vector<16xi32>], vector<16xf32>,
        %gather3A_799 = tpu.vector_load_idx %arg12[%gather3A] : memref<10240xf32, #tpu.memory_space<vmem>>[vector<16xi32>], vector<16xf32>,
        %sub3A_800 = arith.subf %gather3A_797, %get3A_17 : vector<16xf32>
        %sub3A_801 = arith.subf %gather3A_798, %get3A_19 : vector<16xf32>
        %sub3A_802 = arith.subf %gather3A_799, %get3A_21 : vector<16xf32>
        %mul3A_803 = arith.mulf %sub3A_800, %sub3A_800 : vector<16xf32>
        %mul3A_804 = arith.mulf %sub3A_801, %sub3A_801 : vector<16xf32>
        %add3A_805 = arith.addf %mul3A_803, %mul3A_804 : vector<16xf32>
        %mul3A_806 = arith.mulf %sub3A_802, %sub3A_802 : vector<16xf32>
        %add3A_807 = arith.addf %add3A_805, %mul3A_806 : vector<16xf32>
        %le3A = arith.constant 2.500000e-03 : f32
        %le3A_808 = vector.broadcast %le3A : f32 to vector<16xf32>
        %le3A_809 = arith.cmpf ole, %add3A_807, %le3A_808 : vector<16xf32>
        %ne3A = arith.cmpi ne, %gather3A, %add3A_23 : vector<16xi32>
        %and3A = arith.andi %le3A_809, %ne3A : vector<16xi1>
        %lt3A = arith.constant 32 : i32
        %lt3A_810 = vector.broadcast %lt3A : i32 to vector<16xi32>
        %lt3A_811 = arith.cmpi slt, %scan3A_794, %lt3A_810 : vector<16xi32>
        %and3A_812 = arith.andi %and3A, %lt3A_811 : vector<16xi1>
        %jit3A_813 = arith.constant 0 : i32
        %jit3A_814 = arith.constant 31 : i32
        %max3A_815 = vector.broadcast %jit3A_813 : i32 to vector<16xi32>
        %max3A_816 = arith.maxsi %max3A_815, %scan3A_794 : vector<16xi32>
        %min3A_817 = vector.broadcast %jit3A_814 : i32 to vector<16xi32>
        %min3A_818 = arith.minsi %min3A_817, %max3A_816 : vector<16xi32>
        tpu.vector_store_idx %arg14[%iota3A, %min3A_818], %gather3A masked %and3A_812 : memref<16x32xi32, #tpu.memory_space<vmem>>[vector<16xi32>, vector<16xi32>], vector<16xi32>, vector<16xi1>
        tpu.vector_store_idx %arg15[%iota3A, %min3A_818], %gather3A_797 masked %and3A_812 : memref<16x32xf32, #tpu.memory_space<vmem>>[vector<16xi32>, vector<16xi32>], vector<16xf32>, vector<16xi1>
        tpu.vector_store_idx %arg16[%iota3A, %min3A_818], %gather3A_798 masked %and3A_812 : memref<16x32xf32, #tpu.memory_space<vmem>>[vector<16xi32>, vector<16xi32>], vector<16xf32>, vector<16xi1>
        tpu.vector_store_idx %arg17[%iota3A, %min3A_818], %gather3A_799 masked %and3A_812 : memref<16x32xf32, #tpu.memory_space<vmem>>[vector<16xi32>, vector<16xi32>], vector<16xf32>, vector<16xi1>
        %jit3A_819 = arith.constant 1 : i32
        %jit3A_820 = arith.constant 0 : i32
        %broadcast_in_dim3A_821 = vector.broadcast %jit3A_819 : i32 to vector<16xi32>
        %broadcast_in_dim3A_822 = vector.broadcast %jit3A_820 : i32 to vector<16xi32>
        %select_n3A_823 = arith.select %and3A_812, %broadcast_in_dim3A_821, %broadcast_in_dim3A_822 : vector<16xi1>, vector<16xi32>
        %add3A_824 = arith.addi %scan3A_794, %select_n3A_823 : vector<16xi32>
        scf.yield %add3A_824 : vector<16xi32>
      }
      %scan3A_727 = arith.constant 40 : i32
      %add3A_728 = arith.addi %add3A_40, %select_n3A : vector<16xi32>
      %add3A_729 = arith.constant 0 : i32
      %add3A_730 = vector.broadcast %add3A_729 : i32 to vector<16xi32>
      %add3A_731 = arith.addi %add3A_49, %add3A_730 : vector<16xi32>
      %add3A_732 = arith.addi %add3A_58, %select_n3A_94 : vector<16xi32>
      %mul3A_733 = arith.constant 12 : i32
      %mul3A_734 = vector.broadcast %mul3A_733 : i32 to vector<16xi32>
      %mul3A_735 = arith.muli %add3A_732, %mul3A_734 : vector<16xi32>
      %add3A_736 = arith.addi %mul3A_735, %add3A_731 : vector<16xi32>
      %mul3A_737 = arith.constant 12 : i32
      %mul3A_738 = vector.broadcast %mul3A_737 : i32 to vector<16xi32>
      %mul3A_739 = arith.muli %add3A_736, %mul3A_738 : vector<16xi32>
      %add3A_740 = arith.addi %mul3A_739, %add3A_728 : vector<16xi32>
      %mul3A_741 = arith.constant 40 : i32
      %mul3A_742 = vector.broadcast %mul3A_741 : i32 to vector<16xi32>
      %mul3A_743 = arith.muli %add3A_740, %mul3A_742 : vector<16xi32>
      %scan3A_744 = arith.constant 0 : i32
      %scan3A_745 = arith.constant 40 : i32
      %scan3A_746 = arith.addi %scan3A_744, %scan3A_745 : i32
      %scan3A_747 = arith.constant 1 : i32
      %scan3A_748 = scf.for %scan3A_793 = %scan3A_744 to %scan3A_746 step %scan3A_747 iter_args(%scan3A_794 = %scan3A_726) -> (vector<16xi32>)  : i32 {
        %add3A_795 = vector.broadcast %scan3A_793 : i32 to vector<16xi32>
        %add3A_796 = arith.addi %mul3A_743, %add3A_795 : vector<16xi32>
        %gather3A = tpu.vector_load_idx %arg13[%add3A_796] : memref<69120xi32, #tpu.memory_space<vmem>>[vector<16xi32>], vector<16xi32>,
        %gather3A_797 = tpu.vector_load_idx %arg10[%gather3A] : memref<10240xf32, #tpu.memory_space<vmem>>[vector<16xi32>], vector<16xf32>,
        %gather3A_798 = tpu.vector_load_idx %arg11[%gather3A] : memref<10240xf32, #tpu.memory_space<vmem>>[vector<16xi32>], vector<16xf32>,
        %gather3A_799 = tpu.vector_load_idx %arg12[%gather3A] : memref<10240xf32, #tpu.memory_space<vmem>>[vector<16xi32>], vector<16xf32>,
        %sub3A_800 = arith.subf %gather3A_797, %get3A_17 : vector<16xf32>
        %sub3A_801 = arith.subf %gather3A_798, %get3A_19 : vector<16xf32>
        %sub3A_802 = arith.subf %gather3A_799, %get3A_21 : vector<16xf32>
        %mul3A_803 = arith.mulf %sub3A_800, %sub3A_800 : vector<16xf32>
        %mul3A_804 = arith.mulf %sub3A_801, %sub3A_801 : vector<16xf32>
        %add3A_805 = arith.addf %mul3A_803, %mul3A_804 : vector<16xf32>
        %mul3A_806 = arith.mulf %sub3A_802, %sub3A_802 : vector<16xf32>
        %add3A_807 = arith.addf %add3A_805, %mul3A_806 : vector<16xf32>
        %le3A = arith.constant 2.500000e-03 : f32
        %le3A_808 = vector.broadcast %le3A : f32 to vector<16xf32>
        %le3A_809 = arith.cmpf ole, %add3A_807, %le3A_808 : vector<16xf32>
        %ne3A = arith.cmpi ne, %gather3A, %add3A_23 : vector<16xi32>
        %and3A = arith.andi %le3A_809, %ne3A : vector<16xi1>
        %lt3A = arith.constant 32 : i32
        %lt3A_810 = vector.broadcast %lt3A : i32 to vector<16xi32>
        %lt3A_811 = arith.cmpi slt, %scan3A_794, %lt3A_810 : vector<16xi32>
        %and3A_812 = arith.andi %and3A, %lt3A_811 : vector<16xi1>
        %jit3A_813 = arith.constant 0 : i32
        %jit3A_814 = arith.constant 31 : i32
        %max3A_815 = vector.broadcast %jit3A_813 : i32 to vector<16xi32>
        %max3A_816 = arith.maxsi %max3A_815, %scan3A_794 : vector<16xi32>
        %min3A_817 = vector.broadcast %jit3A_814 : i32 to vector<16xi32>
        %min3A_818 = arith.minsi %min3A_817, %max3A_816 : vector<16xi32>
        tpu.vector_store_idx %arg14[%iota3A, %min3A_818], %gather3A masked %and3A_812 : memref<16x32xi32, #tpu.memory_space<vmem>>[vector<16xi32>, vector<16xi32>], vector<16xi32>, vector<16xi1>
        tpu.vector_store_idx %arg15[%iota3A, %min3A_818], %gather3A_797 masked %and3A_812 : memref<16x32xf32, #tpu.memory_space<vmem>>[vector<16xi32>, vector<16xi32>], vector<16xf32>, vector<16xi1>
        tpu.vector_store_idx %arg16[%iota3A, %min3A_818], %gather3A_798 masked %and3A_812 : memref<16x32xf32, #tpu.memory_space<vmem>>[vector<16xi32>, vector<16xi32>], vector<16xf32>, vector<16xi1>
        tpu.vector_store_idx %arg17[%iota3A, %min3A_818], %gather3A_799 masked %and3A_812 : memref<16x32xf32, #tpu.memory_space<vmem>>[vector<16xi32>, vector<16xi32>], vector<16xf32>, vector<16xi1>
        %jit3A_819 = arith.constant 1 : i32
        %jit3A_820 = arith.constant 0 : i32
        %broadcast_in_dim3A_821 = vector.broadcast %jit3A_819 : i32 to vector<16xi32>
        %broadcast_in_dim3A_822 = vector.broadcast %jit3A_820 : i32 to vector<16xi32>
        %select_n3A_823 = arith.select %and3A_812, %broadcast_in_dim3A_821, %broadcast_in_dim3A_822 : vector<16xi1>, vector<16xi32>
        %add3A_824 = arith.addi %scan3A_794, %select_n3A_823 : vector<16xi32>
        scf.yield %add3A_824 : vector<16xi32>
      }
      %scan3A_749 = arith.constant 40 : i32
      %add3A_750 = arith.constant 0 : i32
      %add3A_751 = vector.broadcast %add3A_750 : i32 to vector<16xi32>
      %add3A_752 = arith.addi %add3A_40, %add3A_751 : vector<16xi32>
      %add3A_753 = arith.addi %add3A_49, %select_n3A_81 : vector<16xi32>
      %add3A_754 = arith.addi %add3A_58, %select_n3A_94 : vector<16xi32>
      %mul3A_755 = arith.constant 12 : i32
      %mul3A_756 = vector.broadcast %mul3A_755 : i32 to vector<16xi32>
      %mul3A_757 = arith.muli %add3A_754, %mul3A_756 : vector<16xi32>
      %add3A_758 = arith.addi %mul3A_757, %add3A_753 : vector<16xi32>
      %mul3A_759 = arith.constant 12 : i32
      %mul3A_760 = vector.broadcast %mul3A_759 : i32 to vector<16xi32>
      %mul3A_761 = arith.muli %add3A_758, %mul3A_760 : vector<16xi32>
      %add3A_762 = arith.addi %mul3A_761, %add3A_752 : vector<16xi32>
      %mul3A_763 = arith.constant 40 : i32
      %mul3A_764 = vector.broadcast %mul3A_763 : i32 to vector<16xi32>
      %mul3A_765 = arith.muli %add3A_762, %mul3A_764 : vector<16xi32>
      %scan3A_766 = arith.constant 0 : i32
      %scan3A_767 = arith.constant 40 : i32
      %scan3A_768 = arith.addi %scan3A_766, %scan3A_767 : i32
      %scan3A_769 = arith.constant 1 : i32
      %scan3A_770 = scf.for %scan3A_793 = %scan3A_766 to %scan3A_768 step %scan3A_769 iter_args(%scan3A_794 = %scan3A_748) -> (vector<16xi32>)  : i32 {
        %add3A_795 = vector.broadcast %scan3A_793 : i32 to vector<16xi32>
        %add3A_796 = arith.addi %mul3A_765, %add3A_795 : vector<16xi32>
        %gather3A = tpu.vector_load_idx %arg13[%add3A_796] : memref<69120xi32, #tpu.memory_space<vmem>>[vector<16xi32>], vector<16xi32>,
        %gather3A_797 = tpu.vector_load_idx %arg10[%gather3A] : memref<10240xf32, #tpu.memory_space<vmem>>[vector<16xi32>], vector<16xf32>,
        %gather3A_798 = tpu.vector_load_idx %arg11[%gather3A] : memref<10240xf32, #tpu.memory_space<vmem>>[vector<16xi32>], vector<16xf32>,
        %gather3A_799 = tpu.vector_load_idx %arg12[%gather3A] : memref<10240xf32, #tpu.memory_space<vmem>>[vector<16xi32>], vector<16xf32>,
        %sub3A_800 = arith.subf %gather3A_797, %get3A_17 : vector<16xf32>
        %sub3A_801 = arith.subf %gather3A_798, %get3A_19 : vector<16xf32>
        %sub3A_802 = arith.subf %gather3A_799, %get3A_21 : vector<16xf32>
        %mul3A_803 = arith.mulf %sub3A_800, %sub3A_800 : vector<16xf32>
        %mul3A_804 = arith.mulf %sub3A_801, %sub3A_801 : vector<16xf32>
        %add3A_805 = arith.addf %mul3A_803, %mul3A_804 : vector<16xf32>
        %mul3A_806 = arith.mulf %sub3A_802, %sub3A_802 : vector<16xf32>
        %add3A_807 = arith.addf %add3A_805, %mul3A_806 : vector<16xf32>
        %le3A = arith.constant 2.500000e-03 : f32
        %le3A_808 = vector.broadcast %le3A : f32 to vector<16xf32>
        %le3A_809 = arith.cmpf ole, %add3A_807, %le3A_808 : vector<16xf32>
        %ne3A = arith.cmpi ne, %gather3A, %add3A_23 : vector<16xi32>
        %and3A = arith.andi %le3A_809, %ne3A : vector<16xi1>
        %lt3A = arith.constant 32 : i32
        %lt3A_810 = vector.broadcast %lt3A : i32 to vector<16xi32>
        %lt3A_811 = arith.cmpi slt, %scan3A_794, %lt3A_810 : vector<16xi32>
        %and3A_812 = arith.andi %and3A, %lt3A_811 : vector<16xi1>
        %jit3A_813 = arith.constant 0 : i32
        %jit3A_814 = arith.constant 31 : i32
        %max3A_815 = vector.broadcast %jit3A_813 : i32 to vector<16xi32>
        %max3A_816 = arith.maxsi %max3A_815, %scan3A_794 : vector<16xi32>
        %min3A_817 = vector.broadcast %jit3A_814 : i32 to vector<16xi32>
        %min3A_818 = arith.minsi %min3A_817, %max3A_816 : vector<16xi32>
        tpu.vector_store_idx %arg14[%iota3A, %min3A_818], %gather3A masked %and3A_812 : memref<16x32xi32, #tpu.memory_space<vmem>>[vector<16xi32>, vector<16xi32>], vector<16xi32>, vector<16xi1>
        tpu.vector_store_idx %arg15[%iota3A, %min3A_818], %gather3A_797 masked %and3A_812 : memref<16x32xf32, #tpu.memory_space<vmem>>[vector<16xi32>, vector<16xi32>], vector<16xf32>, vector<16xi1>
        tpu.vector_store_idx %arg16[%iota3A, %min3A_818], %gather3A_798 masked %and3A_812 : memref<16x32xf32, #tpu.memory_space<vmem>>[vector<16xi32>, vector<16xi32>], vector<16xf32>, vector<16xi1>
        tpu.vector_store_idx %arg17[%iota3A, %min3A_818], %gather3A_799 masked %and3A_812 : memref<16x32xf32, #tpu.memory_space<vmem>>[vector<16xi32>, vector<16xi32>], vector<16xf32>, vector<16xi1>
        %jit3A_819 = arith.constant 1 : i32
        %jit3A_820 = arith.constant 0 : i32
        %broadcast_in_dim3A_821 = vector.broadcast %jit3A_819 : i32 to vector<16xi32>
        %broadcast_in_dim3A_822 = vector.broadcast %jit3A_820 : i32 to vector<16xi32>
        %select_n3A_823 = arith.select %and3A_812, %broadcast_in_dim3A_821, %broadcast_in_dim3A_822 : vector<16xi1>, vector<16xi32>
        %add3A_824 = arith.addi %scan3A_794, %select_n3A_823 : vector<16xi32>
        scf.yield %add3A_824 : vector<16xi32>
      }
      %scan3A_771 = arith.constant 40 : i32
      %add3A_772 = arith.addi %add3A_40, %select_n3A : vector<16xi32>
      %add3A_773 = arith.addi %add3A_49, %select_n3A_81 : vector<16xi32>
      %add3A_774 = arith.addi %add3A_58, %select_n3A_94 : vector<16xi32>
      %mul3A_775 = arith.constant 12 : i32
      %mul3A_776 = vector.broadcast %mul3A_775 : i32 to vector<16xi32>
      %mul3A_777 = arith.muli %add3A_774, %mul3A_776 : vector<16xi32>
      %add3A_778 = arith.addi %mul3A_777, %add3A_773 : vector<16xi32>
      %mul3A_779 = arith.constant 12 : i32
      %mul3A_780 = vector.broadcast %mul3A_779 : i32 to vector<16xi32>
      %mul3A_781 = arith.muli %add3A_778, %mul3A_780 : vector<16xi32>
      %add3A_782 = arith.addi %mul3A_781, %add3A_772 : vector<16xi32>
      %mul3A_783 = arith.constant 40 : i32
      %mul3A_784 = vector.broadcast %mul3A_783 : i32 to vector<16xi32>
      %mul3A_785 = arith.muli %add3A_782, %mul3A_784 : vector<16xi32>
      %scan3A_786 = arith.constant 0 : i32
      %scan3A_787 = arith.constant 40 : i32
      %scan3A_788 = arith.addi %scan3A_786, %scan3A_787 : i32
      %scan3A_789 = arith.constant 1 : i32
      %scan3A_790 = scf.for %scan3A_793 = %scan3A_786 to %scan3A_788 step %scan3A_789 iter_args(%scan3A_794 = %scan3A_770) -> (vector<16xi32>)  : i32 {
        %add3A_795 = vector.broadcast %scan3A_793 : i32 to vector<16xi32>
        %add3A_796 = arith.addi %mul3A_785, %add3A_795 : vector<16xi32>
        %gather3A = tpu.vector_load_idx %arg13[%add3A_796] : memref<69120xi32, #tpu.memory_space<vmem>>[vector<16xi32>], vector<16xi32>,
        %gather3A_797 = tpu.vector_load_idx %arg10[%gather3A] : memref<10240xf32, #tpu.memory_space<vmem>>[vector<16xi32>], vector<16xf32>,
        %gather3A_798 = tpu.vector_load_idx %arg11[%gather3A] : memref<10240xf32, #tpu.memory_space<vmem>>[vector<16xi32>], vector<16xf32>,
        %gather3A_799 = tpu.vector_load_idx %arg12[%gather3A] : memref<10240xf32, #tpu.memory_space<vmem>>[vector<16xi32>], vector<16xf32>,
        %sub3A_800 = arith.subf %gather3A_797, %get3A_17 : vector<16xf32>
        %sub3A_801 = arith.subf %gather3A_798, %get3A_19 : vector<16xf32>
        %sub3A_802 = arith.subf %gather3A_799, %get3A_21 : vector<16xf32>
        %mul3A_803 = arith.mulf %sub3A_800, %sub3A_800 : vector<16xf32>
        %mul3A_804 = arith.mulf %sub3A_801, %sub3A_801 : vector<16xf32>
        %add3A_805 = arith.addf %mul3A_803, %mul3A_804 : vector<16xf32>
        %mul3A_806 = arith.mulf %sub3A_802, %sub3A_802 : vector<16xf32>
        %add3A_807 = arith.addf %add3A_805, %mul3A_806 : vector<16xf32>
        %le3A = arith.constant 2.500000e-03 : f32
        %le3A_808 = vector.broadcast %le3A : f32 to vector<16xf32>
        %le3A_809 = arith.cmpf ole, %add3A_807, %le3A_808 : vector<16xf32>
        %ne3A = arith.cmpi ne, %gather3A, %add3A_23 : vector<16xi32>
        %and3A = arith.andi %le3A_809, %ne3A : vector<16xi1>
        %lt3A = arith.constant 32 : i32
        %lt3A_810 = vector.broadcast %lt3A : i32 to vector<16xi32>
        %lt3A_811 = arith.cmpi slt, %scan3A_794, %lt3A_810 : vector<16xi32>
        %and3A_812 = arith.andi %and3A, %lt3A_811 : vector<16xi1>
        %jit3A_813 = arith.constant 0 : i32
        %jit3A_814 = arith.constant 31 : i32
        %max3A_815 = vector.broadcast %jit3A_813 : i32 to vector<16xi32>
        %max3A_816 = arith.maxsi %max3A_815, %scan3A_794 : vector<16xi32>
        %min3A_817 = vector.broadcast %jit3A_814 : i32 to vector<16xi32>
        %min3A_818 = arith.minsi %min3A_817, %max3A_816 : vector<16xi32>
        tpu.vector_store_idx %arg14[%iota3A, %min3A_818], %gather3A masked %and3A_812 : memref<16x32xi32, #tpu.memory_space<vmem>>[vector<16xi32>, vector<16xi32>], vector<16xi32>, vector<16xi1>
        tpu.vector_store_idx %arg15[%iota3A, %min3A_818], %gather3A_797 masked %and3A_812 : memref<16x32xf32, #tpu.memory_space<vmem>>[vector<16xi32>, vector<16xi32>], vector<16xf32>, vector<16xi1>
        tpu.vector_store_idx %arg16[%iota3A, %min3A_818], %gather3A_798 masked %and3A_812 : memref<16x32xf32, #tpu.memory_space<vmem>>[vector<16xi32>, vector<16xi32>], vector<16xf32>, vector<16xi1>
        tpu.vector_store_idx %arg17[%iota3A, %min3A_818], %gather3A_799 masked %and3A_812 : memref<16x32xf32, #tpu.memory_space<vmem>>[vector<16xi32>, vector<16xi32>], vector<16xf32>, vector<16xi1>
        %jit3A_819 = arith.constant 1 : i32
        %jit3A_820 = arith.constant 0 : i32
        %broadcast_in_dim3A_821 = vector.broadcast %jit3A_819 : i32 to vector<16xi32>
        %broadcast_in_dim3A_822 = vector.broadcast %jit3A_820 : i32 to vector<16xi32>
        %select_n3A_823 = arith.select %and3A_812, %broadcast_in_dim3A_821, %broadcast_in_dim3A_822 : vector<16xi1>, vector<16xi32>
        %add3A_824 = arith.addi %scan3A_794, %select_n3A_823 : vector<16xi32>
        scf.yield %add3A_824 : vector<16xi32>
      }
      %scan3A_791 = arith.constant 40 : i32
      "tpu.region"() ({
        %run_scoped3A = tpu.sem_alloc : memref<!tpu.dma_semaphore, #tpu.memory_space<semaphore_mem>>
        %dma_start3A = arith.constant 0 : i32
        %dma_start3A_793 = tpu.memref_slice %arg6[%add3A_16, %dma_start3A] : memref<10240x32xi32, #tpu.memory_space<hbm>> -> memref<16x32xi32, #tpu.memory_space<hbm>>
        %dma_start3A_794 = arith.constant 0 : i32
        %dma_start3A_795 = tpu.memref_slice %arg6[%add3A_16, %dma_start3A_794] : memref<10240x32xi32, #tpu.memory_space<hbm>> -> memref<16x32xi32, #tpu.memory_space<hbm>>
        tpu.enqueue_dma source(%arg14 : memref<16x32xi32, #tpu.memory_space<vmem>>) target(%dma_start3A_795 : memref<16x32xi32, #tpu.memory_space<hbm>>) target_semaphore(%run_scoped3A : memref<!tpu.dma_semaphore, #tpu.memory_space<semaphore_mem>>)
        %dma_wait3A = arith.constant 0 : i32
        %dma_wait3A_796 = tpu.memref_slice %arg6[%add3A_16, %dma_wait3A] : memref<10240x32xi32, #tpu.memory_space<hbm>> -> memref<16x32xi32, #tpu.memory_space<hbm>>
        %dma_wait3A_797 = arith.constant 0 : i32
        %dma_wait3A_798 = tpu.memref_slice %arg6[%add3A_16, %dma_wait3A_797] : memref<10240x32xi32, #tpu.memory_space<hbm>> -> memref<16x32xi32, #tpu.memory_space<hbm>>
        tpu.wait_dma2 semaphore(%run_scoped3A : memref<!tpu.dma_semaphore, #tpu.memory_space<semaphore_mem>>) src(%arg14 : memref<16x32xi32, #tpu.memory_space<vmem>>) dst(%dma_wait3A_798 : memref<16x32xi32, #tpu.memory_space<hbm>>)
        tpu.yield
      }) : () -> ()
      "tpu.region"() ({
        %run_scoped3A = tpu.sem_alloc : memref<!tpu.dma_semaphore, #tpu.memory_space<semaphore_mem>>
        %dma_start3A = arith.constant 0 : i32
        %dma_start3A_793 = tpu.memref_slice %arg7[%add3A_16, %dma_start3A] : memref<10240x32xf32, #tpu.memory_space<hbm>> -> memref<16x32xf32, #tpu.memory_space<hbm>>
        %dma_start3A_794 = arith.constant 0 : i32
        %dma_start3A_795 = tpu.memref_slice %arg7[%add3A_16, %dma_start3A_794] : memref<10240x32xf32, #tpu.memory_space<hbm>> -> memref<16x32xf32, #tpu.memory_space<hbm>>
        tpu.enqueue_dma source(%arg15 : memref<16x32xf32, #tpu.memory_space<vmem>>) target(%dma_start3A_795 : memref<16x32xf32, #tpu.memory_space<hbm>>) target_semaphore(%run_scoped3A : memref<!tpu.dma_semaphore, #tpu.memory_space<semaphore_mem>>)
        %dma_wait3A = arith.constant 0 : i32
        %dma_wait3A_796 = tpu.memref_slice %arg7[%add3A_16, %dma_wait3A] : memref<10240x32xf32, #tpu.memory_space<hbm>> -> memref<16x32xf32, #tpu.memory_space<hbm>>
        %dma_wait3A_797 = arith.constant 0 : i32
        %dma_wait3A_798 = tpu.memref_slice %arg7[%add3A_16, %dma_wait3A_797] : memref<10240x32xf32, #tpu.memory_space<hbm>> -> memref<16x32xf32, #tpu.memory_space<hbm>>
        tpu.wait_dma2 semaphore(%run_scoped3A : memref<!tpu.dma_semaphore, #tpu.memory_space<semaphore_mem>>) src(%arg15 : memref<16x32xf32, #tpu.memory_space<vmem>>) dst(%dma_wait3A_798 : memref<16x32xf32, #tpu.memory_space<hbm>>)
        tpu.yield
      }) : () -> ()
      "tpu.region"() ({
        %run_scoped3A = tpu.sem_alloc : memref<!tpu.dma_semaphore, #tpu.memory_space<semaphore_mem>>
        %dma_start3A = arith.constant 0 : i32
        %dma_start3A_793 = tpu.memref_slice %arg8[%add3A_16, %dma_start3A] : memref<10240x32xf32, #tpu.memory_space<hbm>> -> memref<16x32xf32, #tpu.memory_space<hbm>>
        %dma_start3A_794 = arith.constant 0 : i32
        %dma_start3A_795 = tpu.memref_slice %arg8[%add3A_16, %dma_start3A_794] : memref<10240x32xf32, #tpu.memory_space<hbm>> -> memref<16x32xf32, #tpu.memory_space<hbm>>
        tpu.enqueue_dma source(%arg16 : memref<16x32xf32, #tpu.memory_space<vmem>>) target(%dma_start3A_795 : memref<16x32xf32, #tpu.memory_space<hbm>>) target_semaphore(%run_scoped3A : memref<!tpu.dma_semaphore, #tpu.memory_space<semaphore_mem>>)
        %dma_wait3A = arith.constant 0 : i32
        %dma_wait3A_796 = tpu.memref_slice %arg8[%add3A_16, %dma_wait3A] : memref<10240x32xf32, #tpu.memory_space<hbm>> -> memref<16x32xf32, #tpu.memory_space<hbm>>
        %dma_wait3A_797 = arith.constant 0 : i32
        %dma_wait3A_798 = tpu.memref_slice %arg8[%add3A_16, %dma_wait3A_797] : memref<10240x32xf32, #tpu.memory_space<hbm>> -> memref<16x32xf32, #tpu.memory_space<hbm>>
        tpu.wait_dma2 semaphore(%run_scoped3A : memref<!tpu.dma_semaphore, #tpu.memory_space<semaphore_mem>>) src(%arg16 : memref<16x32xf32, #tpu.memory_space<vmem>>) dst(%dma_wait3A_798 : memref<16x32xf32, #tpu.memory_space<hbm>>)
        tpu.yield
      }) : () -> ()
      "tpu.region"() ({
        %run_scoped3A = tpu.sem_alloc : memref<!tpu.dma_semaphore, #tpu.memory_space<semaphore_mem>>
        %dma_start3A = arith.constant 0 : i32
        %dma_start3A_793 = tpu.memref_slice %arg9[%add3A_16, %dma_start3A] : memref<10240x32xf32, #tpu.memory_space<hbm>> -> memref<16x32xf32, #tpu.memory_space<hbm>>
        %dma_start3A_794 = arith.constant 0 : i32
        %dma_start3A_795 = tpu.memref_slice %arg9[%add3A_16, %dma_start3A_794] : memref<10240x32xf32, #tpu.memory_space<hbm>> -> memref<16x32xf32, #tpu.memory_space<hbm>>
        tpu.enqueue_dma source(%arg17 : memref<16x32xf32, #tpu.memory_space<vmem>>) target(%dma_start3A_795 : memref<16x32xf32, #tpu.memory_space<hbm>>) target_semaphore(%run_scoped3A : memref<!tpu.dma_semaphore, #tpu.memory_space<semaphore_mem>>)
        %dma_wait3A = arith.constant 0 : i32
        %dma_wait3A_796 = tpu.memref_slice %arg9[%add3A_16, %dma_wait3A] : memref<10240x32xf32, #tpu.memory_space<hbm>> -> memref<16x32xf32, #tpu.memory_space<hbm>>
        %dma_wait3A_797 = arith.constant 0 : i32
        %dma_wait3A_798 = tpu.memref_slice %arg9[%add3A_16, %dma_wait3A_797] : memref<10240x32xf32, #tpu.memory_space<hbm>> -> memref<16x32xf32, #tpu.memory_space<hbm>>
        tpu.wait_dma2 semaphore(%run_scoped3A : memref<!tpu.dma_semaphore, #tpu.memory_space<semaphore_mem>>) src(%arg17 : memref<16x32xf32, #tpu.memory_space<vmem>>) dst(%dma_wait3A_798 : memref<16x32xf32, #tpu.memory_space<hbm>>)
        tpu.yield
      }) : () -> ()
      %scan3A_792 = arith.constant 0 : i32
      scf.yield %scan3A_792 : i32
    }
    %scan3A_9 = arith.constant 20 : i32
    return
  }
}

module attributes {stable_mosaic.version = 14 : i64} {
  func.func @_t1_body(%arg0: i32, %arg1: memref<80x128xf32, #tpu.memory_space<vmem>>, %arg2: memref<80x128xf32, #tpu.memory_space<vmem>>, %arg3: memref<80x128xf32, #tpu.memory_space<vmem>>, %arg4: memref<256x1xf32, #tpu.memory_space<vmem>>, %arg5: memref<256x1xf32, #tpu.memory_space<vmem>>, %arg6: memref<256x1xf32, #tpu.memory_space<vmem>>, %arg7: memref<256x1xi32, #tpu.memory_space<vmem>>, %arg8: memref<80x128xi32, #tpu.memory_space<vmem>>) attributes {dimension_semantics = [#tpu.dimension_semantics<arbitrary>], iteration_bounds = array<i64: 40>, scalar_prefetch = 0 : i64, scratch_operands = 1 : i64, tpu.core_type = #tpu.core_type<tc>, window_params = [{pipeline_mode = #tpu.pipeline_mode<synchronous>, transform_indices = @transform_0, window_bounds = array<i64: 80, 128>}, {pipeline_mode = #tpu.pipeline_mode<synchronous>, transform_indices = @transform_1, window_bounds = array<i64: 80, 128>}, {pipeline_mode = #tpu.pipeline_mode<synchronous>, transform_indices = @transform_2, window_bounds = array<i64: 80, 128>}, {transform_indices = @transform_3, window_bounds = array<i64: 256, 1>}, {transform_indices = @transform_4, window_bounds = array<i64: 256, 1>}, {transform_indices = @transform_5, window_bounds = array<i64: 256, 1>}, {transform_indices = @transform_6, window_bounds = array<i64: 256, 1>}]} {
    %eq3A = arith.constant 0 : i32
    %eq3A_0 = arith.cmpi eq, %arg0, %eq3A : i32
    %convert_element_type3A = arith.extui %eq3A_0 : i1 to i32
    %cond3A = arith.constant 0 : i32
    %cond3A_1 = arith.cmpi ne, %convert_element_type3A, %cond3A : i32
    scf.if %cond3A_1 {
      %get3A_96 = arith.constant 0 : index
      %get3A_97 = arith.constant 0 : index
      %get3A_98 = vector.load %arg1[%get3A_96, %get3A_97] : memref<80x128xf32, #tpu.memory_space<vmem>>, vector<80x128xf32>
      %get3A_99 = arith.constant 0 : index
      %get3A_100 = arith.constant 0 : index
      %get3A_101 = vector.load %arg2[%get3A_99, %get3A_100] : memref<80x128xf32, #tpu.memory_space<vmem>>, vector<80x128xf32>
      %get3A_102 = arith.constant 0 : index
      %get3A_103 = arith.constant 0 : index
      %get3A_104 = vector.load %arg3[%get3A_102, %get3A_103] : memref<80x128xf32, #tpu.memory_space<vmem>>, vector<80x128xf32>
      %mul3A_105 = arith.constant 1.000000e+01 : f32
      %mul3A_106 = vector.broadcast %mul3A_105 : f32 to vector<80x128xf32>
      %mul3A_107 = arith.mulf %get3A_98, %mul3A_106 : vector<80x128xf32>
      %floor3A_108 = math.floor %mul3A_107 : vector<80x128xf32>
      %convert_element_type3A_109 = arith.fptosi %floor3A_108 : vector<80x128xf32> to vector<80x128xi32>
      %jit3A_110 = arith.constant 0 : i32
      %jit3A_111 = arith.constant 9 : i32
      %max3A_112 = vector.broadcast %jit3A_110 : i32 to vector<80x128xi32>
      %max3A_113 = arith.maxsi %max3A_112, %convert_element_type3A_109 : vector<80x128xi32>
      %min3A_114 = vector.broadcast %jit3A_111 : i32 to vector<80x128xi32>
      %min3A_115 = arith.minsi %min3A_114, %max3A_113 : vector<80x128xi32>
      %add3A_116 = arith.constant 1 : i32
      %add3A_117 = vector.broadcast %add3A_116 : i32 to vector<80x128xi32>
      %add3A_118 = arith.addi %min3A_115, %add3A_117 : vector<80x128xi32>
      %mul3A_119 = arith.constant 1.000000e+01 : f32
      %mul3A_120 = vector.broadcast %mul3A_119 : f32 to vector<80x128xf32>
      %mul3A_121 = arith.mulf %get3A_101, %mul3A_120 : vector<80x128xf32>
      %floor3A_122 = math.floor %mul3A_121 : vector<80x128xf32>
      %convert_element_type3A_123 = arith.fptosi %floor3A_122 : vector<80x128xf32> to vector<80x128xi32>
      %jit3A_124 = arith.constant 0 : i32
      %jit3A_125 = arith.constant 9 : i32
      %max3A_126 = vector.broadcast %jit3A_124 : i32 to vector<80x128xi32>
      %max3A_127 = arith.maxsi %max3A_126, %convert_element_type3A_123 : vector<80x128xi32>
      %min3A_128 = vector.broadcast %jit3A_125 : i32 to vector<80x128xi32>
      %min3A_129 = arith.minsi %min3A_128, %max3A_127 : vector<80x128xi32>
      %add3A_130 = arith.constant 1 : i32
      %add3A_131 = vector.broadcast %add3A_130 : i32 to vector<80x128xi32>
      %add3A_132 = arith.addi %min3A_129, %add3A_131 : vector<80x128xi32>
      %mul3A_133 = arith.constant 1.000000e+01 : f32
      %mul3A_134 = vector.broadcast %mul3A_133 : f32 to vector<80x128xf32>
      %mul3A_135 = arith.mulf %get3A_104, %mul3A_134 : vector<80x128xf32>
      %floor3A_136 = math.floor %mul3A_135 : vector<80x128xf32>
      %convert_element_type3A_137 = arith.fptosi %floor3A_136 : vector<80x128xf32> to vector<80x128xi32>
      %jit3A_138 = arith.constant 0 : i32
      %jit3A_139 = arith.constant 9 : i32
      %max3A_140 = vector.broadcast %jit3A_138 : i32 to vector<80x128xi32>
      %max3A_141 = arith.maxsi %max3A_140, %convert_element_type3A_137 : vector<80x128xi32>
      %min3A_142 = vector.broadcast %jit3A_139 : i32 to vector<80x128xi32>
      %min3A_143 = arith.minsi %min3A_142, %max3A_141 : vector<80x128xi32>
      %add3A_144 = arith.constant 1 : i32
      %add3A_145 = vector.broadcast %add3A_144 : i32 to vector<80x128xi32>
      %add3A_146 = arith.addi %min3A_143, %add3A_145 : vector<80x128xi32>
      %mul3A_147 = arith.constant 12 : i32
      %mul3A_148 = vector.broadcast %mul3A_147 : i32 to vector<80x128xi32>
      %mul3A_149 = arith.muli %add3A_146, %mul3A_148 : vector<80x128xi32>
      %add3A_150 = arith.addi %mul3A_149, %add3A_132 : vector<80x128xi32>
      %mul3A_151 = arith.constant 12 : i32
      %mul3A_152 = vector.broadcast %mul3A_151 : i32 to vector<80x128xi32>
      %mul3A_153 = arith.muli %add3A_150, %mul3A_152 : vector<80x128xi32>
      %add3A_154 = arith.addi %mul3A_153, %add3A_118 : vector<80x128xi32>
      %iota3A_155 = tpu.iota {dimensions = array<i32: 0>} : vector<80x128xi32>
      %mul3A_156 = arith.constant 128 : i32
      %mul3A_157 = vector.broadcast %mul3A_156 : i32 to vector<80x128xi32>
      %mul3A_158 = arith.muli %iota3A_155, %mul3A_157 : vector<80x128xi32>
      %iota3A_159 = tpu.iota {dimensions = array<i32: 1>} : vector<80x128xi32>
      %add3A_160 = arith.addi %mul3A_158, %iota3A_159 : vector<80x128xi32>
      %lt3A_161 = arith.constant 10000 : i32
      %lt3A_162 = vector.broadcast %lt3A_161 : i32 to vector<80x128xi32>
      %lt3A_163 = arith.cmpi slt, %add3A_160, %lt3A_162 : vector<80x128xi32>
      %add3A_164 = arith.constant 100000 : i32
      %add3A_165 = vector.broadcast %add3A_164 : i32 to vector<80x128xi32>
      %add3A_166 = arith.addi %add3A_165, %add3A_160 : vector<80x128xi32>
      %select_n3A_167 = arith.select %lt3A_163, %add3A_154, %add3A_166 : vector<80x128xi1>, vector<80x128xi32>
      %swap3A_168 = arith.constant 0 : index
      %swap3A_169 = arith.constant 0 : index
      %swap3A_170 = vector.load %arg8[%swap3A_168, %swap3A_169] : memref<80x128xi32, #tpu.memory_space<vmem>>, vector<80x128xi32>
      tpu.vector_store %arg8[%swap3A_168, %swap3A_169], %select_n3A_167 {strides = array<i32>} : memref<80x128xi32, #tpu.memory_space<vmem>>, vector<80x128xi32>,
    } else {
    }
    %get3A = arith.constant 0 : index
    %get3A_2 = arith.constant 0 : index
    %get3A_3 = vector.load %arg4[%get3A, %get3A_2] : memref<256x1xf32, #tpu.memory_space<vmem>>, vector<256x1xf32>
    %get3A_4 = arith.constant 0 : index
    %get3A_5 = arith.constant 0 : index
    %get3A_6 = vector.load %arg5[%get3A_4, %get3A_5] : memref<256x1xf32, #tpu.memory_space<vmem>>, vector<256x1xf32>
    %get3A_7 = arith.constant 0 : index
    %get3A_8 = arith.constant 0 : index
    %get3A_9 = vector.load %arg6[%get3A_7, %get3A_8] : memref<256x1xf32, #tpu.memory_space<vmem>>, vector<256x1xf32>
    %mul3A = arith.constant 1.000000e+01 : f32
    %mul3A_10 = vector.broadcast %mul3A : f32 to vector<256x1xf32>
    %mul3A_11 = arith.mulf %get3A_3, %mul3A_10 : vector<256x1xf32>
    %floor3A = math.floor %mul3A_11 : vector<256x1xf32>
    %convert_element_type3A_12 = arith.fptosi %floor3A : vector<256x1xf32> to vector<256x1xi32>
    %jit3A = arith.constant 0 : i32
    %jit3A_13 = arith.constant 9 : i32
    %max3A = vector.broadcast %jit3A : i32 to vector<256x1xi32>
    %max3A_14 = arith.maxsi %max3A, %convert_element_type3A_12 : vector<256x1xi32>
    %min3A = vector.broadcast %jit3A_13 : i32 to vector<256x1xi32>
    %min3A_15 = arith.minsi %min3A, %max3A_14 : vector<256x1xi32>
    %add3A = arith.constant 1 : i32
    %add3A_16 = vector.broadcast %add3A : i32 to vector<256x1xi32>
    %add3A_17 = arith.addi %min3A_15, %add3A_16 : vector<256x1xi32>
    %mul3A_18 = arith.constant 1.000000e+01 : f32
    %mul3A_19 = vector.broadcast %mul3A_18 : f32 to vector<256x1xf32>
    %mul3A_20 = arith.mulf %get3A_6, %mul3A_19 : vector<256x1xf32>
    %floor3A_21 = math.floor %mul3A_20 : vector<256x1xf32>
    %convert_element_type3A_22 = arith.fptosi %floor3A_21 : vector<256x1xf32> to vector<256x1xi32>
    %jit3A_23 = arith.constant 0 : i32
    %jit3A_24 = arith.constant 9 : i32
    %max3A_25 = vector.broadcast %jit3A_23 : i32 to vector<256x1xi32>
    %max3A_26 = arith.maxsi %max3A_25, %convert_element_type3A_22 : vector<256x1xi32>
    %min3A_27 = vector.broadcast %jit3A_24 : i32 to vector<256x1xi32>
    %min3A_28 = arith.minsi %min3A_27, %max3A_26 : vector<256x1xi32>
    %add3A_29 = arith.constant 1 : i32
    %add3A_30 = vector.broadcast %add3A_29 : i32 to vector<256x1xi32>
    %add3A_31 = arith.addi %min3A_28, %add3A_30 : vector<256x1xi32>
    %mul3A_32 = arith.constant 1.000000e+01 : f32
    %mul3A_33 = vector.broadcast %mul3A_32 : f32 to vector<256x1xf32>
    %mul3A_34 = arith.mulf %get3A_9, %mul3A_33 : vector<256x1xf32>
    %floor3A_35 = math.floor %mul3A_34 : vector<256x1xf32>
    %convert_element_type3A_36 = arith.fptosi %floor3A_35 : vector<256x1xf32> to vector<256x1xi32>
    %jit3A_37 = arith.constant 0 : i32
    %jit3A_38 = arith.constant 9 : i32
    %max3A_39 = vector.broadcast %jit3A_37 : i32 to vector<256x1xi32>
    %max3A_40 = arith.maxsi %max3A_39, %convert_element_type3A_36 : vector<256x1xi32>
    %min3A_41 = vector.broadcast %jit3A_38 : i32 to vector<256x1xi32>
    %min3A_42 = arith.minsi %min3A_41, %max3A_40 : vector<256x1xi32>
    %add3A_43 = arith.constant 1 : i32
    %add3A_44 = vector.broadcast %add3A_43 : i32 to vector<256x1xi32>
    %add3A_45 = arith.addi %min3A_42, %add3A_44 : vector<256x1xi32>
    %mul3A_46 = arith.constant 12 : i32
    %mul3A_47 = vector.broadcast %mul3A_46 : i32 to vector<256x1xi32>
    %mul3A_48 = arith.muli %add3A_45, %mul3A_47 : vector<256x1xi32>
    %add3A_49 = arith.addi %mul3A_48, %add3A_31 : vector<256x1xi32>
    %mul3A_50 = arith.constant 12 : i32
    %mul3A_51 = vector.broadcast %mul3A_50 : i32 to vector<256x1xi32>
    %mul3A_52 = arith.muli %add3A_49, %mul3A_51 : vector<256x1xi32>
    %add3A_53 = arith.addi %mul3A_52, %add3A_17 : vector<256x1xi32>
    %iota3A = tpu.iota {dimensions = array<i32: 0>} : vector<256x1xi32>
    %mul3A_54 = arith.constant 256 : i32
    %mul3A_55 = arith.muli %arg0, %mul3A_54 : i32
    %add3A_56 = vector.broadcast %mul3A_55 : i32 to vector<256x1xi32>
    %add3A_57 = arith.addi %iota3A, %add3A_56 : vector<256x1xi32>
    %lt3A = arith.constant 10000 : i32
    %lt3A_58 = vector.broadcast %lt3A : i32 to vector<256x1xi32>
    %lt3A_59 = arith.cmpi slt, %add3A_57, %lt3A_58 : vector<256x1xi32>
    %add3A_60 = arith.constant 100000 : i32
    %add3A_61 = vector.broadcast %add3A_60 : i32 to vector<256x1xi32>
    %add3A_62 = arith.addi %add3A_61, %add3A_57 : vector<256x1xi32>
    %select_n3A = arith.select %lt3A_59, %add3A_53, %add3A_62 : vector<256x1xi1>, vector<256x1xi32>
    %mul3A_63 = arith.constant 16384 : i32
    %mul3A_64 = vector.broadcast %mul3A_63 : i32 to vector<256x1xi32>
    %mul3A_65 = arith.muli %select_n3A, %mul3A_64 : vector<256x1xi32>
    %add3A_66 = arith.constant 1 : i32
    %add3A_67 = arith.addi %arg0, %add3A_66 : i32
    %mul3A_68 = arith.constant 2 : i32
    %mul3A_69 = arith.muli %add3A_67, %mul3A_68 : i32
    %broadcast_in_dim3A = arith.constant 0 : i32
    %broadcast_in_dim3A_70 = vector.broadcast %broadcast_in_dim3A : i32 to vector<256x1xi32>
    %while3A = arith.constant 0 : i32
    %while3A_71 = arith.subi %mul3A_69, %while3A : i32
    %while3A_72 = arith.addi %while3A, %while3A_71 : i32
    %while3A_73 = arith.constant 1 : i32
    %while3A_74 = arith.divsi %while3A_71, %while3A_73 : i32
    %while3A_75 = arith.muli %while3A_74, %while3A_73 : i32
    %while3A_76 = arith.addi %while3A, %while3A_75 : i32
    %while3A_77 = arith.constant 1 : i32
    %while3A_78 = scf.for %while3A_96 = %while3A to %while3A_76 step %while3A_77 iter_args(%while3A_97 = %broadcast_in_dim3A_70) -> (vector<256x1xi32>)  : i32 {
      %get3A_98 = arith.index_cast %while3A_96 : i32 to index
      %get3A_99 = arith.constant 0 : index
      %get3A_100 = vector.load %arg8[%get3A_98, %get3A_99] : memref<80x128xi32, #tpu.memory_space<vmem>>, vector<1x128xi32>
      %mul3A_101 = arith.constant 16384 : i32
      %mul3A_102 = vector.broadcast %mul3A_101 : i32 to vector<1x128xi32>
      %mul3A_103 = arith.muli %get3A_100, %mul3A_102 : vector<1x128xi32>
      %iota3A_104 = tpu.iota {dimensions = array<i32: 1>} : vector<1x128xi32>
      %add3A_105 = arith.addi %mul3A_103, %iota3A_104 : vector<1x128xi32>
      %mul3A_106 = arith.constant 128 : i32
      %mul3A_107 = arith.muli %while3A_96, %mul3A_106 : i32
      %add3A_108 = vector.broadcast %mul3A_107 : i32 to vector<1x128xi32>
      %add3A_109 = arith.addi %add3A_105, %add3A_108 : vector<1x128xi32>
      %sub3A = vector.broadcast %add3A_109 : vector<1x128xi32> to vector<256x128xi32>
      %sub3A_110 = vector.broadcast %mul3A_65 : vector<256x1xi32> to vector<256x128xi32>
      %sub3A_111 = arith.subi %sub3A, %sub3A_110 : vector<256x128xi32>
      %lt3A_112 = vector.broadcast %add3A_57 : vector<256x1xi32> to vector<256x128xi32>
      %lt3A_113 = arith.cmpi ult, %sub3A_111, %lt3A_112 : vector<256x128xi32>
      %convert_element_type3A_114 = arith.extui %lt3A_113 : vector<256x128xi1> to vector<256x128xi32>
      %reduce_sum3A = arith.constant dense<0> : vector<256xi32>
      %reduce_sum3A_115 = vector.multi_reduction <add>, %convert_element_type3A_114, %reduce_sum3A [1] : vector<256x128xi32> to vector<256xi32>
      %broadcast_in_dim3A_116 = vector.shape_cast %reduce_sum3A_115 : vector<256xi32> to vector<256x1xi32>
      %add3A_117 = arith.addi %while3A_97, %broadcast_in_dim3A_116 : vector<256x1xi32>
      scf.yield %add3A_117 : vector<256x1xi32>
    }
    %while3A_79 = arith.constant 1 : i32
    %while3A_80 = scf.for %while3A_96 = %while3A_76 to %while3A_72 step %while3A_79 iter_args(%while3A_97 = %while3A_78) -> (vector<256x1xi32>)  : i32 {
      %get3A_98 = arith.index_cast %while3A_96 : i32 to index
      %get3A_99 = arith.constant 0 : index
      %get3A_100 = vector.load %arg8[%get3A_98, %get3A_99] : memref<80x128xi32, #tpu.memory_space<vmem>>, vector<1x128xi32>
      %mul3A_101 = arith.constant 16384 : i32
      %mul3A_102 = vector.broadcast %mul3A_101 : i32 to vector<1x128xi32>
      %mul3A_103 = arith.muli %get3A_100, %mul3A_102 : vector<1x128xi32>
      %iota3A_104 = tpu.iota {dimensions = array<i32: 1>} : vector<1x128xi32>
      %add3A_105 = arith.addi %mul3A_103, %iota3A_104 : vector<1x128xi32>
      %mul3A_106 = arith.constant 128 : i32
      %mul3A_107 = arith.muli %while3A_96, %mul3A_106 : i32
      %add3A_108 = vector.broadcast %mul3A_107 : i32 to vector<1x128xi32>
      %add3A_109 = arith.addi %add3A_105, %add3A_108 : vector<1x128xi32>
      %sub3A = vector.broadcast %add3A_109 : vector<1x128xi32> to vector<256x128xi32>
      %sub3A_110 = vector.broadcast %mul3A_65 : vector<256x1xi32> to vector<256x128xi32>
      %sub3A_111 = arith.subi %sub3A, %sub3A_110 : vector<256x128xi32>
      %lt3A_112 = vector.broadcast %add3A_57 : vector<256x1xi32> to vector<256x128xi32>
      %lt3A_113 = arith.cmpi ult, %sub3A_111, %lt3A_112 : vector<256x128xi32>
      %convert_element_type3A_114 = arith.extui %lt3A_113 : vector<256x128xi1> to vector<256x128xi32>
      %reduce_sum3A = arith.constant dense<0> : vector<256xi32>
      %reduce_sum3A_115 = vector.multi_reduction <add>, %convert_element_type3A_114, %reduce_sum3A [1] : vector<256x128xi32> to vector<256xi32>
      %broadcast_in_dim3A_116 = vector.shape_cast %reduce_sum3A_115 : vector<256xi32> to vector<256x1xi32>
      %add3A_117 = arith.addi %while3A_97, %broadcast_in_dim3A_116 : vector<256x1xi32>
      scf.yield %add3A_117 : vector<256x1xi32>
    }
    %lt3A_81 = arith.constant 40 : i32
    %lt3A_82 = vector.broadcast %lt3A_81 : i32 to vector<256x1xi32>
    %lt3A_83 = arith.cmpi slt, %while3A_80, %lt3A_82 : vector<256x1xi32>
    %lt3A_84 = arith.constant 10000 : i32
    %lt3A_85 = vector.broadcast %lt3A_84 : i32 to vector<256x1xi32>
    %lt3A_86 = arith.cmpi slt, %add3A_57, %lt3A_85 : vector<256x1xi32>
    %and3A = arith.andi %lt3A_83, %lt3A_86 : vector<256x1xi1>
    %mul3A_87 = arith.constant 40 : i32
    %mul3A_88 = vector.broadcast %mul3A_87 : i32 to vector<256x1xi32>
    %mul3A_89 = arith.muli %select_n3A, %mul3A_88 : vector<256x1xi32>
    %add3A_90 = arith.addi %mul3A_89, %while3A_80 : vector<256x1xi32>
    %jit3A_91 = arith.constant 69120 : i32
    %broadcast_in_dim3A_92 = vector.broadcast %jit3A_91 : i32 to vector<256x1xi32>
    %select_n3A_93 = arith.select %and3A, %add3A_90, %broadcast_in_dim3A_92 : vector<256x1xi1>, vector<256x1xi32>
    %swap3A = arith.constant 0 : index
    %swap3A_94 = arith.constant 0 : index
    %swap3A_95 = vector.load %arg7[%swap3A, %swap3A_94] : memref<256x1xi32, #tpu.memory_space<vmem>>, vector<256x1xi32>
    tpu.vector_store %arg7[%swap3A, %swap3A_94], %select_n3A_93 {strides = array<i32>} : memref<256x1xi32, #tpu.memory_space<vmem>>, vector<256x1xi32>,
    return
  }
  func.func @transform_0(%arg0: i32) -> (i32, i32) {
    %c0_i32 = arith.constant 0 : i32
    %c0_i32_0 = arith.constant 0 : i32
    %c0_i32_1 = arith.constant 0 : i32
    return %c0_i32, %c0_i32_0 : i32, i32
  }
  func.func @transform_1(%arg0: i32) -> (i32, i32) {
    %c0_i32 = arith.constant 0 : i32
    %c0_i32_0 = arith.constant 0 : i32
    %c0_i32_1 = arith.constant 0 : i32
    return %c0_i32, %c0_i32_0 : i32, i32
  }
  func.func @transform_2(%arg0: i32) -> (i32, i32) {
    %c0_i32 = arith.constant 0 : i32
    %c0_i32_0 = arith.constant 0 : i32
    %c0_i32_1 = arith.constant 0 : i32
    return %c0_i32, %c0_i32_0 : i32, i32
  }
  func.func @transform_3(%arg0: i32) -> (i32, i32) {
    %c0_i32 = arith.constant 0 : i32
    %c0_i32_0 = arith.constant 0 : i32
    return %arg0, %c0_i32 : i32, i32
  }
  func.func @transform_4(%arg0: i32) -> (i32, i32) {
    %c0_i32 = arith.constant 0 : i32
    %c0_i32_0 = arith.constant 0 : i32
    return %arg0, %c0_i32 : i32, i32
  }
  func.func @transform_5(%arg0: i32) -> (i32, i32) {
    %c0_i32 = arith.constant 0 : i32
    %c0_i32_0 = arith.constant 0 : i32
    return %arg0, %c0_i32 : i32, i32
  }
  func.func @transform_6(%arg0: i32) -> (i32, i32) {
    %c0_i32 = arith.constant 0 : i32
    %c0_i32_0 = arith.constant 0 : i32
    return %arg0, %c0_i32 : i32, i32
  }
}

module attributes {stable_mosaic.version = 14 : i64} {
  func.func @_k5_body(%arg0: i32, %arg1: memref<4096x128xf32, #tpu.memory_space<vmem>>, %arg2: memref<128x32xf32, #tpu.memory_space<vmem>>, %arg3: memref<128x32xf32, #tpu.memory_space<vmem>>, %arg4: memref<128x32xf32, #tpu.memory_space<vmem>>, %arg5: memref<128x1xf32, #tpu.memory_space<vmem>>, %arg6: memref<128x1xf32, #tpu.memory_space<vmem>>, %arg7: memref<128x1xf32, #tpu.memory_space<vmem>>, %arg8: memref<128x128xf32, #tpu.memory_space<vmem>>, %arg9: memref<8192x128xf32, #tpu.memory_space<vmem>>, %arg10: memref<1x128xf32, #tpu.memory_space<vmem>>, %arg11: memref<128x128xf32, #tpu.memory_space<vmem>>, %arg12: memref<1x128xf32, #tpu.memory_space<vmem>>, %arg13: memref<128x128xf32, #tpu.memory_space<vmem>>, %arg14: memref<128x128xf32, #tpu.memory_space<vmem>>) attributes {dimension_semantics = [#tpu.dimension_semantics<arbitrary>], iteration_bounds = array<i64: 80>, scalar_prefetch = 0 : i64, scratch_operands = 0 : i64, tpu.core_type = #tpu.core_type<tc>, window_params = [{transform_indices = @transform_0, window_bounds = array<i64: 4096, 128>}, {transform_indices = @transform_1, window_bounds = array<i64: 128, 32>}, {transform_indices = @transform_2, window_bounds = array<i64: 128, 32>}, {transform_indices = @transform_3, window_bounds = array<i64: 128, 32>}, {transform_indices = @transform_4, window_bounds = array<i64: 128, 1>}, {transform_indices = @transform_5, window_bounds = array<i64: 128, 1>}, {transform_indices = @transform_6, window_bounds = array<i64: 128, 1>}, {transform_indices = @transform_7, window_bounds = array<i64: 128, 128>}, {pipeline_mode = #tpu.pipeline_mode<synchronous>, transform_indices = @transform_8, window_bounds = array<i64: 8192, 128>}, {pipeline_mode = #tpu.pipeline_mode<synchronous>, transform_indices = @transform_9, window_bounds = array<i64: 1, 128>}, {pipeline_mode = #tpu.pipeline_mode<synchronous>, transform_indices = @transform_10, window_bounds = array<i64: 128, 128>}, {pipeline_mode = #tpu.pipeline_mode<synchronous>, transform_indices = @transform_11, window_bounds = array<i64: 1, 128>}, {transform_indices = @transform_12, window_bounds = array<i64: 128, 128>}, {transform_indices = @transform_13, window_bounds = array<i64: 128, 128>}]} {
    %get3A = arith.constant 0 : index
    %get3A_0 = arith.constant 0 : index
    %get3A_1 = vector.load %arg2[%get3A, %get3A_0] : memref<128x32xf32, #tpu.memory_space<vmem>>, vector<128x32xf32>
    %get3A_2 = arith.constant 0 : index
    %get3A_3 = arith.constant 0 : index
    %get3A_4 = vector.load %arg3[%get3A_2, %get3A_3] : memref<128x32xf32, #tpu.memory_space<vmem>>, vector<128x32xf32>
    %get3A_5 = arith.constant 0 : index
    %get3A_6 = arith.constant 0 : index
    %get3A_7 = vector.load %arg4[%get3A_5, %get3A_6] : memref<128x32xf32, #tpu.memory_space<vmem>>, vector<128x32xf32>
    %get3A_8 = arith.constant 0 : index
    %get3A_9 = arith.constant 0 : index
    %get3A_10 = vector.load %arg5[%get3A_8, %get3A_9] : memref<128x1xf32, #tpu.memory_space<vmem>>, vector<128x1xf32>
    %sub3A = vector.broadcast %get3A_10 : vector<128x1xf32> to vector<128x32xf32>
    %sub3A_11 = arith.subf %get3A_1, %sub3A : vector<128x32xf32>
    %mul3A = arith.constant 2.000000e+01 : f32
    %mul3A_12 = vector.broadcast %mul3A : f32 to vector<128x32xf32>
    %mul3A_13 = arith.mulf %sub3A_11, %mul3A_12 : vector<128x32xf32>
    %get3A_14 = arith.constant 0 : index
    %get3A_15 = arith.constant 0 : index
    %get3A_16 = vector.load %arg6[%get3A_14, %get3A_15] : memref<128x1xf32, #tpu.memory_space<vmem>>, vector<128x1xf32>
    %sub3A_17 = vector.broadcast %get3A_16 : vector<128x1xf32> to vector<128x32xf32>
    %sub3A_18 = arith.subf %get3A_4, %sub3A_17 : vector<128x32xf32>
    %mul3A_19 = arith.constant 2.000000e+01 : f32
    %mul3A_20 = vector.broadcast %mul3A_19 : f32 to vector<128x32xf32>
    %mul3A_21 = arith.mulf %sub3A_18, %mul3A_20 : vector<128x32xf32>
    %get3A_22 = arith.constant 0 : index
    %get3A_23 = arith.constant 0 : index
    %get3A_24 = vector.load %arg7[%get3A_22, %get3A_23] : memref<128x1xf32, #tpu.memory_space<vmem>>, vector<128x1xf32>
    %sub3A_25 = vector.broadcast %get3A_24 : vector<128x1xf32> to vector<128x32xf32>
    %sub3A_26 = arith.subf %get3A_7, %sub3A_25 : vector<128x32xf32>
    %mul3A_27 = arith.constant 2.000000e+01 : f32
    %mul3A_28 = vector.broadcast %mul3A_27 : f32 to vector<128x32xf32>
    %mul3A_29 = arith.mulf %sub3A_26, %mul3A_28 : vector<128x32xf32>
    %mul3A_30 = arith.mulf %mul3A_13, %mul3A_13 : vector<128x32xf32>
    %mul3A_31 = arith.mulf %mul3A_21, %mul3A_21 : vector<128x32xf32>
    %add3A = arith.addf %mul3A_30, %mul3A_31 : vector<128x32xf32>
    %mul3A_32 = arith.mulf %mul3A_29, %mul3A_29 : vector<128x32xf32>
    %add3A_33 = arith.addf %add3A, %mul3A_32 : vector<128x32xf32>
    %sqrt3A = math.sqrt %add3A_33 : vector<128x32xf32>
    %abs3A = math.absf %mul3A_13 : vector<128x32xf32>
    %abs3A_34 = math.absf %mul3A_21 : vector<128x32xf32>
    %max3A = arith.maximumf %abs3A, %abs3A_34 : vector<128x32xf32>
    %abs3A_35 = math.absf %mul3A_29 : vector<128x32xf32>
    %max3A_36 = arith.maximumf %max3A, %abs3A_35 : vector<128x32xf32>
    %max3A_37 = arith.constant 9.99999993E-9 : f32
    %max3A_38 = vector.broadcast %max3A_37 : f32 to vector<128x32xf32>
    %max3A_39 = arith.maximumf %max3A_36, %max3A_38 : vector<128x32xf32>
    %div3A = arith.divf %sqrt3A, %max3A_39 : vector<128x32xf32>
    %mul3A_40 = arith.mulf %mul3A_13, %div3A : vector<128x32xf32>
    %add3A_41 = arith.constant 1.000000e+00 : f32
    %add3A_42 = vector.broadcast %add3A_41 : f32 to vector<128x32xf32>
    %add3A_43 = arith.addf %mul3A_40, %add3A_42 : vector<128x32xf32>
    %mul3A_44 = arith.constant 1.500000e+00 : f32
    %mul3A_45 = vector.broadcast %mul3A_44 : f32 to vector<128x32xf32>
    %mul3A_46 = arith.mulf %add3A_43, %mul3A_45 : vector<128x32xf32>
    %jit3A = arith.constant 0.000000e+00 : f32
    %jit3A_47 = arith.constant 3.000000e+00 : f32
    %max3A_48 = vector.broadcast %jit3A : f32 to vector<128x32xf32>
    %max3A_49 = arith.maximumf %max3A_48, %mul3A_46 : vector<128x32xf32>
    %min3A = vector.broadcast %jit3A_47 : f32 to vector<128x32xf32>
    %min3A_50 = arith.minimumf %min3A, %max3A_49 : vector<128x32xf32>
    %mul3A_51 = arith.mulf %mul3A_21, %div3A : vector<128x32xf32>
    %add3A_52 = arith.constant 1.000000e+00 : f32
    %add3A_53 = vector.broadcast %add3A_52 : f32 to vector<128x32xf32>
    %add3A_54 = arith.addf %mul3A_51, %add3A_53 : vector<128x32xf32>
    %mul3A_55 = arith.constant 1.500000e+00 : f32
    %mul3A_56 = vector.broadcast %mul3A_55 : f32 to vector<128x32xf32>
    %mul3A_57 = arith.mulf %add3A_54, %mul3A_56 : vector<128x32xf32>
    %jit3A_58 = arith.constant 0.000000e+00 : f32
    %jit3A_59 = arith.constant 3.000000e+00 : f32
    %max3A_60 = vector.broadcast %jit3A_58 : f32 to vector<128x32xf32>
    %max3A_61 = arith.maximumf %max3A_60, %mul3A_57 : vector<128x32xf32>
    %min3A_62 = vector.broadcast %jit3A_59 : f32 to vector<128x32xf32>
    %min3A_63 = arith.minimumf %min3A_62, %max3A_61 : vector<128x32xf32>
    %mul3A_64 = arith.mulf %mul3A_29, %div3A : vector<128x32xf32>
    %add3A_65 = arith.constant 1.000000e+00 : f32
    %add3A_66 = vector.broadcast %add3A_65 : f32 to vector<128x32xf32>
    %add3A_67 = arith.addf %mul3A_64, %add3A_66 : vector<128x32xf32>
    %mul3A_68 = arith.constant 1.500000e+00 : f32
    %mul3A_69 = vector.broadcast %mul3A_68 : f32 to vector<128x32xf32>
    %mul3A_70 = arith.mulf %add3A_67, %mul3A_69 : vector<128x32xf32>
    %jit3A_71 = arith.constant 0.000000e+00 : f32
    %jit3A_72 = arith.constant 3.000000e+00 : f32
    %max3A_73 = vector.broadcast %jit3A_71 : f32 to vector<128x32xf32>
    %max3A_74 = arith.maximumf %max3A_73, %mul3A_70 : vector<128x32xf32>
    %min3A_75 = vector.broadcast %jit3A_72 : f32 to vector<128x32xf32>
    %min3A_76 = arith.minimumf %min3A_75, %max3A_74 : vector<128x32xf32>
    %iota3A = tpu.iota {dimensions = array<i32: 2>} : vector<1x1x64xi32>
    %shift_right_arithmetic3A = arith.constant 4 : i32
    %shift_right_arithmetic3A_77 = vector.broadcast %shift_right_arithmetic3A : i32 to vector<1x1x64xi32>
    %shift_right_arithmetic3A_78 = arith.shrsi %iota3A, %shift_right_arithmetic3A_77 : vector<1x1x64xi32>
    %convert_element_type3A = arith.sitofp %shift_right_arithmetic3A_78 : vector<1x1x64xi32> to vector<1x1x64xf32>
    %shift_right_arithmetic3A_79 = arith.constant 2 : i32
    %shift_right_arithmetic3A_80 = vector.broadcast %shift_right_arithmetic3A_79 : i32 to vector<1x1x64xi32>
    %shift_right_arithmetic3A_81 = arith.shrsi %iota3A, %shift_right_arithmetic3A_80 : vector<1x1x64xi32>
    %and3A = arith.constant 3 : i32
    %and3A_82 = vector.broadcast %and3A : i32 to vector<1x1x64xi32>
    %and3A_83 = arith.andi %shift_right_arithmetic3A_81, %and3A_82 : vector<1x1x64xi32>
    %convert_element_type3A_84 = arith.sitofp %and3A_83 : vector<1x1x64xi32> to vector<1x1x64xf32>
    %and3A_85 = arith.constant 3 : i32
    %and3A_86 = vector.broadcast %and3A_85 : i32 to vector<1x1x64xi32>
    %and3A_87 = arith.andi %iota3A, %and3A_86 : vector<1x1x64xi32>
    %convert_element_type3A_88 = arith.sitofp %and3A_87 : vector<1x1x64xi32> to vector<1x1x64xf32>
    %broadcast_in_dim3A = vector.shape_cast %min3A_76 : vector<128x32xf32> to vector<128x32x1xf32>
    %sub3A_89 = vector.broadcast %broadcast_in_dim3A : vector<128x32x1xf32> to vector<128x32x64xf32>
    %sub3A_90 = vector.broadcast %convert_element_type3A : vector<1x1x64xf32> to vector<128x32x64xf32>
    %sub3A_91 = arith.subf %sub3A_89, %sub3A_90 : vector<128x32x64xf32>
    %abs3A_92 = math.absf %sub3A_91 : vector<128x32x64xf32>
    %sub3A_93 = arith.constant 1.000000e+00 : f32
    %sub3A_94 = vector.broadcast %sub3A_93 : f32 to vector<128x32x64xf32>
    %sub3A_95 = arith.subf %sub3A_94, %abs3A_92 : vector<128x32x64xf32>
    %max3A_96 = arith.constant 0.000000e+00 : f32
    %max3A_97 = vector.broadcast %max3A_96 : f32 to vector<128x32x64xf32>
    %max3A_98 = arith.maximumf %max3A_97, %sub3A_95 : vector<128x32x64xf32>
    %broadcast_in_dim3A_99 = vector.shape_cast %min3A_63 : vector<128x32xf32> to vector<128x32x1xf32>
    %sub3A_100 = vector.broadcast %broadcast_in_dim3A_99 : vector<128x32x1xf32> to vector<128x32x64xf32>
    %sub3A_101 = vector.broadcast %convert_element_type3A_84 : vector<1x1x64xf32> to vector<128x32x64xf32>
    %sub3A_102 = arith.subf %sub3A_100, %sub3A_101 : vector<128x32x64xf32>
    %abs3A_103 = math.absf %sub3A_102 : vector<128x32x64xf32>
    %sub3A_104 = arith.constant 1.000000e+00 : f32
    %sub3A_105 = vector.broadcast %sub3A_104 : f32 to vector<128x32x64xf32>
    %sub3A_106 = arith.subf %sub3A_105, %abs3A_103 : vector<128x32x64xf32>
    %max3A_107 = arith.constant 0.000000e+00 : f32
    %max3A_108 = vector.broadcast %max3A_107 : f32 to vector<128x32x64xf32>
    %max3A_109 = arith.maximumf %max3A_108, %sub3A_106 : vector<128x32x64xf32>
    %mul3A_110 = arith.mulf %max3A_98, %max3A_109 : vector<128x32x64xf32>
    %broadcast_in_dim3A_111 = vector.shape_cast %min3A_50 : vector<128x32xf32> to vector<128x32x1xf32>
    %sub3A_112 = vector.broadcast %broadcast_in_dim3A_111 : vector<128x32x1xf32> to vector<128x32x64xf32>
    %sub3A_113 = vector.broadcast %convert_element_type3A_88 : vector<1x1x64xf32> to vector<128x32x64xf32>
    %sub3A_114 = arith.subf %sub3A_112, %sub3A_113 : vector<128x32x64xf32>
    %abs3A_115 = math.absf %sub3A_114 : vector<128x32x64xf32>
    %sub3A_116 = arith.constant 1.000000e+00 : f32
    %sub3A_117 = vector.broadcast %sub3A_116 : f32 to vector<128x32x64xf32>
    %sub3A_118 = arith.subf %sub3A_117, %abs3A_115 : vector<128x32x64xf32>
    %max3A_119 = arith.constant 0.000000e+00 : f32
    %max3A_120 = vector.broadcast %max3A_119 : f32 to vector<128x32x64xf32>
    %max3A_121 = arith.maximumf %max3A_120, %sub3A_118 : vector<128x32x64xf32>
    %mul3A_122 = arith.mulf %mul3A_110, %max3A_121 : vector<128x32x64xf32>
    %get3A_123 = arith.constant 0 : index
    %get3A_124 = arith.constant 0 : index
    %get3A_125 = vector.load %arg1[%get3A_123, %get3A_124] : memref<4096x128xf32, #tpu.memory_space<vmem>>, vector<4096x128xf32>
    %reshape3A = vector.shape_cast %get3A_125 : vector<4096x128xf32> to vector<128x32x128xf32>
    %dot_general3A = arith.constant dense<0.000000e+00> : vector<128x64x128xf32>
    %dot_general3A_126 = tpu.matmul %mul3A_122, %reshape3A, %dot_general3A {dimension_numbers = #tpu.dot_dimension_numbers<[1], [1], [2], [2], [0, 0, 0, 2, 1, 2], [0], [0]>, transpose_lhs_hint = false} : vector<128x32x64xf32>, vector<128x32x128xf32>, vector<128x64x128xf32> -> vector<128x64x128xf32>
    %reshape3A_127 = vector.shape_cast %dot_general3A_126 : vector<128x64x128xf32> to vector<128x8192xf32>
    %get3A_128 = arith.constant 0 : index
    %get3A_129 = arith.constant 0 : index
    %get3A_130 = vector.load %arg9[%get3A_128, %get3A_129] : memref<8192x128xf32, #tpu.memory_space<vmem>>, vector<8192x128xf32>
    %dot_general3A_131 = arith.constant dense<0.000000e+00> : vector<128x128xf32>
    %dot_general3A_132 = tpu.matmul %reshape3A_127, %get3A_130, %dot_general3A_131 {dimension_numbers = #tpu.dot_dimension_numbers<[1], [0], [0], [1], [0, 0, 1, 1], [], []>, transpose_lhs_hint = false} : vector<128x8192xf32>, vector<8192x128xf32>, vector<128x128xf32> -> vector<128x128xf32>
    %get3A_133 = arith.constant 0 : index
    %get3A_134 = arith.constant 0 : index
    %get3A_135 = vector.load %arg10[%get3A_133, %get3A_134] : memref<1x128xf32, #tpu.memory_space<vmem>>, vector<1x128xf32>
    %add3A_136 = vector.broadcast %get3A_135 : vector<1x128xf32> to vector<128x128xf32>
    %add3A_137 = arith.addf %dot_general3A_132, %add3A_136 : vector<128x128xf32>
    %swap3A = arith.constant 0 : index
    %swap3A_138 = arith.constant 0 : index
    %swap3A_139 = vector.load %arg13[%swap3A, %swap3A_138] : memref<128x128xf32, #tpu.memory_space<vmem>>, vector<128x128xf32>
    tpu.vector_store %arg13[%swap3A, %swap3A_138], %add3A_137 {strides = array<i32>} : memref<128x128xf32, #tpu.memory_space<vmem>>, vector<128x128xf32>,
    %get3A_140 = arith.constant 0 : index
    %get3A_141 = arith.constant 0 : index
    %get3A_142 = vector.load %arg8[%get3A_140, %get3A_141] : memref<128x128xf32, #tpu.memory_space<vmem>>, vector<128x128xf32>
    %get3A_143 = arith.constant 0 : index
    %get3A_144 = arith.constant 0 : index
    %get3A_145 = vector.load %arg11[%get3A_143, %get3A_144] : memref<128x128xf32, #tpu.memory_space<vmem>>, vector<128x128xf32>
    %dot_general3A_146 = arith.constant dense<0.000000e+00> : vector<128x128xf32>
    %dot_general3A_147 = tpu.matmul %get3A_142, %get3A_145, %dot_general3A_146 {dimension_numbers = #tpu.dot_dimension_numbers<[1], [0], [0], [1], [0, 0, 1, 1], [], []>, transpose_lhs_hint = false} : vector<128x128xf32>, vector<128x128xf32>, vector<128x128xf32> -> vector<128x128xf32>
    %get3A_148 = arith.constant 0 : index
    %get3A_149 = arith.constant 0 : index
    %get3A_150 = vector.load %arg12[%get3A_148, %get3A_149] : memref<1x128xf32, #tpu.memory_space<vmem>>, vector<1x128xf32>
    %add3A_151 = vector.broadcast %get3A_150 : vector<1x128xf32> to vector<128x128xf32>
    %add3A_152 = arith.addf %dot_general3A_147, %add3A_151 : vector<128x128xf32>
    %swap3A_153 = arith.constant 0 : index
    %swap3A_154 = arith.constant 0 : index
    %swap3A_155 = vector.load %arg14[%swap3A_153, %swap3A_154] : memref<128x128xf32, #tpu.memory_space<vmem>>, vector<128x128xf32>
    tpu.vector_store %arg14[%swap3A_153, %swap3A_154], %add3A_152 {strides = array<i32>} : memref<128x128xf32, #tpu.memory_space<vmem>>, vector<128x128xf32>,
    return
  }
  func.func @transform_0(%arg0: i32) -> (i32, i32) {
    %c0_i32 = arith.constant 0 : i32
    %c0_i32_0 = arith.constant 0 : i32
    return %arg0, %c0_i32 : i32, i32
  }
  func.func @transform_1(%arg0: i32) -> (i32, i32) {
    %c0_i32 = arith.constant 0 : i32
    %c0_i32_0 = arith.constant 0 : i32
    return %arg0, %c0_i32 : i32, i32
  }
  func.func @transform_2(%arg0: i32) -> (i32, i32) {
    %c0_i32 = arith.constant 0 : i32
    %c0_i32_0 = arith.constant 0 : i32
    return %arg0, %c0_i32 : i32, i32
  }
  func.func @transform_3(%arg0: i32) -> (i32, i32) {
    %c0_i32 = arith.constant 0 : i32
    %c0_i32_0 = arith.constant 0 : i32
    return %arg0, %c0_i32 : i32, i32
  }
  func.func @transform_4(%arg0: i32) -> (i32, i32) {
    %c0_i32 = arith.constant 0 : i32
    %c0_i32_0 = arith.constant 0 : i32
    return %arg0, %c0_i32 : i32, i32
  }
  func.func @transform_5(%arg0: i32) -> (i32, i32) {
    %c0_i32 = arith.constant 0 : i32
    %c0_i32_0 = arith.constant 0 : i32
    return %arg0, %c0_i32 : i32, i32
  }
  func.func @transform_6(%arg0: i32) -> (i32, i32) {
    %c0_i32 = arith.constant 0 : i32
    %c0_i32_0 = arith.constant 0 : i32
    return %arg0, %c0_i32 : i32, i32
  }
  func.func @transform_7(%arg0: i32) -> (i32, i32) {
    %c0_i32 = arith.constant 0 : i32
    %c0_i32_0 = arith.constant 0 : i32
    return %arg0, %c0_i32 : i32, i32
  }
  func.func @transform_8(%arg0: i32) -> (i32, i32) {
    %c0_i32 = arith.constant 0 : i32
    %c0_i32_0 = arith.constant 0 : i32
    %c0_i32_1 = arith.constant 0 : i32
    return %c0_i32, %c0_i32_0 : i32, i32
  }
  func.func @transform_9(%arg0: i32) -> (i32, i32) {
    %c0_i32 = arith.constant 0 : i32
    %c0_i32_0 = arith.constant 0 : i32
    %c0_i32_1 = arith.constant 0 : i32
    return %c0_i32, %c0_i32_0 : i32, i32
  }
  func.func @transform_10(%arg0: i32) -> (i32, i32) {
    %c0_i32 = arith.constant 0 : i32
    %c0_i32_0 = arith.constant 0 : i32
    %c0_i32_1 = arith.constant 0 : i32
    return %c0_i32, %c0_i32_0 : i32, i32
  }
  func.func @transform_11(%arg0: i32) -> (i32, i32) {
    %c0_i32 = arith.constant 0 : i32
    %c0_i32_0 = arith.constant 0 : i32
    %c0_i32_1 = arith.constant 0 : i32
    return %c0_i32, %c0_i32_0 : i32, i32
  }
  func.func @transform_12(%arg0: i32) -> (i32, i32) {
    %c0_i32 = arith.constant 0 : i32
    %c0_i32_0 = arith.constant 0 : i32
    return %arg0, %c0_i32 : i32, i32
  }
  func.func @transform_13(%arg0: i32) -> (i32, i32) {
    %c0_i32 = arith.constant 0 : i32
    %c0_i32_0 = arith.constant 0 : i32
    return %arg0, %c0_i32 : i32, i32
  }
}

</mosaic_0001>

<sc_bundles>
// kernel: kernel.10.cloned.1.call-start
scs
__scs_entry_jumppad:
0x0: {  	(pc) =	sbr.rel $0x88, $3  }
0x1: {  	(tag) =	ssettag $0x0;
	lr =	simm.s32 $0x1  }
0x2: {  	[smem:$0x3F9B] =	sst lr;
	_ =	strace $0xD0000000  }
0x3: {  	_ = 	snop  }
0x4: {  	_ = 	snop  }
0x5: {  	_ = 	snop  }
0x6: {  	_ = 	snop  }
0x7: {  	_ = 	snop  }
__scs_overlays_trampoline_lowered:
0x8: {  	[smem:$0x3FAA] =	sst s0  }
0x9: {  	[smem:$0x3FAB] =	sst s1  }
0xa: {  	[smem:$0x3FAC] =	sst s2  }
0xb: {  	[smem:$0x3FAD] =	sst s3  }
0xc: {  	[smem:$0x3FAE] =	sst s4  }
0xd: {  	[smem:$0x3FAF] =	sst s5  }
0xe: {  	[smem:$0x3FB0] =	sst s6  }
0xf: {  	[smem:$0x3FB1] =	sst s7  }
0x10: {  	[smem:$0x3FB2] =	sst s8  }
0x11: {  	[smem:$0x3FB3] =	sst s9;
	s0 =	simm.s32 @!p0 $0x0  }
0x12: {  	s1 =	sld [smem:$0x3F99];
	s0 =	simm.s32 @p0 $0x1  }
0x13: {  	[smem:$0x3FB4] =	sst s0;
	s0 =	simm.s32 @!p1 $0x0  }
0x14: {  	s2 =	sld [smem:$0x3F98];
	s0 =	simm.s32 @p1 $0x1  }
0x15: {  	[smem:$0x3FB5] =	sst s0;
	s0 =	simm.s32 @!p2 $0x0  }
0x16: {  	s3 =	sld [smem:$0x3FDB];
	s0 =	simm.s32 @p2 $0x1  }
0x17: {  	s4 =	simm.s32 $0x1BF5;
	[smem:$0x3FB7] =	sst s0  }
0x18: {  	s0 =	sld [smem:$0x3F9A];
	_ =	swait.ge [sflag:s4], $0x0  }
0x19: {  	s7 =	sld [smem:$0x3F9B]  }
0x1a: {  	s8 =	sadd.s32 $0xFFFFE003, lr  }
0x1b: {  	s9 =	sadd.s32 $0xFFFFFEF7, lr;
	s5 =	simm.s32 $0xFFFFFFFF;
	p2 =	slt.u32 s8, $0xFFFFF086  }
0x1c: {  	p1 =	slt.u32 s9, $0xF7A;
	s5 =	simm.s32 @!p2 $0x0  }
0x1d: {  	s5 =	simm.s32 @p1 $0x1;
	p0 =	seq.s32 s7, s2  }
0x1e: {  	s7 =	smul.u32 @!p0 $0xF7A, s2;
	p2 =	seq.s32 @!p0 s5, $0x0  }
0x1f: {  	s9 =	smul.u32 $0xF7A, s1;
	s8 =	simm.s32 @!p0 $0x1BF5;
	p2 =	por !p2, p0  }
0x20: {  	[sflag:s8] =	ssyncset.s32 @!p0 $0xFFFFF086;
	s6 =	sadd.s32 @!p0 s3, s7;
	s7 =	simm.s32 @!p0 $0x108  }
0x21: {  	s3 =	sadd.s32 s3, s9;
	s6 =	sadd.s32 @!p0 $0x88, s6;
	s7 =	simm.s32 @p2 $0x1082  }
0x22: {  	[simem:s7], [sflag:s8] =	dma.local @!p0 [hbm:s6], $0xF7A  }
0x23: {  	s9 =	sor.u32 $0xD0000000, s2;
	s6 =	simm.s32 $0x108;
	_ =	swait.ge @!p0 [sflag:s8], $0x0  }
0x24: {  	s3 =	sadd.s32 $0x88, s3;
	s6 =	simm.s32 @!p1 $0x1082;
	[sflag:s4] =	ssyncset.s32 $0xFFFFF086  }
0x25: {  	[simem:s6], [sflag:s4] =	dma.local [hbm:s3], $0xF7A  }
0x26: {  	[smem:$0x3F9B] =	sst s1;
	(tag) =	ssettag s2;
	_ =	strace s9  }
0x27: {  	s1 =	sld [smem:$0x3FAB]  }
0x28: {  	s2 =	sld [smem:$0x3FAC]  }
0x29: {  	s4 =	sld [smem:$0x3FAE]  }
0x2a: {  	p0 =	seq.s32 s5, $0x0;
	s5 =	sld [smem:$0x3FAF]  }
0x2b: {  	s6 =	sld [smem:$0x3FB0]  }
0x2c: {  	s7 =	sld [smem:$0x3FB1]  }
0x2d: {  	s3 =	simm.s32 $0x108;
	s8 =	sld [smem:$0x3FB2]  }
0x2e: {  	s3 =	simm.s32 @!p0 $0x1082;
	s9 =	sld [smem:$0x3FB3]  }
0x2f: {  	lr =	sadd.s32 s0, s3;
	s0 =	sld [smem:$0x3FAA]  }
0x30: {  	s3 =	sld [smem:$0x3FAD]  }
0x31: {  	[smem:$0x3FB6] =	sst s10  }
0x32: {  	s10 =	sld [smem:$0x3FB4];
	_ =	sdelay $0x3  }
0x33: {  	p0 =	seq.s32 s10, $0x1;
	s10 =	sld [smem:$0x3FB6];
	_ =	sdelay $0x3  }
0x34: {  	[smem:$0x3FB6] =	sst s10  }
0x35: {  	s10 =	sld [smem:$0x3FB5];
	_ =	sdelay $0x3  }
0x36: {  	p1 =	seq.s32 s10, $0x1;
	s10 =	sld [smem:$0x3FB6];
	_ =	sdelay $0x3  }
0x37: {  	[smem:$0x3FB6] =	sst s10  }
0x38: {  	s10 =	sld [smem:$0x3FB7]  }
0x39: {  	_ = 	snop;
	(pc) =	sbr.ind lr, $3  }
0x3a: {  	_ = 	snop  }
0x3b: {  	_ = 	snop  }
0x3c: {  	p2 =	seq.s32 s10, $0x1;
	s10 =	sld [smem:$0x3FB6]  }
0x3d: {  	_ =	shalt  }
0x3e: {  	_ =	shalt  }
0x3f: {  	_ =	shalt  }
0x40: {  	_ =	shalt  }
0x41: {  	_ =	shalt  }
0x42: {  	_ =	shalt  }
0x43: {  	_ =	shalt  }
0x44: {  	_ =	shalt  }
0x45: {  	_ =	shalt  }
0x46: {  	_ =	shalt  }
0x47: {  	_ =	shalt  }
0x48: {  	_ =	shalt  }
0x49: {  	_ =	shalt  }
0x4a: {  	_ =	shalt  }
0x4b: {  	_ =	shalt  }
0x4c: {  	_ =	shalt  }
0x4d: {  	_ =	shalt  }
0x4e: {  	_ =	shalt  }
0x4f: {  	_ =	shalt  }
0x50: {  	_ =	shalt  }
0x51: {  	_ =	shalt  }
0x52: {  	_ =	shalt  }
0x53: {  	_ =	shalt  }
0x54: {  	_ =	shalt  }
0x55: {  	_ =	shalt  }
0x56: {  	_ =	shalt  }
0x57: {  	_ =	shalt  }
0x58: {  	_ =	shalt  }
0x59: {  	_ =	shalt  }
0x5a: {  	_ =	shalt  }
0x5b: {  	_ =	shalt  }
0x5c: {  	_ =	shalt  }
0x5d: {  	_ =	shalt  }
0x5e: {  	_ =	shalt  }
0x5f: {  	_ =	shalt  }
0x60: {  	_ =	shalt  }
0x61: {  	_ =	shalt  }
0x62: {  	_ =	shalt  }
0x63: {  	_ =	shalt  }
0x64: {  	_ =	shalt  }
0x65: {  	_ =	shalt  }
0x66: {  	_ =	shalt  }
0x67: {  	_ =	shalt  }
0x68: {  	_ =	shalt  }
0x69: {  	_ =	shalt  }
0x6a: {  	_ =	shalt  }
0x6b: {  	_ =	shalt  }
0x6c: {  	_ =	shalt  }
0x6d: {  	_ =	shalt  }
0x6e: {  	_ =	shalt  }
0x6f: {  	_ =	shalt  }
0x70: {  	_ =	shalt  }
0x71: {  	_ =	shalt  }
0x72: {  	_ =	shalt  }
0x73: {  	_ =	shalt  }
0x74: {  	_ =	shalt  }
0x75: {  	_ =	shalt  }
0x76: {  	_ =	shalt  }
0x77: {  	_ =	shalt  }
0x78: {  	_ =	shalt  }
0x79: {  	_ =	shalt  }
0x7a: {  	_ =	shalt  }
0x7b: {  	_ =	shalt  }
0x7c: {  	_ =	shalt  }
0x7d: {  	_ =	shalt  }
0x7e: {  	_ =	shalt  }
0x7f: {  	_ =	shalt  }
0x80: {  	_ =	shalt  }
0x81: {  	_ =	shalt  }
0x82: {  	_ =	shalt  }
0x83: {  	_ =	shalt  }
0x84: {  	_ =	shalt  }
0x85: {  	_ =	shalt  }
0x86: {  	_ =	shalt  }
0x87: {  	_ =	shalt  }
.Lfunc_end0:
.L_simem_size_0:
called_computation.1_lowered:
.L_overlay_start_0:
0x88: {  	s2 =	sld [smem:$0x3FD9]  }
0x89: {  	s3 =	sld [smem:$0x3FFE];
	_ =	sdelay $0x1  }
0x8a: {  	s1 =	srdreg.scid  }
0x8b: {  	s0 =	sand.u32 $0x1, s1  }
0x8c: {  	s14 =	sshll.u32 s0, $0xA;
	s2 =	sadd.s32 s3, s2  }
0x8d: {  	s2 =	sadd.s32 s2, s14  }
0x8e: {  	[smem:$0x3FC2] =	sst s2  }
0x8f: {  	_ = 	snop  }
0x90: {  	s2 =	sld [smem:$0x3FD0];
	_ =	sdelay $0x2  }
0x91: {  	s15 =	simm.s32 $0xA;
	s4 =	simm.s32 $0x10  }
0x92: {  	[smem:s4], [sflag:s15] =	dma.local [hbm:s2], $0x1  }
0x93: {  	_ =	swait.eq [sflag:s15], $0x1  }
0x94: {  	[sflag:s15] =	ssyncset.done $0x0  }
0x95: {  	s16 =	sld [smem:$0x10];
	[sflag:s15] =	ssyncadd.s32 $0xFFFFFFFF  }
0x96: {  	s17 =	sld [smem:$0x11];
	(tm) =	ssettm $0x1  }
0x97: {  	s18 =	sld [smem:$0x3FFB];
	_ =	sdelay $0x3  }
0x98: {  	_ =	strace s18  }
0x99: {  	s4 =	sld [smem:$0x3FFC];
	_ =	sdelay $0x3  }
0x9a: {  	_ =	strace s4  }
0x9b: {  	s4 =	sld [smem:$0x3FFD];
	_ =	sdelay $0x3  }
0x9c: {  	_ =	strace s4  }
0x9d: {  	_ =	strace $0x8FFFFFFF  }
0x9e: {  	s19 =	sld [smem:$0x3FDB];
	_ =	sdelay $0x1  }
0x9f: {  	s5 =	simm.s32 $_scs_section_size  }
0xa0: {  	s6 =	simm.s32 $_size__tile_overlayer_lowered;
	s7 =	simm.s32 $_tile_overlayer_lowered  }
0xa1: {  	s22 =	simm.s32 $0x1BFF;
	s21 =	sshll.u32 s7, $0x1;
	s4 =	sadd.s32 s5, s19  }
0xa2: {  	s8 =	simm.s32 $0x0;
	s20 =	sshll.u32 s6, $0x1;
	s6 =	sadd.s32 s21, s4  }
0xa3: {  	[timem:s8], [sflag:s22] =	dma.local [hbm:s6], s20  }
0xa4: {  	_ =	swait.ge [sflag:s22], s20  }
0xa5: {  	s5 =	ssub.s32 $0x0, s20;
	[sflag:s22] =	ssyncset.done $0x0  }
0xa6: {  	[sflag:s22] =	ssyncadd.s32 s5;
	_ =	sdelay $0x1  }
0xa7: {  	s23 =	simm.s32 $0x1B8B  }
0xa8: {  	_ =	swait.ge [sflag:s23], $0x1  }
0xa9: {  	[sflag:s23] =	ssyncset.done $0x0  }
0xaa: {  	s25 =	simm.s32 $0x1B8E;
	s24 =	sld [smem:$0x3FFE];
	[sflag:s23] =	ssyncadd.s32 $0xFFFFFFFF  }
0xab: {  	s26 =	simm.s32 $execute0_lowered;
	[smem:$0x3FD2] =	sst s25  }
0xac: {  	s6 =	sshll.u32 s26, $0x1;
	_ =	strace $0x80000049;
	[dreg:$0x1] =	wrdreg $0xFFFFFFFF  }
0xad: {  	s28 =	simm.s32 $_size_execute0_lowered;
	s4 =	sadd.s32 s4, s6;
	[dreg:$0x0] =	wrdreg $0x0  }
0xae: {  	s6 =	sshll.u32 s28, $0x1;
	[dreg:$0x2] =	wrdreg s4  }
0xaf: {  	[dreg:$0x3] =	wrdreg s6  }
0xb0: {  	[dreg:$0x4] =	wrdreg $0xC0  }
0xb1: {  	_ =	task [dreg:s8], $0x5FFFF  }
0xb2: {  	[dreg:$0x1] =	wrdreg $0xFFFFFFFF  }
0xb3: {  	[dreg:$0x0] =	wrdreg $0x60  }
0xb4: {  	[dreg:$0x2] =	wrdreg s16  }
0xb5: {  	[dreg:$0x3] =	wrdreg s24  }
0xb6: {  	[dreg:$0x4] =	wrdreg s17  }
0xb7: {  	[dreg:$0x5] =	wrdreg $0x9  }
0xb8: {  	_ =	task.clear_ibuf [dreg:s8], $0x6FFFF;
	_ =	strace $0x90000049  }
0xb9: {  	s29 =	simm.s32 $0x9;
	_ =	strace $0x8000004B  }
0xba: {  	_ =	swait.ge [sflag:s29], $0x1  }
0xbb: {  	[sflag:s29] =	ssyncadd.s32 $0xFFFFFFFF  }
0xbc: {  	_ =	strace $0x9000004B  }
0xbd: {  	_ =	sfence  }
0xbe: {  	s30 =	sld [smem:$0x0];
	_ =	sdelay $0x2  }
0xbf: {  	s31 =	sshll.u32 s1, $0xD;
	s1 =	sshrl.u32 s1, $0x2  }
0xc0: {  	s3 =	sand.u32 $0x4000, s31;
	s1 =	sadd.s32 s1, s30  }
0xc1: {  	s0 =	sor.u32 s3, s0;
	s1 =	sshll.u32 s1, $0x11  }
0xc2: {  	s0 =	sor.u32 s1, s0  }
0xc3: {  	s0 =	sadd.s32 $0x8F2B, s0  }
0xc4: {  	[sflag:s0] =	ssyncadd.remote.s32 $0x1  }
0xc5: {  	_ =	sfence.sel $0xFFFF  }
0xc6: {  	[dreg:$0x0] =	wrdreg $0xFFFFFFFF;
	(pc) =	sbr.abs _section_cstart, $3  }
0xc7: {  	[dreg:$0x1] =	wrdreg $0xFFFFFFFF  }
0xc8: {  	_ =	task.clear_ibuf [dreg:s8], $0x2FFFF;
	_ =	strace $0x9FFFFFFF  }
0xc9: {  	(tm) =	ssettm $0x7FFFFFFF  }
tec
execute0_lowered:
.L_overlay_start_1:
0x0: {  	(tag) =	ssettag $0x1  }
0x1: {  	s1 =	rddreg [dreg:$0x0]  }
0x2: {  	s10 =	rddreg [dreg:$0x1]  }
0x3: {  	s2 =	rddreg [dreg:$0x2]  }
0x4: {  	s0 =	rddreg [dreg:$0x3];
	s3 =	simm.s32 $0x0  }
0x5: {  	s4 =	srdreg.scid;
	s15 =	simm.s32 $0x5000;
	s16 =	simm.s32 $0x7800  }
0x6: {  	s17 =	simm.s32 $0x18600;
	s18 =	simm.s32 $0x18E00;
	s19 =	simm.s32 $0x19600  }
0x7: {  	s20 =	simm.s32 $0x19E00;
	s21 =	simm.s32 $0x0;
	[smem:$0x7FF] =	sst s3  }
0x8: {  	s5 =	sadd.s32 $0x2A600, s10;
	s11 =	sand.u32 $0x1, s4;
	s4 =	stileid.u32  }
0x9: {  	s6 =	sadd.s32 $0x2A000, s10;
	s7 =	sadd.s32 $0x7AC00, s10;
	s14 =	sshll.u32 s4, $0x1  }
0xa: {  	s8 =	sadd.s32 $0xA2C00, s10;
	s12 =	ssub.s32 $0x2, s11;
	s11 =	sor.u32 s11, s14  }
0xb: {  	v0 =	vlaneseq.u32;
	s9 =	sadd.s32 $0xCAC00, s10;
	s13 =	sshrl.u32 s12, $0x1;
	s11 =	smul.u32 $0x140, s11  }
0xc: {  	v1 =	vimm.s32 $0x2710;
	v2 =	vimm.f32 $2.000000000e+00;
	v4 =	vimm.s32 $0x0;
	s10 =	sadd.s32 $0xF2C00, s10;
	_ =	strace $0x8000004A;
	s12 =	ssub.s32 s12, s13  }
0xd: {  	v5 =	vimm.s32 $0xFFFFFFFF;
	v3 =	vmul.u32 $0x80, v0;
	s14 =	simm.s32 $0x2800;
	s13 =	simm.s32 $0x1;
	s12 =	smax.u32 s12, $0x1;
	v6 =	vmov s11  }
.LBB2_1:
0xe: {  	[tilespmem:s3], [sflag:$0x1] =	stream.linear.gather [hbm4b:s1+s3], $0x2800, $0x38;
	[tilespmem:$0x1A600] =	vst v63  }
0xf: {  	_ =	swait.ge [sflag:s13], $0x2800  }
0x10: {  	[sflag:s13] =	ssyncset.done $0x0  }
0x11: {  	[sflag:s13] =	ssyncadd.s32 $0xFFFFD800  }
0x12: {  	[tilespmem:s14], [sflag:$0x1] =	stream.linear.gather [hbm4b:s5+s3], $0x2800, $0x38;
	[tilespmem:$0x1A600] =	vst v63  }
0x13: {  	_ =	swait.ge [sflag:s13], $0x2800  }
0x14: {  	[sflag:s13] =	ssyncset.done $0x0  }
0x15: {  	[sflag:s13] =	ssyncadd.s32 $0xFFFFD800  }
0x16: {  	[tilespmem:s15], [sflag:$0x1] =	stream.linear.gather [hbm4b:s6+s3], $0x2800, $0x38;
	[tilespmem:$0x1A600] =	vst v63  }
0x17: {  	_ =	swait.ge [sflag:s13], $0x2800  }
0x18: {  	[sflag:s13] =	ssyncset.done $0x0  }
0x19: {  	[sflag:s13] =	ssyncadd.s32 $0xFFFFD800  }
0x1a: {  	[tilespmem:s16], [sflag:$0x1] =	stream.linear.gather [hbm4b:s2+s3], $0x10E00, $0x38;
	[tilespmem:$0x1A600] =	vst v63  }
0x1b: {  	_ =	swait.ge [sflag:s13], $0x10E00  }
0x1c: {  	[sflag:s13] =	ssyncset.done $0x0  }
0x1d: {  	s22 =	simm.s32 $0x0;
	[sflag:s13] =	ssyncadd.s32 $0xFFFEF200  }
.LBB2_2:
0x1e: {  	_ =	sdelay $0x2  }
0x1f: {  	s23 =	sshll.u32 s22, $0x4  }
0x20: {  	v7 =	vld.idx.msk [tilespmem:v6+s23+$0x0 ss:$0x1], $0xffff  }
0x21: {  	v8 =	vld.idx.msk [tilespmem:v6+s23+$0x2800 ss:$0x1], $0xffff  }
0x22: {  	v9 =	vld.idx.msk [tilespmem:v6+s23+$0x5000 ss:$0x1], $0xffff;
	[tilespmem:$0x18600] =	vst v1  }
0x23: {  	[tilespmem:$0x18E00] =	vst v2  }
0x24: {  	[tilespmem:$0x19600] =	vst v2  }
0x25: {  	[tilespmem:$0x19E00] =	vst v2  }
0x26: {  	[tilespmem:$0x18680] =	vst v1  }
0x27: {  	[tilespmem:$0x18E80] =	vst v2  }
0x28: {  	[tilespmem:$0x19680] =	vst v2  }
0x29: {  	[tilespmem:$0x19E80] =	vst v2  }
0x2a: {  	[tilespmem:$0x18700] =	vst v1  }
0x2b: {  	[tilespmem:$0x18F00] =	vst v2  }
0x2c: {  	[tilespmem:$0x19700] =	vst v2  }
0x2d: {  	[tilespmem:$0x19F00] =	vst v2  }
0x2e: {  	[tilespmem:$0x18780] =	vst v1  }
0x2f: {  	[tilespmem:$0x18F80] =	vst v2  }
0x30: {  	[tilespmem:$0x19780] =	vst v2  }
0x31: {  	[tilespmem:$0x19F80] =	vst v2  }
0x32: {  	[tilespmem:$0x18800] =	vst v1  }
0x33: {  	[tilespmem:$0x19000] =	vst v2  }
0x34: {  	[tilespmem:$0x19800] =	vst v2  }
0x35: {  	[tilespmem:$0x1A000] =	vst v2  }
0x36: {  	[tilespmem:$0x18880] =	vst v1  }
0x37: {  	[tilespmem:$0x19080] =	vst v2  }
0x38: {  	[tilespmem:$0x19880] =	vst v2  }
0x39: {  	[tilespmem:$0x1A080] =	vst v2  }
0x3a: {  	[tilespmem:$0x18900] =	vst v1  }
0x3b: {  	[tilespmem:$0x19100] =	vst v2  }
0x3c: {  	[tilespmem:$0x19900] =	vst v2  }
0x3d: {  	[tilespmem:$0x1A100] =	vst v2  }
0x3e: {  	[tilespmem:$0x18980] =	vst v1  }
0x3f: {  	[tilespmem:$0x19180] =	vst v2  }
0x40: {  	[tilespmem:$0x19980] =	vst v2  }
0x41: {  	[tilespmem:$0x1A180] =	vst v2  }
0x42: {  	[tilespmem:$0x18A00] =	vst v1  }
0x43: {  	[tilespmem:$0x19200] =	vst v2  }
0x44: {  	[tilespmem:$0x19A00] =	vst v2  }
0x45: {  	[tilespmem:$0x1A200] =	vst v2  }
0x46: {  	[tilespmem:$0x18A80] =	vst v1  }
0x47: {  	[tilespmem:$0x19280] =	vst v2  }
0x48: {  	[tilespmem:$0x19A80] =	vst v2  }
0x49: {  	[tilespmem:$0x1A280] =	vst v2  }
0x4a: {  	[tilespmem:$0x18B00] =	vst v1  }
0x4b: {  	[tilespmem:$0x19300] =	vst v2  }
0x4c: {  	[tilespmem:$0x19B00] =	vst v2  }
0x4d: {  	[tilespmem:$0x1A300] =	vst v2  }
0x4e: {  	[tilespmem:$0x18B80] =	vst v1  }
0x4f: {  	[tilespmem:$0x19380] =	vst v2  }
0x50: {  	[tilespmem:$0x19B80] =	vst v2  }
0x51: {  	[tilespmem:$0x1A380] =	vst v2  }
0x52: {  	[tilespmem:$0x18C00] =	vst v1  }
0x53: {  	[tilespmem:$0x19400] =	vst v2  }
0x54: {  	[tilespmem:$0x19C00] =	vst v2  }
0x55: {  	[tilespmem:$0x1A400] =	vst v2  }
0x56: {  	[tilespmem:$0x18C80] =	vst v1  }
0x57: {  	[tilespmem:$0x19480] =	vst v2  }
0x58: {  	[tilespmem:$0x19C80] =	vst v2  }
0x59: {  	[tilespmem:$0x1A480] =	vst v2  }
0x5a: {  	[tilespmem:$0x18D00] =	vst v1  }
0x5b: {  	[tilespmem:$0x19500] =	vst v2  }
0x5c: {  	[tilespmem:$0x19D00] =	vst v2  }
0x5d: {  	[tilespmem:$0x1A500] =	vst v2  }
0x5e: {  	[tilespmem:$0x18D80] =	vst v1  }
0x5f: {  	[tilespmem:$0x19580] =	vst v2  }
0x60: {  	[tilespmem:$0x19D80] =	vst v2  }
0x61: {  	[tilespmem:$0x1A580] =	vst v2  }
0x62: {  	[tilespmem:$0x18610] =	vst v1  }
0x63: {  	[tilespmem:$0x18E10] =	vst v2  }
0x64: {  	[tilespmem:$0x19610] =	vst v2  }
0x65: {  	[tilespmem:$0x19E10] =	vst v2  }
0x66: {  	[tilespmem:$0x18690] =	vst v1  }
0x67: {  	[tilespmem:$0x18E90] =	vst v2  }
0x68: {  	[tilespmem:$0x19690] =	vst v2  }
0x69: {  	[tilespmem:$0x19E90] =	vst v2  }
0x6a: {  	[tilespmem:$0x18710] =	vst v1  }
0x6b: {  	[tilespmem:$0x18F10] =	vst v2  }
0x6c: {  	[tilespmem:$0x19710] =	vst v2  }
0x6d: {  	[tilespmem:$0x19F10] =	vst v2  }
0x6e: {  	[tilespmem:$0x18790] =	vst v1  }
0x6f: {  	[tilespmem:$0x18F90] =	vst v2  }
0x70: {  	[tilespmem:$0x19790] =	vst v2  }
0x71: {  	[tilespmem:$0x19F90] =	vst v2  }
0x72: {  	[tilespmem:$0x18810] =	vst v1  }
0x73: {  	[tilespmem:$0x19010] =	vst v2  }
0x74: {  	[tilespmem:$0x19810] =	vst v2  }
0x75: {  	[tilespmem:$0x1A010] =	vst v2  }
0x76: {  	[tilespmem:$0x18890] =	vst v1  }
0x77: {  	[tilespmem:$0x19090] =	vst v2  }
0x78: {  	[tilespmem:$0x19890] =	vst v2  }
0x79: {  	[tilespmem:$0x1A090] =	vst v2  }
0x7a: {  	[tilespmem:$0x18910] =	vst v1  }
0x7b: {  	[tilespmem:$0x19110] =	vst v2  }
0x7c: {  	[tilespmem:$0x19910] =	vst v2  }
0x7d: {  	[tilespmem:$0x1A110] =	vst v2  }
0x7e: {  	[tilespmem:$0x18990] =	vst v1  }
0x7f: {  	[tilespmem:$0x19190] =	vst v2  }
0x80: {  	[tilespmem:$0x19990] =	vst v2  }
0x81: {  	[tilespmem:$0x1A190] =	vst v2  }
0x82: {  	[tilespmem:$0x18A10] =	vst v1  }
0x83: {  	[tilespmem:$0x19210] =	vst v2  }
0x84: {  	[tilespmem:$0x19A10] =	vst v2  }
0x85: {  	[tilespmem:$0x1A210] =	vst v2  }
0x86: {  	[tilespmem:$0x18A90] =	vst v1  }
0x87: {  	[tilespmem:$0x19290] =	vst v2  }
0x88: {  	[tilespmem:$0x19A90] =	vst v2  }
0x89: {  	[tilespmem:$0x1A290] =	vst v2  }
0x8a: {  	[tilespmem:$0x18B10] =	vst v1  }
0x8b: {  	[tilespmem:$0x19310] =	vst v2  }
0x8c: {  	[tilespmem:$0x19B10] =	vst v2  }
0x8d: {  	[tilespmem:$0x1A310] =	vst v2  }
0x8e: {  	[tilespmem:$0x18B90] =	vst v1  }
0x8f: {  	[tilespmem:$0x19390] =	vst v2  }
0x90: {  	[tilespmem:$0x19B90] =	vst v2;
	v14 =	vmul.f32 $1.000000000e+01, v9  }
0x91: {  	[tilespmem:$0x1A390] =	vst v2  }
0x92: {  	[tilespmem:$0x18C10] =	vst v1;
	v18 =	vmul.f32 $1.000000000e+01, v8;
	v10 =	vtrunc.f32 v14  }
0x93: {  	[tilespmem:$0x19410] =	vst v2;
	v15 =	vcvt.f32.s32 v10  }
0x94: {  	[tilespmem:$0x19C10] =	vst v2;
	v10 =	vtrunc.f32 v18  }
0x95: {  	[tilespmem:$0x1A410] =	vst v2;
	v13 =	vmul.f32 $1.000000000e+01, v7;
	v19 =	vcvt.f32.s32 v10;
	vm0 =	vgt.s32 v15, $0x0  }
0x96: {  	[tilespmem:$0x18C90] =	vst v1;
	v10 =	vnsel vm0, $0x0, v15  }
0x97: {  	[tilespmem:$0x19490] =	vst v2;
	v11 =	vtrunc.f32 v13;
	vm14 =	vgt.s32 v19, $0x0;
	v10 =	vmin.u32 v10, $0x9  }
0x98: {  	[tilespmem:$0x19C90] =	vst v2;
	v21 =	vcvt.f32.s32 v11;
	v11 =	vnsel vm14, $0x0, v19;
	v16 =	vadd.s32 $0x1, v10  }
0x99: {  	[tilespmem:$0x1A490] =	vst v2;
	v10 =	vmin.u32 v11, $0x9;
	v20 =	vmul.u32 $0xC, v16  }
0x9a: {  	[tilespmem:$0x18D10] =	vst v1;
	vm15 =	vgt.s32 v21, $0x0;
	v17 =	vadd.s32 $0x1, v10  }
0x9b: {  	[tilespmem:$0x19510] =	vst v2;
	v10 =	vnsel vm15, $0x0, v21;
	v11 =	vadd.s32 v17, v20  }
0x9c: {  	[tilespmem:$0x19D10] =	vst v2;
	v10 =	vmin.u32 v10, $0x9;
	v22 =	vmul.u32 $0xC, v11  }
0x9d: {  	[tilespmem:$0x1A510] =	vst v2;
	v12 =	vadd.s32 $0x1, v10  }
0x9e: {  	[tilespmem:$0x18D90] =	vst v1;
	v10 =	vadd.s32 v12, v22  }
0x9f: {  	[tilespmem:$0x19590] =	vst v2;
	v24 =	vmul.u32 $0x28, v10  }
0xa0: {  	s23 =	sadd.s32 s11, s23;
	[tilespmem:$0x19D90] =	vst v2  }
0xa1: {  	s24 =	simm.s32 $0x0;
	[tilespmem:$0x1A590] =	vst v2;
	v11 =	vimm.s32 $0x0;
	v10 =	vor.u32 s23, v0;
	v23 =	vor.u32 $0x1, v24  }
.LBB2_3:
0xa2: {  	_ =	sdelay $0x3  }
0xa3: {  	v24 =	vld.idx.msk [tilespmem:v24+s16+$0x0], $0xffff;
	_ =	sdelay $0x7  }
0xa4: {  	v25 =	vld.idx.msk [tilespmem:v24+s3+$0x0], $0xffff  }
0xa5: {  	v26 =	vld.idx.msk [tilespmem:v24+s14+$0x0], $0xffff;
	_ =	sdelay $0x1  }
0xa6: {  	v27 =	vld.idx.msk [tilespmem:v24+s15+$0x0], $0xffff;
	_ =	sdelay $0x2  }
0xa7: {  	v28 =	vsub.f32 v25, v7;
	v29 =	vsub.f32 v26, v8;
	_ =	sdelay $0x1  }
0xa8: {  	v30 =	vsub.f32 v27, v9;
	v28 =	vmul.f32 v28, v28;
	v29 =	vmul.f32 v29, v29;
	_ =	sdelay $0x1  }
0xa9: {  	v62 =	vmul.f32 v30, v30;
	v28 =	vadd.f32 v29, v28;
	_ =	sdelay $0x1  }
0xaa: {  	v28 =	vadd.f32 v62, v28;
	_ =	sdelay $0x1  }
0xab: {  	vm2 =	vgt.s32 v11, $0x0;
	vm1 =	vne.s32 v24, v10;
	vm0 =	vle.f32 v28, $2.499999940e-03  }
0xac: {  	vm15 =	vlt.s32 v11, $0x20;
	v63 =	vnsel vm2, $0x0, v11;
	vm0 =	vmand vm1, vm0  }
0xad: {  	v28 =	vmin.u32 v63, $0x1F;
	vm0 =	vmand vm15, vm0  }
0xae: {  	v28 =	vor.u32 v3, v28;
	_ =	sdelay $0x2  }
0xaf: {  	p0 =	sne.s32 s24, $0x27  }
.Ltmp0:
0xb0: {  	_ = 	snop;
	(pc) =	sbr.rel @p0 .LBB2_3-.Ltmp0, $4  }
0xb1: {  	[tilespmem:v28+s17+$0x0] =	vst.idx.msk vm0, v24  }
0xb2: {  	[tilespmem:v28+s18+$0x0] =	vst.idx.msk vm0, v25  }
0xb3: {  	v25 =	vsel vm0, $0x1, v4;
	[tilespmem:v28+s19+$0x0] =	vst.idx.msk vm0, v26  }
0xb4: {  	v24 =	vadd.s32 s24, v23;
	s24 =	sadd.s32 $0x1, s24;
	v11 =	vadd.s32 v25, v11;
	[tilespmem:v28+s20+$0x0] =	vst.idx.msk vm0, v27  }
0xb5: {  	v21 =	vcvt.s32.f32 v21;
	_ =	sdelay $0x1  }
0xb6: {  	v13 =	vsub.f32 v13, v21;
	_ =	sdelay $0x1  }
0xb7: {  	vm0 =	vge.f32 v13, $5.000000000e-01  }
0xb8: {  	v13 =	vsel vm0, $0x1, v5  }
0xb9: {  	v13 =	vadd.s32 v12, v13  }
0xba: {  	v21 =	vadd.s32 v13, v22  }
0xbb: {  	v22 =	vmul.u32 $0x28, v21;
	_ =	sdelay $0x1  }
0xbc: {  	s24 =	simm.s32 $0x0;
	v21 =	vor.u32 $0x1, v22  }
.LBB2_5:
0xbd: {  	_ =	sdelay $0x3  }
0xbe: {  	v22 =	vld.idx.msk [tilespmem:v22+s16+$0x0], $0xffff;
	_ =	sdelay $0x7  }
0xbf: {  	v23 =	vld.idx.msk [tilespmem:v22+s3+$0x0], $0xffff  }
0xc0: {  	v24 =	vld.idx.msk [tilespmem:v22+s14+$0x0], $0xffff;
	_ =	sdelay $0x1  }
0xc1: {  	v25 =	vld.idx.msk [tilespmem:v22+s15+$0x0], $0xffff;
	_ =	sdelay $0x2  }
0xc2: {  	v26 =	vsub.f32 v23, v7;
	v27 =	vsub.f32 v24, v8;
	_ =	sdelay $0x1  }
0xc3: {  	v28 =	vsub.f32 v25, v9;
	v26 =	vmul.f32 v26, v26;
	v27 =	vmul.f32 v27, v27;
	_ =	sdelay $0x1  }
0xc4: {  	v62 =	vmul.f32 v28, v28;
	v26 =	vadd.f32 v27, v26;
	_ =	sdelay $0x1  }
0xc5: {  	v26 =	vadd.f32 v62, v26;
	_ =	sdelay $0x1  }
0xc6: {  	vm2 =	vgt.s32 v11, $0x0;
	vm1 =	vne.s32 v22, v10;
	vm0 =	vle.f32 v26, $2.499999940e-03  }
0xc7: {  	vm15 =	vlt.s32 v11, $0x20;
	v63 =	vnsel vm2, $0x0, v11;
	vm0 =	vmand vm1, vm0  }
0xc8: {  	v26 =	vmin.u32 v63, $0x1F;
	vm0 =	vmand vm15, vm0  }
0xc9: {  	v26 =	vor.u32 v3, v26;
	_ =	sdelay $0x2  }
0xca: {  	p0 =	sne.s32 s24, $0x27  }
.Ltmp1:
0xcb: {  	_ = 	snop;
	(pc) =	sbr.rel @p0 .LBB2_5-.Ltmp1, $4  }
0xcc: {  	[tilespmem:v26+s17+$0x0] =	vst.idx.msk vm0, v22  }
0xcd: {  	[tilespmem:v26+s18+$0x0] =	vst.idx.msk vm0, v23  }
0xce: {  	v23 =	vsel vm0, $0x1, v4;
	[tilespmem:v26+s19+$0x0] =	vst.idx.msk vm0, v24  }
0xcf: {  	v22 =	vadd.s32 s24, v21;
	s24 =	sadd.s32 $0x1, s24;
	v11 =	vadd.s32 v23, v11;
	[tilespmem:v26+s20+$0x0] =	vst.idx.msk vm0, v25  }
0xd0: {  	v19 =	vcvt.s32.f32 v19;
	_ =	sdelay $0x1  }
0xd1: {  	v18 =	vsub.f32 v18, v19;
	_ =	sdelay $0x1  }
0xd2: {  	vm0 =	vge.f32 v18, $5.000000000e-01  }
0xd3: {  	v18 =	vsel vm0, $0x1, v5  }
0xd4: {  	v18 =	vadd.s32 v17, v18  }
0xd5: {  	v19 =	vadd.s32 v18, v20  }
0xd6: {  	v19 =	vmul.u32 $0xC, v19;
	_ =	sdelay $0x1  }
0xd7: {  	v20 =	vadd.s32 v12, v19  }
0xd8: {  	v21 =	vmul.u32 $0x28, v20;
	_ =	sdelay $0x1  }
0xd9: {  	s24 =	simm.s32 $0x0;
	v20 =	vor.u32 $0x1, v21  }
.LBB2_7:
0xda: {  	_ =	sdelay $0x3  }
0xdb: {  	v21 =	vld.idx.msk [tilespmem:v21+s16+$0x0], $0xffff;
	_ =	sdelay $0x7  }
0xdc: {  	v22 =	vld.idx.msk [tilespmem:v21+s3+$0x0], $0xffff  }
0xdd: {  	v23 =	vld.idx.msk [tilespmem:v21+s14+$0x0], $0xffff;
	_ =	sdelay $0x1  }
0xde: {  	v24 =	vld.idx.msk [tilespmem:v21+s15+$0x0], $0xffff;
	_ =	sdelay $0x2  }
0xdf: {  	v25 =	vsub.f32 v22, v7;
	v26 =	vsub.f32 v23, v8;
	_ =	sdelay $0x1  }
0xe0: {  	v27 =	vsub.f32 v24, v9;
	v25 =	vmul.f32 v25, v25;
	v26 =	vmul.f32 v26, v26;
	_ =	sdelay $0x1  }
0xe1: {  	v62 =	vmul.f32 v27, v27;
	v25 =	vadd.f32 v26, v25;
	_ =	sdelay $0x1  }
0xe2: {  	v25 =	vadd.f32 v62, v25;
	_ =	sdelay $0x1  }
0xe3: {  	vm2 =	vgt.s32 v11, $0x0;
	vm1 =	vne.s32 v21, v10;
	vm0 =	vle.f32 v25, $2.499999940e-03  }
0xe4: {  	vm15 =	vlt.s32 v11, $0x20;
	v63 =	vnsel vm2, $0x0, v11;
	vm0 =	vmand vm1, vm0  }
0xe5: {  	v25 =	vmin.u32 v63, $0x1F;
	vm0 =	vmand vm15, vm0  }
0xe6: {  	v25 =	vor.u32 v3, v25;
	_ =	sdelay $0x2  }
0xe7: {  	p0 =	sne.s32 s24, $0x27  }
.Ltmp2:
0xe8: {  	_ = 	snop;
	(pc) =	sbr.rel @p0 .LBB2_7-.Ltmp2, $4  }
0xe9: {  	[tilespmem:v25+s17+$0x0] =	vst.idx.msk vm0, v21  }
0xea: {  	[tilespmem:v25+s18+$0x0] =	vst.idx.msk vm0, v22  }
0xeb: {  	v22 =	vsel vm0, $0x1, v4;
	[tilespmem:v25+s19+$0x0] =	vst.idx.msk vm0, v23  }
0xec: {  	v21 =	vadd.s32 s24, v20;
	s24 =	sadd.s32 $0x1, s24;
	v11 =	vadd.s32 v22, v11;
	[tilespmem:v25+s20+$0x0] =	vst.idx.msk vm0, v24  }
0xed: {  	v19 =	vadd.s32 v13, v19  }
0xee: {  	v20 =	vmul.u32 $0x28, v19;
	_ =	sdelay $0x1  }
0xef: {  	s24 =	simm.s32 $0x0;
	v19 =	vor.u32 $0x1, v20  }
.LBB2_9:
0xf0: {  	_ =	sdelay $0x3  }
0xf1: {  	v20 =	vld.idx.msk [tilespmem:v20+s16+$0x0], $0xffff;
	_ =	sdelay $0x7  }
0xf2: {  	v21 =	vld.idx.msk [tilespmem:v20+s3+$0x0], $0xffff  }
0xf3: {  	v22 =	vld.idx.msk [tilespmem:v20+s14+$0x0], $0xffff;
	_ =	sdelay $0x1  }
0xf4: {  	v23 =	vld.idx.msk [tilespmem:v20+s15+$0x0], $0xffff;
	_ =	sdelay $0x2  }
0xf5: {  	v24 =	vsub.f32 v21, v7;
	v25 =	vsub.f32 v22, v8;
	_ =	sdelay $0x1  }
0xf6: {  	v26 =	vsub.f32 v23, v9;
	v24 =	vmul.f32 v24, v24;
	v25 =	vmul.f32 v25, v25;
	_ =	sdelay $0x1  }
0xf7: {  	v62 =	vmul.f32 v26, v26;
	v24 =	vadd.f32 v25, v24;
	_ =	sdelay $0x1  }
0xf8: {  	v24 =	vadd.f32 v62, v24;
	_ =	sdelay $0x1  }
0xf9: {  	vm2 =	vgt.s32 v11, $0x0;
	vm1 =	vne.s32 v20, v10;
	vm0 =	vle.f32 v24, $2.499999940e-03  }
0xfa: {  	vm15 =	vlt.s32 v11, $0x20;
	v63 =	vnsel vm2, $0x0, v11;
	vm0 =	vmand vm1, vm0  }
0xfb: {  	v24 =	vmin.u32 v63, $0x1F;
	vm0 =	vmand vm15, vm0  }
0xfc: {  	v24 =	vor.u32 v3, v24;
	_ =	sdelay $0x2  }
0xfd: {  	p0 =	sne.s32 s24, $0x27  }
.Ltmp3:
0xfe: {  	_ = 	snop;
	(pc) =	sbr.rel @p0 .LBB2_9-.Ltmp3, $4  }
0xff: {  	[tilespmem:v24+s17+$0x0] =	vst.idx.msk vm0, v20  }
0x100: {  	[tilespmem:v24+s18+$0x0] =	vst.idx.msk vm0, v21  }
0x101: {  	v21 =	vsel vm0, $0x1, v4;
	[tilespmem:v24+s19+$0x0] =	vst.idx.msk vm0, v22  }
0x102: {  	v20 =	vadd.s32 s24, v19;
	s24 =	sadd.s32 $0x1, s24;
	v11 =	vadd.s32 v21, v11;
	[tilespmem:v24+s20+$0x0] =	vst.idx.msk vm0, v23  }
0x103: {  	v15 =	vcvt.s32.f32 v15;
	_ =	sdelay $0x1  }
0x104: {  	v14 =	vsub.f32 v14, v15;
	_ =	sdelay $0x1  }
0x105: {  	vm0 =	vge.f32 v14, $5.000000000e-01  }
0x106: {  	v14 =	vsel vm0, $0x1, v5  }
0x107: {  	v14 =	vadd.s32 v16, v14  }
0x108: {  	v14 =	vmul.u32 $0xC, v14;
	_ =	sdelay $0x1  }
0x109: {  	v15 =	vadd.s32 v17, v14  }
0x10a: {  	v15 =	vmul.u32 $0xC, v15;
	_ =	sdelay $0x1  }
0x10b: {  	v16 =	vadd.s32 v12, v15  }
0x10c: {  	v17 =	vmul.u32 $0x28, v16;
	_ =	sdelay $0x1  }
0x10d: {  	s24 =	simm.s32 $0x0;
	v16 =	vor.u32 $0x1, v17  }
.LBB2_11:
0x10e: {  	_ =	sdelay $0x3  }
0x10f: {  	v17 =	vld.idx.msk [tilespmem:v17+s16+$0x0], $0xffff;
	_ =	sdelay $0x7  }
0x110: {  	v19 =	vld.idx.msk [tilespmem:v17+s3+$0x0], $0xffff  }
0x111: {  	v20 =	vld.idx.msk [tilespmem:v17+s14+$0x0], $0xffff;
	_ =	sdelay $0x1  }
0x112: {  	v21 =	vld.idx.msk [tilespmem:v17+s15+$0x0], $0xffff;
	_ =	sdelay $0x2  }
0x113: {  	v22 =	vsub.f32 v19, v7;
	v23 =	vsub.f32 v20, v8;
	_ =	sdelay $0x1  }
0x114: {  	v24 =	vsub.f32 v21, v9;
	v22 =	vmul.f32 v22, v22;
	v23 =	vmul.f32 v23, v23;
	_ =	sdelay $0x1  }
0x115: {  	v62 =	vmul.f32 v24, v24;
	v22 =	vadd.f32 v23, v22;
	_ =	sdelay $0x1  }
0x116: {  	v22 =	vadd.f32 v62, v22;
	_ =	sdelay $0x1  }
0x117: {  	vm2 =	vgt.s32 v11, $0x0;
	vm1 =	vne.s32 v17, v10;
	vm0 =	vle.f32 v22, $2.499999940e-03  }
0x118: {  	vm15 =	vlt.s32 v11, $0x20;
	v63 =	vnsel vm2, $0x0, v11;
	vm0 =	vmand vm1, vm0  }
0x119: {  	v22 =	vmin.u32 v63, $0x1F;
	vm0 =	vmand vm15, vm0  }
0x11a: {  	v22 =	vor.u32 v3, v22;
	_ =	sdelay $0x2  }
0x11b: {  	p0 =	sne.s32 s24, $0x27  }
.Ltmp4:
0x11c: {  	_ = 	snop;
	(pc) =	sbr.rel @p0 .LBB2_11-.Ltmp4, $4  }
0x11d: {  	[tilespmem:v22+s17+$0x0] =	vst.idx.msk vm0, v17  }
0x11e: {  	[tilespmem:v22+s18+$0x0] =	vst.idx.msk vm0, v19  }
0x11f: {  	v19 =	vsel vm0, $0x1, v4;
	[tilespmem:v22+s19+$0x0] =	vst.idx.msk vm0, v20  }
0x120: {  	v17 =	vadd.s32 s24, v16;
	s24 =	sadd.s32 $0x1, s24;
	v11 =	vadd.s32 v19, v11;
	[tilespmem:v22+s20+$0x0] =	vst.idx.msk vm0, v21  }
0x121: {  	v15 =	vadd.s32 v13, v15  }
0x122: {  	v16 =	vmul.u32 $0x28, v15;
	_ =	sdelay $0x1  }
0x123: {  	s24 =	simm.s32 $0x0;
	v15 =	vor.u32 $0x1, v16  }
.LBB2_13:
0x124: {  	_ =	sdelay $0x3  }
0x125: {  	v16 =	vld.idx.msk [tilespmem:v16+s16+$0x0], $0xffff;
	_ =	sdelay $0x7  }
0x126: {  	v17 =	vld.idx.msk [tilespmem:v16+s3+$0x0], $0xffff  }
0x127: {  	v19 =	vld.idx.msk [tilespmem:v16+s14+$0x0], $0xffff;
	_ =	sdelay $0x1  }
0x128: {  	v20 =	vld.idx.msk [tilespmem:v16+s15+$0x0], $0xffff;
	_ =	sdelay $0x2  }
0x129: {  	v21 =	vsub.f32 v17, v7;
	v22 =	vsub.f32 v19, v8;
	_ =	sdelay $0x1  }
0x12a: {  	v23 =	vsub.f32 v20, v9;
	v21 =	vmul.f32 v21, v21;
	v22 =	vmul.f32 v22, v22;
	_ =	sdelay $0x1  }
0x12b: {  	v62 =	vmul.f32 v23, v23;
	v21 =	vadd.f32 v22, v21;
	_ =	sdelay $0x1  }
0x12c: {  	v21 =	vadd.f32 v62, v21;
	_ =	sdelay $0x1  }
0x12d: {  	vm2 =	vgt.s32 v11, $0x0;
	vm1 =	vne.s32 v16, v10;
	vm0 =	vle.f32 v21, $2.499999940e-03  }
0x12e: {  	vm15 =	vlt.s32 v11, $0x20;
	v63 =	vnsel vm2, $0x0, v11;
	vm0 =	vmand vm1, vm0  }
0x12f: {  	v21 =	vmin.u32 v63, $0x1F;
	vm0 =	vmand vm15, vm0  }
0x130: {  	v21 =	vor.u32 v3, v21;
	_ =	sdelay $0x2  }
0x131: {  	p0 =	sne.s32 s24, $0x27  }
.Ltmp5:
0x132: {  	_ = 	snop;
	(pc) =	sbr.rel @p0 .LBB2_13-.Ltmp5, $4  }
0x133: {  	[tilespmem:v21+s17+$0x0] =	vst.idx.msk vm0, v16  }
0x134: {  	[tilespmem:v21+s18+$0x0] =	vst.idx.msk vm0, v17  }
0x135: {  	v17 =	vsel vm0, $0x1, v4;
	[tilespmem:v21+s19+$0x0] =	vst.idx.msk vm0, v19  }
0x136: {  	v16 =	vadd.s32 s24, v15;
	s24 =	sadd.s32 $0x1, s24;
	v11 =	vadd.s32 v17, v11;
	[tilespmem:v21+s20+$0x0] =	vst.idx.msk vm0, v20  }
0x137: {  	v14 =	vadd.s32 v18, v14  }
0x138: {  	v14 =	vmul.u32 $0xC, v14;
	_ =	sdelay $0x1  }
0x139: {  	v12 =	vadd.s32 v12, v14  }
0x13a: {  	v15 =	vmul.u32 $0x28, v12;
	_ =	sdelay $0x1  }
0x13b: {  	s24 =	simm.s32 $0x0;
	v12 =	vor.u32 $0x1, v15  }
.LBB2_15:
0x13c: {  	_ =	sdelay $0x3  }
0x13d: {  	v15 =	vld.idx.msk [tilespmem:v15+s16+$0x0], $0xffff;
	_ =	sdelay $0x7  }
0x13e: {  	v16 =	vld.idx.msk [tilespmem:v15+s3+$0x0], $0xffff  }
0x13f: {  	v17 =	vld.idx.msk [tilespmem:v15+s14+$0x0], $0xffff;
	_ =	sdelay $0x1  }
0x140: {  	v18 =	vld.idx.msk [tilespmem:v15+s15+$0x0], $0xffff;
	_ =	sdelay $0x2  }
0x141: {  	v19 =	vsub.f32 v16, v7;
	v20 =	vsub.f32 v17, v8;
	_ =	sdelay $0x1  }
0x142: {  	v21 =	vsub.f32 v18, v9;
	v19 =	vmul.f32 v19, v19;
	v20 =	vmul.f32 v20, v20;
	_ =	sdelay $0x1  }
0x143: {  	v62 =	vmul.f32 v21, v21;
	v19 =	vadd.f32 v20, v19;
	_ =	sdelay $0x1  }
0x144: {  	v19 =	vadd.f32 v62, v19;
	_ =	sdelay $0x1  }
0x145: {  	vm2 =	vgt.s32 v11, $0x0;
	vm1 =	vne.s32 v15, v10;
	vm0 =	vle.f32 v19, $2.499999940e-03  }
0x146: {  	vm15 =	vlt.s32 v11, $0x20;
	v63 =	vnsel vm2, $0x0, v11;
	vm0 =	vmand vm1, vm0  }
0x147: {  	v19 =	vmin.u32 v63, $0x1F;
	vm0 =	vmand vm15, vm0  }
0x148: {  	v19 =	vor.u32 v3, v19;
	_ =	sdelay $0x2  }
0x149: {  	p0 =	sne.s32 s24, $0x27  }
.Ltmp6:
0x14a: {  	_ = 	snop;
	(pc) =	sbr.rel @p0 .LBB2_15-.Ltmp6, $4  }
0x14b: {  	[tilespmem:v19+s17+$0x0] =	vst.idx.msk vm0, v15  }
0x14c: {  	[tilespmem:v19+s18+$0x0] =	vst.idx.msk vm0, v16  }
0x14d: {  	v16 =	vsel vm0, $0x1, v4;
	[tilespmem:v19+s19+$0x0] =	vst.idx.msk vm0, v17  }
0x14e: {  	v15 =	vadd.s32 s24, v12;
	s24 =	sadd.s32 $0x1, s24;
	v11 =	vadd.s32 v16, v11;
	[tilespmem:v19+s20+$0x0] =	vst.idx.msk vm0, v18  }
0x14f: {  	v12 =	vadd.s32 v13, v14  }
0x150: {  	v13 =	vmul.u32 $0x28, v12;
	_ =	sdelay $0x1  }
0x151: {  	s24 =	simm.s32 $0x0;
	v12 =	vor.u32 $0x1, v13  }
.LBB2_17:
0x152: {  	_ =	sdelay $0x3  }
0x153: {  	v13 =	vld.idx.msk [tilespmem:v13+s16+$0x0], $0xffff;
	_ =	sdelay $0x7  }
0x154: {  	v14 =	vld.idx.msk [tilespmem:v13+s3+$0x0], $0xffff  }
0x155: {  	v15 =	vld.idx.msk [tilespmem:v13+s14+$0x0], $0xffff;
	_ =	sdelay $0x1  }
0x156: {  	v16 =	vld.idx.msk [tilespmem:v13+s15+$0x0], $0xffff;
	_ =	sdelay $0x2  }
0x157: {  	v17 =	vsub.f32 v14, v7;
	v18 =	vsub.f32 v15, v8;
	_ =	sdelay $0x1  }
0x158: {  	v19 =	vsub.f32 v16, v9;
	v17 =	vmul.f32 v17, v17;
	v18 =	vmul.f32 v18, v18;
	_ =	sdelay $0x1  }
0x159: {  	v62 =	vmul.f32 v19, v19;
	v17 =	vadd.f32 v18, v17;
	_ =	sdelay $0x1  }
0x15a: {  	v17 =	vadd.f32 v62, v17;
	_ =	sdelay $0x1  }
0x15b: {  	vm2 =	vgt.s32 v11, $0x0;
	vm1 =	vne.s32 v13, v10;
	vm0 =	vle.f32 v17, $2.499999940e-03  }
0x15c: {  	vm15 =	vlt.s32 v11, $0x20;
	v63 =	vnsel vm2, $0x0, v11;
	vm0 =	vmand vm1, vm0  }
0x15d: {  	v17 =	vmin.u32 v63, $0x1F;
	vm0 =	vmand vm15, vm0  }
0x15e: {  	v17 =	vor.u32 v3, v17;
	_ =	sdelay $0x2  }
0x15f: {  	p0 =	sne.s32 s24, $0x27  }
.Ltmp7:
0x160: {  	_ = 	snop;
	(pc) =	sbr.rel @p0 .LBB2_17-.Ltmp7, $4  }
0x161: {  	[tilespmem:v17+s17+$0x0] =	vst.idx.msk vm0, v13  }
0x162: {  	[tilespmem:v17+s18+$0x0] =	vst.idx.msk vm0, v14  }
0x163: {  	v14 =	vsel vm0, $0x1, v4;
	[tilespmem:v17+s19+$0x0] =	vst.idx.msk vm0, v15  }
0x164: {  	v13 =	vadd.s32 s24, v12;
	s24 =	sadd.s32 $0x1, s24;
	v11 =	vadd.s32 v14, v11;
	[tilespmem:v17+s20+$0x0] =	vst.idx.msk vm0, v16  }
0x165: {  	s23 =	sshll.u32 s23, $0x4  }
0x166: {  	s24 =	sadd.s32 s7, s23  }
0x167: {  	[hbm4b:s24+s3] =	stream.linear.scatter [tilespmem:s17], [sflag:$0x1], $0x800, $0x38;
	[tilespmem:$0x1A600] =	vst v63  }
0x168: {  	_ =	swait.ge [sflag:s13], $0x800  }
0x169: {  	[sflag:s13] =	ssyncset.done $0x0  }
0x16a: {  	s30 =	sadd.s32 s8, s23;
	[sflag:s13] =	ssyncadd.s32 $0xFFFFF800  }
0x16b: {  	[hbm4b:s30+s3] =	stream.linear.scatter [tilespmem:s18], [sflag:$0x1], $0x800, $0x38;
	[tilespmem:$0x1A600] =	vst v63  }
0x16c: {  	_ =	swait.ge [sflag:s13], $0x800  }
0x16d: {  	[sflag:s13] =	ssyncset.done $0x0  }
0x16e: {  	s31 =	sadd.s32 s9, s23;
	[sflag:s13] =	ssyncadd.s32 $0xFFFFF800  }
0x16f: {  	[hbm4b:s31+s3] =	stream.linear.scatter [tilespmem:s19], [sflag:$0x1], $0x800, $0x38;
	[tilespmem:$0x1A600] =	vst v63  }
0x170: {  	s22 =	sadd.s32 $0x1, s22;
	_ =	swait.ge [sflag:s13], $0x800  }
0x171: {  	p0 =	sne.s32 s22, $0x14;
	[sflag:s13] =	ssyncset.done $0x0  }
.Ltmp8:
0x172: {  	s23 =	sadd.s32 s10, s23;
	[sflag:s13] =	ssyncadd.s32 $0xFFFFF800;
	(pc) =	sbr.rel @p0 .LBB2_2-.Ltmp8, $4  }
0x173: {  	[hbm4b:s23+s3] =	stream.linear.scatter [tilespmem:s20], [sflag:$0x1], $0x800, $0x38;
	[tilespmem:$0x1A600] =	vst v63  }
0x174: {  	_ =	swait.ge [sflag:s13], $0x800  }
0x175: {  	[sflag:s13] =	ssyncset.done $0x0  }
0x176: {  	[sflag:s13] =	ssyncadd.s32 $0xFFFFF800  }
0x177: {  	s21 =	sadd.s32 $0x1, s21  }
0x178: {  	p0 =	sne.s32 s21, s12  }
.Ltmp9:
0x179: {  	_ = 	snop;
	(pc) =	sbr.rel @p0 .LBB2_1-.Ltmp9, $1  }
0x17a: {  	_ =	sdelay $0x3  }
0x17b: {  	_ =	sfence.sel $0x180000  }
0x17c: {  	[bflag:$0x0] =	sbarrier.arrive $0xFFFF  }
0x17d: {  	p0 =	sne.s32 s4, $0x0;
	_ =	strace $0x9000004A  }
0x17e: {  	s0 =	sadd.s32 @!p0 $0x100000, s0;
	[bflag:$0x2] =	sbarrier.arrive $0xFFFF  }
0x17f: {  	[sflag:s0] =	ssyncadd.tile.s32 @!p0 $0x1;
	_ =	shalt  }
.Lfunc_end2:
_tile_overlayer_lowered:
.L_overlay_start_2:
0x180: {  	(tag) =	ssettag $0x2  }
0x181: {  	s0 =	rddreg [dreg:$0x0];
	s2 =	stileid.u32  }
0x182: {  	s1 =	rddreg [dreg:$0x1];
	p0 =	sne.s32 s2, $0x0  }
0x183: {  	s3 =	rddreg [dreg:$0x2];
	[bflag:$0x3] =	sbarrier.arrive $0xFFFF;
	s2 =	simm.s32 @!p0 $0x1C01  }
0x184: {  	[timem:s3], [sflag:s2] =	dma.local @!p0 [hbm:s0], s1  }
0x185: {  	s0 =	simm.s32 @!p0 $0x1  }
0x186: {  	_ =	swait.ge @!p0 [sflag:s0], s1  }
0x187: {  	s1 =	ssub.s32 @!p0 $0x0, s1;
	[sflag:s0] =	ssyncset.done @!p0 $0x0  }
0x188: {  	[sflag:s0] =	ssyncadd.s32 @!p0 s1  }
0x189: {  	[bflag:$0x3] =	sbarrier.arrive $0xFFFF  }
0x18a: {  	_ =	shalt  }

// kernel: kernel.13.cloned.1.call-start
scs
__scs_entry_jumppad:
0x0: {  	(pc) =	sbr.rel $0x88, $3  }
0x1: {  	(tag) =	ssettag $0x0;
	lr =	simm.s32 $0x1  }
0x2: {  	[smem:$0x3F9B] =	sst lr;
	_ =	strace $0xD0000000  }
0x3: {  	_ = 	snop  }
0x4: {  	_ = 	snop  }
0x5: {  	_ = 	snop  }
0x6: {  	_ = 	snop  }
0x7: {  	_ = 	snop  }
__scs_overlays_trampoline_lowered:
0x8: {  	[smem:$0x3FAA] =	sst s0  }
0x9: {  	[smem:$0x3FAB] =	sst s1  }
0xa: {  	[smem:$0x3FAC] =	sst s2  }
0xb: {  	[smem:$0x3FAD] =	sst s3  }
0xc: {  	[smem:$0x3FAE] =	sst s4  }
0xd: {  	[smem:$0x3FAF] =	sst s5  }
0xe: {  	[smem:$0x3FB0] =	sst s6  }
0xf: {  	[smem:$0x3FB1] =	sst s7  }
0x10: {  	[smem:$0x3FB2] =	sst s8  }
0x11: {  	[smem:$0x3FB3] =	sst s9;
	s0 =	simm.s32 @!p0 $0x0  }
0x12: {  	s1 =	sld [smem:$0x3F99];
	s0 =	simm.s32 @p0 $0x1  }
0x13: {  	[smem:$0x3FB4] =	sst s0;
	s0 =	simm.s32 @!p1 $0x0  }
0x14: {  	s2 =	sld [smem:$0x3F98];
	s0 =	simm.s32 @p1 $0x1  }
0x15: {  	[smem:$0x3FB5] =	sst s0;
	s0 =	simm.s32 @!p2 $0x0  }
0x16: {  	s3 =	sld [smem:$0x3FDB];
	s0 =	simm.s32 @p2 $0x1  }
0x17: {  	s4 =	simm.s32 $0x1BF5;
	[smem:$0x3FB7] =	sst s0  }
0x18: {  	s0 =	sld [smem:$0x3F9A];
	_ =	swait.ge [sflag:s4], $0x0  }
0x19: {  	s7 =	sld [smem:$0x3F9B]  }
0x1a: {  	s8 =	sadd.s32 $0xFFFFE003, lr  }
0x1b: {  	s9 =	sadd.s32 $0xFFFFFEF7, lr;
	s5 =	simm.s32 $0xFFFFFFFF;
	p2 =	slt.u32 s8, $0xFFFFF086  }
0x1c: {  	p1 =	slt.u32 s9, $0xF7A;
	s5 =	simm.s32 @!p2 $0x0  }
0x1d: {  	s5 =	simm.s32 @p1 $0x1;
	p0 =	seq.s32 s7, s2  }
0x1e: {  	s7 =	smul.u32 @!p0 $0xF7A, s2;
	p2 =	seq.s32 @!p0 s5, $0x0  }
0x1f: {  	s9 =	smul.u32 $0xF7A, s1;
	s8 =	simm.s32 @!p0 $0x1BF5;
	p2 =	por !p2, p0  }
0x20: {  	[sflag:s8] =	ssyncset.s32 @!p0 $0xFFFFF086;
	s6 =	sadd.s32 @!p0 s3, s7;
	s7 =	simm.s32 @!p0 $0x108  }
0x21: {  	s3 =	sadd.s32 s3, s9;
	s6 =	sadd.s32 @!p0 $0x88, s6;
	s7 =	simm.s32 @p2 $0x1082  }
0x22: {  	[simem:s7], [sflag:s8] =	dma.local @!p0 [hbm:s6], $0xF7A  }
0x23: {  	s9 =	sor.u32 $0xD0000000, s2;
	s6 =	simm.s32 $0x108;
	_ =	swait.ge @!p0 [sflag:s8], $0x0  }
0x24: {  	s3 =	sadd.s32 $0x88, s3;
	s6 =	simm.s32 @!p1 $0x1082;
	[sflag:s4] =	ssyncset.s32 $0xFFFFF086  }
0x25: {  	[simem:s6], [sflag:s4] =	dma.local [hbm:s3], $0xF7A  }
0x26: {  	[smem:$0x3F9B] =	sst s1;
	(tag) =	ssettag s2;
	_ =	strace s9  }
0x27: {  	s1 =	sld [smem:$0x3FAB]  }
0x28: {  	s2 =	sld [smem:$0x3FAC]  }
0x29: {  	s4 =	sld [smem:$0x3FAE]  }
0x2a: {  	p0 =	seq.s32 s5, $0x0;
	s5 =	sld [smem:$0x3FAF]  }
0x2b: {  	s6 =	sld [smem:$0x3FB0]  }
0x2c: {  	s7 =	sld [smem:$0x3FB1]  }
0x2d: {  	s3 =	simm.s32 $0x108;
	s8 =	sld [smem:$0x3FB2]  }
0x2e: {  	s3 =	simm.s32 @!p0 $0x1082;
	s9 =	sld [smem:$0x3FB3]  }
0x2f: {  	lr =	sadd.s32 s0, s3;
	s0 =	sld [smem:$0x3FAA]  }
0x30: {  	s3 =	sld [smem:$0x3FAD]  }
0x31: {  	[smem:$0x3FB6] =	sst s10  }
0x32: {  	s10 =	sld [smem:$0x3FB4];
	_ =	sdelay $0x3  }
0x33: {  	p0 =	seq.s32 s10, $0x1;
	s10 =	sld [smem:$0x3FB6];
	_ =	sdelay $0x3  }
0x34: {  	[smem:$0x3FB6] =	sst s10  }
0x35: {  	s10 =	sld [smem:$0x3FB5];
	_ =	sdelay $0x3  }
0x36: {  	p1 =	seq.s32 s10, $0x1;
	s10 =	sld [smem:$0x3FB6];
	_ =	sdelay $0x3  }
0x37: {  	[smem:$0x3FB6] =	sst s10  }
0x38: {  	s10 =	sld [smem:$0x3FB7]  }
0x39: {  	_ = 	snop;
	(pc) =	sbr.ind lr, $3  }
0x3a: {  	_ = 	snop  }
0x3b: {  	_ = 	snop  }
0x3c: {  	p2 =	seq.s32 s10, $0x1;
	s10 =	sld [smem:$0x3FB6]  }
0x3d: {  	_ =	shalt  }
0x3e: {  	_ =	shalt  }
0x3f: {  	_ =	shalt  }
0x40: {  	_ =	shalt  }
0x41: {  	_ =	shalt  }
0x42: {  	_ =	shalt  }
0x43: {  	_ =	shalt  }
0x44: {  	_ =	shalt  }
0x45: {  	_ =	shalt  }
0x46: {  	_ =	shalt  }
0x47: {  	_ =	shalt  }
0x48: {  	_ =	shalt  }
0x49: {  	_ =	shalt  }
0x4a: {  	_ =	shalt  }
0x4b: {  	_ =	shalt  }
0x4c: {  	_ =	shalt  }
0x4d: {  	_ =	shalt  }
0x4e: {  	_ =	shalt  }
0x4f: {  	_ =	shalt  }
0x50: {  	_ =	shalt  }
0x51: {  	_ =	shalt  }
0x52: {  	_ =	shalt  }
0x53: {  	_ =	shalt  }
0x54: {  	_ =	shalt  }
0x55: {  	_ =	shalt  }
0x56: {  	_ =	shalt  }
0x57: {  	_ =	shalt  }
0x58: {  	_ =	shalt  }
0x59: {  	_ =	shalt  }
0x5a: {  	_ =	shalt  }
0x5b: {  	_ =	shalt  }
0x5c: {  	_ =	shalt  }
0x5d: {  	_ =	shalt  }
0x5e: {  	_ =	shalt  }
0x5f: {  	_ =	shalt  }
0x60: {  	_ =	shalt  }
0x61: {  	_ =	shalt  }
0x62: {  	_ =	shalt  }
0x63: {  	_ =	shalt  }
0x64: {  	_ =	shalt  }
0x65: {  	_ =	shalt  }
0x66: {  	_ =	shalt  }
0x67: {  	_ =	shalt  }
0x68: {  	_ =	shalt  }
0x69: {  	_ =	shalt  }
0x6a: {  	_ =	shalt  }
0x6b: {  	_ =	shalt  }
0x6c: {  	_ =	shalt  }
0x6d: {  	_ =	shalt  }
0x6e: {  	_ =	shalt  }
0x6f: {  	_ =	shalt  }
0x70: {  	_ =	shalt  }
0x71: {  	_ =	shalt  }
0x72: {  	_ =	shalt  }
0x73: {  	_ =	shalt  }
0x74: {  	_ =	shalt  }
0x75: {  	_ =	shalt  }
0x76: {  	_ =	shalt  }
0x77: {  	_ =	shalt  }
0x78: {  	_ =	shalt  }
0x79: {  	_ =	shalt  }
0x7a: {  	_ =	shalt  }
0x7b: {  	_ =	shalt  }
0x7c: {  	_ =	shalt  }
0x7d: {  	_ =	shalt  }
0x7e: {  	_ =	shalt  }
0x7f: {  	_ =	shalt  }
0x80: {  	_ =	shalt  }
0x81: {  	_ =	shalt  }
0x82: {  	_ =	shalt  }
0x83: {  	_ =	shalt  }
0x84: {  	_ =	shalt  }
0x85: {  	_ =	shalt  }
0x86: {  	_ =	shalt  }
0x87: {  	_ =	shalt  }
.Lfunc_end0:
.L_simem_size_0:
called_computation.2_lowered:
.L_overlay_start_0:
0x88: {  	s2 =	sld [smem:$0x3FD9]  }
0x89: {  	s3 =	sld [smem:$0x3FFE];
	_ =	sdelay $0x1  }
0x8a: {  	s1 =	srdreg.scid  }
0x8b: {  	s0 =	sand.u32 $0x1, s1  }
0x8c: {  	s14 =	sshll.u32 s0, $0xA;
	s2 =	sadd.s32 s3, s2  }
0x8d: {  	s2 =	sadd.s32 s2, s14  }
0x8e: {  	[smem:$0x3FC2] =	sst s2  }
0x8f: {  	_ = 	snop  }
0x90: {  	s2 =	sld [smem:$0x3FD0];
	_ =	sdelay $0x2  }
0x91: {  	s15 =	simm.s32 $0xA;
	s4 =	simm.s32 $0x10  }
0x92: {  	[smem:s4], [sflag:s15] =	dma.local [hbm:s2], $0x1  }
0x93: {  	_ =	swait.eq [sflag:s15], $0x1  }
0x94: {  	[sflag:s15] =	ssyncset.done $0x0  }
0x95: {  	[sflag:s15] =	ssyncadd.s32 $0xFFFFFFFF  }
0x96: {  	s16 =	sld [smem:$0x11];
	(tm) =	ssettm $0x1  }
0x97: {  	s17 =	sld [smem:$0x3FFB];
	_ =	sdelay $0x3  }
0x98: {  	_ =	strace s17  }
0x99: {  	s3 =	sld [smem:$0x3FFC];
	_ =	sdelay $0x3  }
0x9a: {  	_ =	strace s3  }
0x9b: {  	s3 =	sld [smem:$0x3FFD];
	_ =	sdelay $0x3  }
0x9c: {  	_ =	strace s3  }
0x9d: {  	_ =	strace $0x8FFFFFFF  }
0x9e: {  	s18 =	sld [smem:$0x3FDB];
	_ =	sdelay $0x1  }
0x9f: {  	s19 =	simm.s32 $_scs_section_size  }
0xa0: {  	s5 =	simm.s32 $_size__tile_overlayer_lowered;
	s6 =	simm.s32 $_tile_overlayer_lowered  }
0xa1: {  	s22 =	simm.s32 $0x1BFF;
	s21 =	sshll.u32 s6, $0x1;
	s3 =	sadd.s32 s19, s18  }
0xa2: {  	s7 =	simm.s32 $0x0;
	s20 =	sshll.u32 s5, $0x1;
	s5 =	sadd.s32 s21, s3  }
0xa3: {  	[timem:s7], [sflag:s22] =	dma.local [hbm:s5], s20  }
0xa4: {  	_ =	swait.ge [sflag:s22], s20  }
0xa5: {  	s4 =	ssub.s32 $0x0, s20;
	[sflag:s22] =	ssyncset.done $0x0  }
0xa6: {  	[sflag:s22] =	ssyncadd.s32 s4;
	_ =	sdelay $0x1  }
0xa7: {  	s23 =	simm.s32 $0x1B8B  }
0xa8: {  	_ =	swait.ge [sflag:s23], $0x1  }
0xa9: {  	[sflag:s23] =	ssyncset.done $0x0  }
0xaa: {  	s25 =	simm.s32 $0x1B8E;
	s24 =	sld [smem:$0x3FFE];
	[sflag:s23] =	ssyncadd.s32 $0xFFFFFFFF  }
0xab: {  	s26 =	simm.s32 $execute0_lowered;
	[smem:$0x3FD2] =	sst s25  }
0xac: {  	s5 =	sshll.u32 s26, $0x1;
	_ =	strace $0x8000004C;
	[dreg:$0x1] =	wrdreg $0xFFFFFFFF  }
0xad: {  	s28 =	simm.s32 $_size_execute0_lowered;
	s3 =	sadd.s32 s3, s5;
	[dreg:$0x0] =	wrdreg $0x0  }
0xae: {  	s5 =	sshll.u32 s28, $0x1;
	[dreg:$0x2] =	wrdreg s3  }
0xaf: {  	[dreg:$0x3] =	wrdreg s5  }
0xb0: {  	[dreg:$0x4] =	wrdreg $0xC0  }
0xb1: {  	_ =	task [dreg:s7], $0x5FFFF  }
0xb2: {  	[dreg:$0x1] =	wrdreg $0xFFFFFFFF  }
0xb3: {  	[dreg:$0x0] =	wrdreg $0x60  }
0xb4: {  	[dreg:$0x2] =	wrdreg s16  }
0xb5: {  	[dreg:$0x3] =	wrdreg s24  }
0xb6: {  	[dreg:$0x4] =	wrdreg $0x9  }
0xb7: {  	_ =	task.clear_ibuf [dreg:s7], $0x5FFFF;
	_ =	strace $0x9000004C  }
0xb8: {  	s29 =	simm.s32 $0x9;
	_ =	strace $0x8000004E  }
0xb9: {  	_ =	swait.ge [sflag:s29], $0x1  }
0xba: {  	[sflag:s29] =	ssyncadd.s32 $0xFFFFFFFF  }
0xbb: {  	_ =	strace $0x9000004E  }
0xbc: {  	_ =	sfence  }
0xbd: {  	s30 =	sld [smem:$0x0];
	_ =	sdelay $0x2  }
0xbe: {  	s31 =	sshll.u32 s1, $0xD;
	s1 =	sshrl.u32 s1, $0x2  }
0xbf: {  	s3 =	sand.u32 $0x4000, s31;
	s1 =	sadd.s32 s1, s30  }
0xc0: {  	s0 =	sor.u32 s3, s0;
	s1 =	sshll.u32 s1, $0x11  }
0xc1: {  	s0 =	sor.u32 s1, s0  }
0xc2: {  	s0 =	sadd.s32 $0x8F2B, s0  }
0xc3: {  	[sflag:s0] =	ssyncadd.remote.s32 $0x1  }
0xc4: {  	_ =	sfence.sel $0xFFFF  }
0xc5: {  	[dreg:$0x0] =	wrdreg $0xFFFFFFFF;
	(pc) =	sbr.abs _section_cstart, $3  }
0xc6: {  	[dreg:$0x1] =	wrdreg $0xFFFFFFFF  }
0xc7: {  	_ =	task.clear_ibuf [dreg:s7], $0x2FFFF;
	_ =	strace $0x9FFFFFFF  }
0xc8: {  	(tm) =	ssettm $0x7FFFFFFF  }
0xc9: {  	_ =	shalt  }
tec
execute0_lowered:
.L_overlay_start_1:
0x0: {  	(tag) =	ssettag $0x1  }
0x1: {  	s4 =	rddreg [dreg:$0x0]  }
0x2: {  	s5 =	rddreg [dreg:$0x1];
	s1 =	stileid.u32  }
0x3: {  	s2 =	srdreg.scid;
	s0 =	rddreg [dreg:$0x2];
	s10 =	simm.s32 $0x6800  }
0x4: {  	s11 =	simm.s32 $0xA800;
	s12 =	simm.s32 $0xE800;
	s13 =	simm.s32 $0x1  }
0x5: {  	s14 =	simm.s32 $0x2;
	s15 =	simm.s32 $0x0;
	s3 =	sand.u32 $0x1, s2  }
0x6: {  	s6 =	sshll.u32 s1, $0x1;
	s2 =	simm.s32 $0x0;
	s7 =	smul.u32 $0x50000, s1  }
0x7: {  	s6 =	sor.u32 s3, s6;
	[smem:$0x7FF] =	sst s2;
	s9 =	smul.u32 $0x28000, s3  }
0x8: {  	s8 =	ssub.s32 $0x2, s3;
	s3 =	sadd.s32 $0x11AC00, s5;
	s6 =	smul.u32 $0x2800, s6  }
0x9: {  	_ =	strace $0x8000004D;
	s5 =	sadd.s32 s7, s5;
	s30 =	sshrl.u32 s8, $0x1  }
0xa: {  	s7 =	ssub.s32 s8, s30;
	s31 =	sadd.s32 s9, s5;
	s8 =	simm.s32 $0x80  }
0xb: {  	s9 =	simm.s32 $0x2800;
	s6 =	sshrl.u32 s6, $0x3;
	s5 =	smax.u32 s7, $0x1  }
0xc: {  	s7 =	simm.s32 $0x3;
	s4 =	sadd.s32 s4, s6;
	s6 =	sadd.s32 $0x144400, s31  }
.LBB2_1:
0xd: {  	[tilespmem:s2], [sflag:$0x3] =	stream.linear.gather [hbm4b:s4+s2], $0x2800, $0x38;
	[tilespmem:$0x12800] =	vst v63  }
0xe: {  	_ =	swait.ge [sflag:s7], $0x2800  }
0xf: {  	[sflag:s7] =	ssyncset.done $0x0  }
0x10: {  	s16 =	simm.s32 $0x0;
	[sflag:s7] =	ssyncadd.s32 $0xFFFFD800  }
0x11: {  	[tilespmem:s9], [sflag:$0x1] =	stream.indirect.gather [hbm4b:s3+s8], $0x80, s16, s8, $0xb8;
	[tilespmem:$0x12800] =	vst v63  }
0x12: {  	s25 =	simm.s32 $0x80  }
0x13: {  	[tilespmem:s10], [sflag:$0x1] =	stream.indirect.gather [hbm4b:s3+s8], $0x80, s25, s8, $0xb8;
	[tilespmem:$0x12800] =	vst v63  }
0x14: {  	s26 =	simm.s32 $0x100  }
0x15: {  	[tilespmem:s11], [sflag:$0x1] =	stream.indirect.gather [hbm4b:s3+s8], $0x80, s26, s8, $0xb8;
	[tilespmem:$0x12800] =	vst v63  }
0x16: {  	s28 =	simm.s32 $0x180  }
0x17: {  	[tilespmem:s12], [sflag:$0x1] =	stream.indirect.gather [hbm4b:s3+s8], $0x80, s28, s8, $0xb8;
	[tilespmem:$0x12800] =	vst v63  }
0x18: {  	_ =	swait.ge [sflag:s13], $0x4000  }
0x19: {  	[sflag:s13] =	ssyncset.done $0x0  }
0x1a: {  	s29 =	sadd.s32 $0xFFFFE800, s6;
	[sflag:s13] =	ssyncadd.s32 $0xFFFFC000  }
0x1b: {  	[hbm4b:s29+s2] =	stream.linear.scatter [tilespmem:s9], [sflag:$0x2], $0x4000, $0x38;
	[tilespmem:$0x12800] =	vst v63  }
0x1c: {  	_ =	swait.ge [sflag:s13], $0x4000  }
0x1d: {  	[sflag:s13] =	ssyncset.done $0x0  }
0x1e: {  	s30 =	sadd.s32 $0xFFFFF000, s6;
	[sflag:s13] =	ssyncadd.s32 $0xFFFFC000  }
0x1f: {  	[hbm4b:s30+s2] =	stream.linear.scatter [tilespmem:s10], [sflag:$0x2], $0x4000, $0x38;
	[tilespmem:$0x12800] =	vst v63  }
0x20: {  	_ =	swait.ge [sflag:s13], $0x4000  }
0x21: {  	[sflag:s13] =	ssyncset.done $0x0  }
0x22: {  	s31 =	sadd.s32 $0xFFFFF800, s6;
	[sflag:s13] =	ssyncadd.s32 $0xFFFFC000  }
0x23: {  	[hbm4b:s31+s2] =	stream.linear.scatter [tilespmem:s11], [sflag:$0x2], $0x4000, $0x38;
	[tilespmem:$0x12800] =	vst v63  }
0x24: {  	_ =	swait.ge [sflag:s13], $0x4000  }
0x25: {  	[sflag:s13] =	ssyncset.done $0x0  }
0x26: {  	[sflag:s13] =	ssyncadd.s32 $0xFFFFC000  }
0x27: {  	[hbm4b:s6+s2] =	stream.linear.scatter [tilespmem:s12], [sflag:$0x2], $0x4000, $0x38;
	[tilespmem:$0x12800] =	vst v63  }
0x28: {  	_ =	swait.ge [sflag:s14], $0x4000  }
0x29: {  	[sflag:s14] =	ssyncset.done $0x0  }
0x2a: {  	[sflag:s14] =	ssyncadd.s32 $0xFFFFC000  }
0x2b: {  	_ =	swait.ge [sflag:s14], $0x4000  }
0x2c: {  	[sflag:s14] =	ssyncset.done $0x0  }
0x2d: {  	[sflag:s14] =	ssyncadd.s32 $0xFFFFC000  }
0x2e: {  	_ =	swait.ge [sflag:s14], $0x4000  }
0x2f: {  	[sflag:s14] =	ssyncset.done $0x0  }
0x30: {  	[sflag:s14] =	ssyncadd.s32 $0xFFFFC000  }
0x31: {  	s17 =	simm.s32 $0x800;
	_ =	swait.ge [sflag:s14], $0x4000  }
0x32: {  	s19 =	simm.s32 $0x1000;
	s16 =	sadd.s32 $0x2000, s6;
	[sflag:s14] =	ssyncset.done $0x0  }
.LBB2_2:
0x33: {  	s20 =	sshra.s32 s17, $0x2  }
0x34: {  	[sflag:s14] =	ssyncadd.s32 $0xFFFFC000;
	s17 =	smov.u32 s19;
	s18 =	sadd.s32 $0x800, s19  }
0x35: {  	[tilespmem:s9], [sflag:$0x1] =	stream.indirect.gather [hbm4b:s3+s8], $0x80, s20, s8, $0xb8;
	[tilespmem:$0x12800] =	vst v63  }
0x36: {  	p0 =	sne.s32 s19, $0x9800;
	s19 =	sadd.s32 $0x80, s20  }
0x37: {  	[tilespmem:s10], [sflag:$0x1] =	stream.indirect.gather [hbm4b:s3+s8], $0x80, s19, s8, $0xb8;
	[tilespmem:$0x12800] =	vst v63  }
0x38: {  	s19 =	sadd.s32 $0x100, s20  }
0x39: {  	[tilespmem:s11], [sflag:$0x1] =	stream.indirect.gather [hbm4b:s3+s8], $0x80, s19, s8, $0xb8;
	[tilespmem:$0x12800] =	vst v63  }
0x3a: {  	s19 =	sadd.s32 $0x180, s20  }
0x3b: {  	[tilespmem:s12], [sflag:$0x1] =	stream.indirect.gather [hbm4b:s3+s8], $0x80, s19, s8, $0xb8;
	[tilespmem:$0x12800] =	vst v63  }
0x3c: {  	_ =	swait.ge [sflag:s13], $0x4000  }
0x3d: {  	[sflag:s13] =	ssyncset.done $0x0  }
0x3e: {  	s19 =	sadd.s32 $0xFFFFE800, s16;
	[sflag:s13] =	ssyncadd.s32 $0xFFFFC000  }
0x3f: {  	[hbm4b:s19+s2] =	stream.linear.scatter [tilespmem:s9], [sflag:$0x2], $0x4000, $0x38;
	[tilespmem:$0x12800] =	vst v63  }
0x40: {  	_ =	swait.ge [sflag:s13], $0x4000  }
0x41: {  	[sflag:s13] =	ssyncset.done $0x0  }
0x42: {  	s19 =	sadd.s32 $0xFFFFF000, s16;
	[sflag:s13] =	ssyncadd.s32 $0xFFFFC000  }
0x43: {  	[hbm4b:s19+s2] =	stream.linear.scatter [tilespmem:s10], [sflag:$0x2], $0x4000, $0x38;
	[tilespmem:$0x12800] =	vst v63  }
0x44: {  	_ =	swait.ge [sflag:s13], $0x4000  }
0x45: {  	[sflag:s13] =	ssyncset.done $0x0  }
0x46: {  	s19 =	sadd.s32 $0xFFFFF800, s16;
	[sflag:s13] =	ssyncadd.s32 $0xFFFFC000  }
0x47: {  	[hbm4b:s19+s2] =	stream.linear.scatter [tilespmem:s11], [sflag:$0x2], $0x4000, $0x38;
	[tilespmem:$0x12800] =	vst v63  }
0x48: {  	_ =	swait.ge [sflag:s13], $0x4000  }
0x49: {  	[sflag:s13] =	ssyncset.done $0x0  }
0x4a: {  	[sflag:s13] =	ssyncadd.s32 $0xFFFFC000  }
0x4b: {  	[hbm4b:s16+s2] =	stream.linear.scatter [tilespmem:s12], [sflag:$0x2], $0x4000, $0x38;
	[tilespmem:$0x12800] =	vst v63  }
0x4c: {  	_ =	swait.ge [sflag:s14], $0x4000  }
0x4d: {  	[sflag:s14] =	ssyncset.done $0x0  }
0x4e: {  	[sflag:s14] =	ssyncadd.s32 $0xFFFFC000  }
0x4f: {  	_ =	swait.ge [sflag:s14], $0x4000  }
0x50: {  	[sflag:s14] =	ssyncset.done $0x0  }
0x51: {  	[sflag:s14] =	ssyncadd.s32 $0xFFFFC000  }
.Ltmp0:
0x52: {  	_ =	swait.ge [sflag:s14], $0x4000;
	(pc) =	sbr.rel @p0 .LBB2_2-.Ltmp0, $4  }
0x53: {  	[sflag:s14] =	ssyncset.done $0x0  }
0x54: {  	[sflag:s14] =	ssyncadd.s32 $0xFFFFC000  }
0x55: {  	_ =	swait.ge [sflag:s14], $0x4000  }
0x56: {  	s19 =	smov.u32 s18;
	s16 =	sadd.s32 $0x2000, s16;
	[sflag:s14] =	ssyncset.done $0x0  }
0x57: {  	s17 =	sshra.s32 s17, $0x2;
	[sflag:s14] =	ssyncadd.s32 $0xFFFFC000  }
0x58: {  	[tilespmem:s9], [sflag:$0x1] =	stream.indirect.gather [hbm4b:s3+s8], $0x80, s17, s8, $0xb8;
	[tilespmem:$0x12800] =	vst v63  }
0x59: {  	s18 =	sadd.s32 $0x80, s17  }
0x5a: {  	[tilespmem:s10], [sflag:$0x1] =	stream.indirect.gather [hbm4b:s3+s8], $0x80, s18, s8, $0xb8;
	[tilespmem:$0x12800] =	vst v63  }
0x5b: {  	s28 =	sadd.s32 $0x100, s17  }
0x5c: {  	[tilespmem:s11], [sflag:$0x1] =	stream.indirect.gather [hbm4b:s3+s8], $0x80, s28, s8, $0xb8;
	[tilespmem:$0x12800] =	vst v63  }
0x5d: {  	s17 =	sadd.s32 $0x180, s17  }
0x5e: {  	[tilespmem:s12], [sflag:$0x1] =	stream.indirect.gather [hbm4b:s3+s8], $0x80, s17, s8, $0xb8;
	[tilespmem:$0x12800] =	vst v63  }
0x5f: {  	_ =	swait.ge [sflag:s13], $0x4000  }
0x60: {  	[sflag:s13] =	ssyncset.done $0x0  }
0x61: {  	s29 =	sadd.s32 $0xFFFFE800, s16;
	[sflag:s13] =	ssyncadd.s32 $0xFFFFC000  }
0x62: {  	[hbm4b:s29+s2] =	stream.linear.scatter [tilespmem:s9], [sflag:$0x2], $0x4000, $0x38;
	[tilespmem:$0x12800] =	vst v63  }
0x63: {  	_ =	swait.ge [sflag:s13], $0x4000  }
0x64: {  	[sflag:s13] =	ssyncset.done $0x0  }
0x65: {  	s30 =	sadd.s32 $0xFFFFF000, s16;
	[sflag:s13] =	ssyncadd.s32 $0xFFFFC000  }
0x66: {  	[hbm4b:s30+s2] =	stream.linear.scatter [tilespmem:s10], [sflag:$0x2], $0x4000, $0x38;
	[tilespmem:$0x12800] =	vst v63  }
0x67: {  	_ =	swait.ge [sflag:s13], $0x4000  }
0x68: {  	[sflag:s13] =	ssyncset.done $0x0  }
0x69: {  	s31 =	sadd.s32 $0xFFFFF800, s16;
	[sflag:s13] =	ssyncadd.s32 $0xFFFFC000  }
0x6a: {  	[hbm4b:s31+s2] =	stream.linear.scatter [tilespmem:s11], [sflag:$0x2], $0x4000, $0x38;
	[tilespmem:$0x12800] =	vst v63  }
0x6b: {  	_ =	swait.ge [sflag:s13], $0x4000  }
0x6c: {  	[sflag:s13] =	ssyncset.done $0x0  }
0x6d: {  	[sflag:s13] =	ssyncadd.s32 $0xFFFFC000  }
0x6e: {  	[hbm4b:s16+s2] =	stream.linear.scatter [tilespmem:s12], [sflag:$0x2], $0x4000, $0x38;
	[tilespmem:$0x12800] =	vst v63  }
0x6f: {  	_ =	swait.ge [sflag:s14], $0x4000  }
0x70: {  	[sflag:s14] =	ssyncset.done $0x0  }
0x71: {  	[sflag:s14] =	ssyncadd.s32 $0xFFFFC000  }
0x72: {  	_ =	swait.ge [sflag:s14], $0x4000  }
0x73: {  	[sflag:s14] =	ssyncset.done $0x0  }
0x74: {  	s15 =	sadd.s32 $0x1, s15;
	[sflag:s14] =	ssyncadd.s32 $0xFFFFC000  }
0x75: {  	p0 =	sne.s32 s15, s5;
	_ =	swait.ge [sflag:s14], $0x4000  }
.Ltmp1:
0x76: {  	[sflag:s14] =	ssyncset.done $0x0;
	(pc) =	sbr.rel @p0 .LBB2_1-.Ltmp1, $4  }
0x77: {  	[sflag:s14] =	ssyncadd.s32 $0xFFFFC000  }
0x78: {  	_ =	swait.ge [sflag:s14], $0x4000  }
0x79: {  	[sflag:s14] =	ssyncset.done $0x0  }
0x7a: {  	[sflag:s14] =	ssyncadd.s32 $0xFFFFC000  }
0x7b: {  	_ =	sfence.sel $0x180000  }
0x7c: {  	[bflag:$0x0] =	sbarrier.arrive $0xFFFF  }
0x7d: {  	p0 =	sne.s32 s1, $0x0;
	_ =	strace $0x9000004D  }
0x7e: {  	s0 =	sadd.s32 @!p0 $0x100000, s0;
	[bflag:$0x2] =	sbarrier.arrive $0xFFFF  }
0x7f: {  	[sflag:s0] =	ssyncadd.tile.s32 @!p0 $0x1;
	_ =	shalt  }
.Lfunc_end2:
_tile_overlayer_lowered:
.L_overlay_start_2:
0x80: {  	(tag) =	ssettag $0x2  }
0x81: {  	s0 =	rddreg [dreg:$0x0];
	s2 =	stileid.u32  }
0x82: {  	s1 =	rddreg [dreg:$0x1];
	p0 =	sne.s32 s2, $0x0  }
0x83: {  	s3 =	rddreg [dreg:$0x2];
	[bflag:$0x3] =	sbarrier.arrive $0xFFFF;
	s2 =	simm.s32 @!p0 $0x1C03  }
0x84: {  	[timem:s3], [sflag:s2] =	dma.local @!p0 [hbm:s0], s1  }
0x85: {  	s0 =	simm.s32 @!p0 $0x3  }
0x86: {  	_ =	swait.ge @!p0 [sflag:s0], s1  }
0x87: {  	s1 =	ssub.s32 @!p0 $0x0, s1;
	[sflag:s0] =	ssyncset.done @!p0 $0x0  }
0x88: {  	[sflag:s0] =	ssyncadd.s32 @!p0 s1  }
0x89: {  	[bflag:$0x3] =	sbarrier.arrive $0xFFFF  }
0x8a: {  	_ =	shalt  }

// kernel: kernel.7.cloned.1.call-start
scs
__scs_entry_jumppad:
0x0: {  	(pc) =	sbr.rel $0x88, $3  }
0x1: {  	(tag) =	ssettag $0x0;
	lr =	simm.s32 $0x1  }
0x2: {  	[smem:$0x3F9B] =	sst lr;
	_ =	strace $0xD0000000  }
0x3: {  	_ = 	snop  }
0x4: {  	_ = 	snop  }
0x5: {  	_ = 	snop  }
0x6: {  	_ = 	snop  }
0x7: {  	_ = 	snop  }
__scs_overlays_trampoline_lowered:
0x8: {  	[smem:$0x3FAA] =	sst s0  }
0x9: {  	[smem:$0x3FAB] =	sst s1  }
0xa: {  	[smem:$0x3FAC] =	sst s2  }
0xb: {  	[smem:$0x3FAD] =	sst s3  }
0xc: {  	[smem:$0x3FAE] =	sst s4  }
0xd: {  	[smem:$0x3FAF] =	sst s5  }
0xe: {  	[smem:$0x3FB0] =	sst s6  }
0xf: {  	[smem:$0x3FB1] =	sst s7  }
0x10: {  	[smem:$0x3FB2] =	sst s8  }
0x11: {  	[smem:$0x3FB3] =	sst s9;
	s0 =	simm.s32 @!p0 $0x0  }
0x12: {  	s1 =	sld [smem:$0x3F99];
	s0 =	simm.s32 @p0 $0x1  }
0x13: {  	[smem:$0x3FB4] =	sst s0;
	s0 =	simm.s32 @!p1 $0x0  }
0x14: {  	s2 =	sld [smem:$0x3F98];
	s0 =	simm.s32 @p1 $0x1  }
0x15: {  	[smem:$0x3FB5] =	sst s0;
	s0 =	simm.s32 @!p2 $0x0  }
0x16: {  	s3 =	sld [smem:$0x3FDB];
	s0 =	simm.s32 @p2 $0x1  }
0x17: {  	s4 =	simm.s32 $0x1BF5;
	[smem:$0x3FB7] =	sst s0  }
0x18: {  	s0 =	sld [smem:$0x3F9A];
	_ =	swait.ge [sflag:s4], $0x0  }
0x19: {  	s7 =	sld [smem:$0x3F9B]  }
0x1a: {  	s8 =	sadd.s32 $0xFFFFE003, lr  }
0x1b: {  	s9 =	sadd.s32 $0xFFFFFEF7, lr;
	s5 =	simm.s32 $0xFFFFFFFF;
	p2 =	slt.u32 s8, $0xFFFFF086  }
0x1c: {  	p1 =	slt.u32 s9, $0xF7A;
	s5 =	simm.s32 @!p2 $0x0  }
0x1d: {  	s5 =	simm.s32 @p1 $0x1;
	p0 =	seq.s32 s7, s2  }
0x1e: {  	s7 =	smul.u32 @!p0 $0xF7A, s2;
	p2 =	seq.s32 @!p0 s5, $0x0  }
0x1f: {  	s9 =	smul.u32 $0xF7A, s1;
	s8 =	simm.s32 @!p0 $0x1BF5;
	p2 =	por !p2, p0  }
0x20: {  	[sflag:s8] =	ssyncset.s32 @!p0 $0xFFFFF086;
	s6 =	sadd.s32 @!p0 s3, s7;
	s7 =	simm.s32 @!p0 $0x108  }
0x21: {  	s3 =	sadd.s32 s3, s9;
	s6 =	sadd.s32 @!p0 $0x88, s6;
	s7 =	simm.s32 @p2 $0x1082  }
0x22: {  	[simem:s7], [sflag:s8] =	dma.local @!p0 [hbm:s6], $0xF7A  }
0x23: {  	s9 =	sor.u32 $0xD0000000, s2;
	s6 =	simm.s32 $0x108;
	_ =	swait.ge @!p0 [sflag:s8], $0x0  }
0x24: {  	s3 =	sadd.s32 $0x88, s3;
	s6 =	simm.s32 @!p1 $0x1082;
	[sflag:s4] =	ssyncset.s32 $0xFFFFF086  }
0x25: {  	[simem:s6], [sflag:s4] =	dma.local [hbm:s3], $0xF7A  }
0x26: {  	[smem:$0x3F9B] =	sst s1;
	(tag) =	ssettag s2;
	_ =	strace s9  }
0x27: {  	s1 =	sld [smem:$0x3FAB]  }
0x28: {  	s2 =	sld [smem:$0x3FAC]  }
0x29: {  	s4 =	sld [smem:$0x3FAE]  }
0x2a: {  	p0 =	seq.s32 s5, $0x0;
	s5 =	sld [smem:$0x3FAF]  }
0x2b: {  	s6 =	sld [smem:$0x3FB0]  }
0x2c: {  	s7 =	sld [smem:$0x3FB1]  }
0x2d: {  	s3 =	simm.s32 $0x108;
	s8 =	sld [smem:$0x3FB2]  }
0x2e: {  	s3 =	simm.s32 @!p0 $0x1082;
	s9 =	sld [smem:$0x3FB3]  }
0x2f: {  	lr =	sadd.s32 s0, s3;
	s0 =	sld [smem:$0x3FAA]  }
0x30: {  	s3 =	sld [smem:$0x3FAD]  }
0x31: {  	[smem:$0x3FB6] =	sst s10  }
0x32: {  	s10 =	sld [smem:$0x3FB4];
	_ =	sdelay $0x3  }
0x33: {  	p0 =	seq.s32 s10, $0x1;
	s10 =	sld [smem:$0x3FB6];
	_ =	sdelay $0x3  }
0x34: {  	[smem:$0x3FB6] =	sst s10  }
0x35: {  	s10 =	sld [smem:$0x3FB5];
	_ =	sdelay $0x3  }
0x36: {  	p1 =	seq.s32 s10, $0x1;
	s10 =	sld [smem:$0x3FB6];
	_ =	sdelay $0x3  }
0x37: {  	[smem:$0x3FB6] =	sst s10  }
0x38: {  	s10 =	sld [smem:$0x3FB7]  }
0x39: {  	_ = 	snop;
	(pc) =	sbr.ind lr, $3  }
0x3a: {  	_ = 	snop  }
0x3b: {  	_ = 	snop  }
0x3c: {  	p2 =	seq.s32 s10, $0x1;
	s10 =	sld [smem:$0x3FB6]  }
0x3d: {  	_ =	shalt  }
0x3e: {  	_ =	shalt  }
0x3f: {  	_ =	shalt  }
0x40: {  	_ =	shalt  }
0x41: {  	_ =	shalt  }
0x42: {  	_ =	shalt  }
0x43: {  	_ =	shalt  }
0x44: {  	_ =	shalt  }
0x45: {  	_ =	shalt  }
0x46: {  	_ =	shalt  }
0x47: {  	_ =	shalt  }
0x48: {  	_ =	shalt  }
0x49: {  	_ =	shalt  }
0x4a: {  	_ =	shalt  }
0x4b: {  	_ =	shalt  }
0x4c: {  	_ =	shalt  }
0x4d: {  	_ =	shalt  }
0x4e: {  	_ =	shalt  }
0x4f: {  	_ =	shalt  }
0x50: {  	_ =	shalt  }
0x51: {  	_ =	shalt  }
0x52: {  	_ =	shalt  }
0x53: {  	_ =	shalt  }
0x54: {  	_ =	shalt  }
0x55: {  	_ =	shalt  }
0x56: {  	_ =	shalt  }
0x57: {  	_ =	shalt  }
0x58: {  	_ =	shalt  }
0x59: {  	_ =	shalt  }
0x5a: {  	_ =	shalt  }
0x5b: {  	_ =	shalt  }
0x5c: {  	_ =	shalt  }
0x5d: {  	_ =	shalt  }
0x5e: {  	_ =	shalt  }
0x5f: {  	_ =	shalt  }
0x60: {  	_ =	shalt  }
0x61: {  	_ =	shalt  }
0x62: {  	_ =	shalt  }
0x63: {  	_ =	shalt  }
0x64: {  	_ =	shalt  }
0x65: {  	_ =	shalt  }
0x66: {  	_ =	shalt  }
0x67: {  	_ =	shalt  }
0x68: {  	_ =	shalt  }
0x69: {  	_ =	shalt  }
0x6a: {  	_ =	shalt  }
0x6b: {  	_ =	shalt  }
0x6c: {  	_ =	shalt  }
0x6d: {  	_ =	shalt  }
0x6e: {  	_ =	shalt  }
0x6f: {  	_ =	shalt  }
0x70: {  	_ =	shalt  }
0x71: {  	_ =	shalt  }
0x72: {  	_ =	shalt  }
0x73: {  	_ =	shalt  }
0x74: {  	_ =	shalt  }
0x75: {  	_ =	shalt  }
0x76: {  	_ =	shalt  }
0x77: {  	_ =	shalt  }
0x78: {  	_ =	shalt  }
0x79: {  	_ =	shalt  }
0x7a: {  	_ =	shalt  }
0x7b: {  	_ =	shalt  }
0x7c: {  	_ =	shalt  }
0x7d: {  	_ =	shalt  }
0x7e: {  	_ =	shalt  }
0x7f: {  	_ =	shalt  }
0x80: {  	_ =	shalt  }
0x81: {  	_ =	shalt  }
0x82: {  	_ =	shalt  }
0x83: {  	_ =	shalt  }
0x84: {  	_ =	shalt  }
0x85: {  	_ =	shalt  }
0x86: {  	_ =	shalt  }
0x87: {  	_ =	shalt  }
.Lfunc_end0:
.L_simem_size_0:
called_computation_lowered:
.L_overlay_start_0:
0x88: {  	s2 =	sld [smem:$0x3FD9]  }
0x89: {  	s3 =	sld [smem:$0x3FFE];
	_ =	sdelay $0x1  }
0x8a: {  	s1 =	srdreg.scid  }
0x8b: {  	s0 =	sand.u32 $0x1, s1  }
0x8c: {  	s14 =	sshll.u32 s0, $0xA;
	s2 =	sadd.s32 s3, s2  }
0x8d: {  	s2 =	sadd.s32 s2, s14  }
0x8e: {  	[smem:$0x3FC2] =	sst s2  }
0x8f: {  	_ = 	snop  }
0x90: {  	s2 =	sld [smem:$0x3FD0];
	_ =	sdelay $0x2  }
0x91: {  	s15 =	simm.s32 $0xA;
	s4 =	simm.s32 $0x10  }
0x92: {  	[smem:s4], [sflag:s15] =	dma.local [hbm:s2], $0x1  }
0x93: {  	_ =	swait.eq [sflag:s15], $0x1  }
0x94: {  	[sflag:s15] =	ssyncset.done $0x0  }
0x95: {  	[sflag:s15] =	ssyncadd.s32 $0xFFFFFFFF  }
0x96: {  	s16 =	sld [smem:$0x11];
	(tm) =	ssettm $0x1  }
0x97: {  	s17 =	sld [smem:$0x3FFB];
	_ =	sdelay $0x3  }
0x98: {  	_ =	strace s17  }
0x99: {  	s3 =	sld [smem:$0x3FFC];
	_ =	sdelay $0x3  }
0x9a: {  	_ =	strace s3  }
0x9b: {  	s3 =	sld [smem:$0x3FFD];
	_ =	sdelay $0x3  }
0x9c: {  	_ =	strace s3  }
0x9d: {  	_ =	strace $0x8FFFFFFF  }
0x9e: {  	s18 =	sld [smem:$0x3FDB];
	_ =	sdelay $0x1  }
0x9f: {  	s19 =	simm.s32 $_scs_section_size  }
0xa0: {  	s5 =	simm.s32 $_size__tile_overlayer_lowered;
	s6 =	simm.s32 $_tile_overlayer_lowered  }
0xa1: {  	s22 =	simm.s32 $0x1BFF;
	s21 =	sshll.u32 s6, $0x1;
	s3 =	sadd.s32 s19, s18  }
0xa2: {  	s7 =	simm.s32 $0x0;
	s20 =	sshll.u32 s5, $0x1;
	s5 =	sadd.s32 s21, s3  }
0xa3: {  	[timem:s7], [sflag:s22] =	dma.local [hbm:s5], s20  }
0xa4: {  	_ =	swait.ge [sflag:s22], s20  }
0xa5: {  	s4 =	ssub.s32 $0x0, s20;
	[sflag:s22] =	ssyncset.done $0x0  }
0xa6: {  	[sflag:s22] =	ssyncadd.s32 s4;
	_ =	sdelay $0x1  }
0xa7: {  	s23 =	simm.s32 $0x1B8B  }
0xa8: {  	_ =	swait.ge [sflag:s23], $0x1  }
0xa9: {  	[sflag:s23] =	ssyncset.done $0x0  }
0xaa: {  	s25 =	simm.s32 $0x1B8E;
	s24 =	sld [smem:$0x3FFE];
	[sflag:s23] =	ssyncadd.s32 $0xFFFFFFFF  }
0xab: {  	s26 =	simm.s32 $execute0_lowered;
	[smem:$0x3FD2] =	sst s25  }
0xac: {  	s5 =	sshll.u32 s26, $0x1;
	_ =	strace $0x80000046;
	[dreg:$0x1] =	wrdreg $0xFFFFFFFF  }
0xad: {  	s28 =	simm.s32 $_size_execute0_lowered;
	s3 =	sadd.s32 s3, s5;
	[dreg:$0x0] =	wrdreg $0x0  }
0xae: {  	s5 =	sshll.u32 s28, $0x1;
	[dreg:$0x2] =	wrdreg s3  }
0xaf: {  	[dreg:$0x3] =	wrdreg s5  }
0xb0: {  	[dreg:$0x4] =	wrdreg $0xC0  }
0xb1: {  	_ =	task [dreg:s7], $0x5FFFF  }
0xb2: {  	[dreg:$0x1] =	wrdreg $0xFFFFFFFF  }
0xb3: {  	[dreg:$0x0] =	wrdreg $0x60  }
0xb4: {  	[dreg:$0x2] =	wrdreg s24  }
0xb5: {  	[dreg:$0x3] =	wrdreg s16  }
0xb6: {  	[dreg:$0x4] =	wrdreg $0x9  }
0xb7: {  	_ =	task.clear_ibuf [dreg:s7], $0x5FFFF;
	_ =	strace $0x90000046  }
0xb8: {  	s29 =	simm.s32 $0x9;
	_ =	strace $0x80000048  }
0xb9: {  	_ =	swait.ge [sflag:s29], $0x1  }
0xba: {  	[sflag:s29] =	ssyncadd.s32 $0xFFFFFFFF  }
0xbb: {  	_ =	strace $0x90000048  }
0xbc: {  	_ =	sfence  }
0xbd: {  	s30 =	sld [smem:$0x0];
	_ =	sdelay $0x2  }
0xbe: {  	s31 =	sshll.u32 s1, $0xD;
	s1 =	sshrl.u32 s1, $0x2  }
0xbf: {  	s3 =	sand.u32 $0x4000, s31;
	s1 =	sadd.s32 s1, s30  }
0xc0: {  	s0 =	sor.u32 s3, s0;
	s1 =	sshll.u32 s1, $0x11  }
0xc1: {  	s0 =	sor.u32 s1, s0  }
0xc2: {  	s0 =	sadd.s32 $0x8F2B, s0  }
0xc3: {  	[sflag:s0] =	ssyncadd.remote.s32 $0x1  }
0xc4: {  	_ =	sfence.sel $0xFFFF  }
0xc5: {  	[dreg:$0x0] =	wrdreg $0xFFFFFFFF;
	(pc) =	sbr.abs _section_cstart, $3  }
0xc6: {  	[dreg:$0x1] =	wrdreg $0xFFFFFFFF  }
0xc7: {  	_ =	task.clear_ibuf [dreg:s7], $0x2FFFF;
	_ =	strace $0x9FFFFFFF  }
0xc8: {  	(tm) =	ssettm $0x7FFFFFFF  }
0xc9: {  	_ =	shalt  }
tec
execute0_lowered:
.L_overlay_start_1:
0x0: {  	(tag) =	ssettag $0x1  }
0x1: {  	s3 =	rddreg [dreg:$0x0];
	s1 =	srdreg.scid  }
0x2: {  	s0 =	stileid.u32;
	s4 =	rddreg [dreg:$0x1];
	s2 =	simm.s32 $0x0  }
0x3: {  	s8 =	simm.s32 $0x0;
	s5 =	sand.u32 $0x1, s1;
	s6 =	sshll.u32 s0, $0x1  }
0x4: {  	s1 =	rddreg [dreg:$0x2];
	s6 =	sor.u32 s5, s6;
	s5 =	ssub.s32 $0x2, s5  }
0x5: {  	[smem:$0x7FF] =	sst s2;
	s6 =	smul.u32 $0x870, s6;
	s7 =	sshrl.u32 s5, $0x1  }
0x6: {  	s3 =	sadd.s32 $0x7AC00, s3;
	_ =	strace $0x80000047;
	s5 =	ssub.s32 s5, s7  }
0x7: {  	s7 =	simm.s32 $0x2800;
	s31 =	sshrl.u32 s6, $0x3;
	v0 =	vmov s6;
	s6 =	sadd.s32 $0x870, s6  }
0x8: {  	v2 =	vimm.s32 $0x2710;
	v3 =	vlaneseq.u32;
	s5 =	smax.u32 s5, $0x1;
	s4 =	sadd.s32 s4, s31;
	v1 =	vmov s6;
	s6 =	simm.s32 $0x1  }
.LBB2_1:
0x9: {  	[tilespmem:s2], [sflag:$0x1] =	stream.linear.gather [hbm4b:s3+s2], $0x2800, $0x38;
	[tilespmem:$0x3080] =	vst v63  }
0xa: {  	_ =	swait.ge [sflag:s6], $0x2800  }
0xb: {  	[sflag:s6] =	ssyncset.done $0x0  }
0xc: {  	s9 =	simm.s32 $0x0;
	[sflag:s6] =	ssyncadd.s32 $0xFFFFD800  }
.LBB2_2:
0xd: {  	p0 =	sne.s32 s9, $0x2180  }
.Ltmp0:
0xe: {  	_ = 	snop;
	(pc) =	sbr.rel @p0 .LBB2_2-.Ltmp0, $3  }
0xf: {  	_ =	sdelay $0x1  }
0x10: {  	s10 =	sshra.s32 s9, $0x2  }
0x11: {  	s9 =	sadd.s32 $0x40, s9;
	[tilespmem:s10+$0x2800] =	vst v2  }
0x12: {  	s9 =	simm.s32 $0x0  }
0x13: {  	s10 =	simm.s32 $0x10;
	s11 =	simm.s32 $0x0;
	v4 =	vld [tilespmem:s9+$0x0]  }
.LBB2_4:
0x14: {  	p0 =	sne.s32 s10, $0x27F0;
	_ =	sdelay $0x3  }
0x15: {  	v5 =	vsub.s32 v4, v0  }
0x16: {  	vm0 =	vge.s32 v4, v0;
	vm1 =	vlt.s32 v4, v1;
	vm2 =	vgt.s32 v5, $0x0  }
0x17: {  	vm0 =	vmand vm0, vm1;
	v4 =	vnsel vm2, $0x0, v5  }
0x18: {  	v4 =	vmin.u32 v4, $0x86F;
	_ =	sdelay $0x1  }
.Ltmp1:
0x19: {  	(pc) =	sbr.rel @p0 .LBB2_4-.Ltmp1, $4  }
0x1a: {  	_ = 	snop  }
0x1b: {  	v5 =	vor.u32 s9, v3;
	s9 =	smov.u32 s10  }
0x1c: {  	s11 =	sadd.s32 $0x10, s11;
	[tilespmem:v4+s7+$0x0] =	vst.idx.msk vm0, v5  }
0x1d: {  	s10 =	sadd.s32 $0x10, s10;
	v4 =	vld [tilespmem:s11+$0x0]  }
0x1e: {  	_ =	sdelay $0x3  }
0x1f: {  	v5 =	vsub.s32 v4, v0  }
0x20: {  	vm0 =	vge.s32 v4, v0;
	vm1 =	vlt.s32 v4, v1;
	vm2 =	vgt.s32 v5, $0x0  }
0x21: {  	vm0 =	vmand vm0, vm1;
	v4 =	vnsel vm2, $0x0, v5  }
0x22: {  	v4 =	vmin.u32 v4, $0x86F;
	_ =	sdelay $0x2  }
0x23: {  	s8 =	sadd.s32 $0x1, s8  }
0x24: {  	p0 =	sne.s32 s8, s5;
	v5 =	vor.u32 s9, v3  }
.Ltmp2:
0x25: {  	[tilespmem:v4+s7+$0x0] =	vst.idx.msk vm0, v5;
	(pc) =	sbr.rel @p0 .LBB2_1-.Ltmp2, $4  }
0x26: {  	[hbm4b:s4+s2] =	stream.linear.scatter [tilespmem:s7], [sflag:$0x1], $0x870, $0x38;
	[tilespmem:$0x3080] =	vst v63  }
0x27: {  	_ =	swait.ge [sflag:s6], $0x870  }
0x28: {  	[sflag:s6] =	ssyncset.done $0x0  }
0x29: {  	[sflag:s6] =	ssyncadd.s32 $0xFFFFF790  }
0x2a: {  	_ =	sfence.sel $0x180000  }
0x2b: {  	[bflag:$0x0] =	sbarrier.arrive $0xFFFF  }
0x2c: {  	p0 =	sne.s32 s0, $0x0;
	_ =	strace $0x90000047  }
0x2d: {  	s0 =	sadd.s32 @!p0 $0x100000, s1;
	[bflag:$0x2] =	sbarrier.arrive $0xFFFF  }
0x2e: {  	[sflag:s0] =	ssyncadd.tile.s32 @!p0 $0x1;
	_ =	shalt  }
.Lfunc_end2:
_tile_overlayer_lowered:
.L_overlay_start_2:
0x2f: {  	(tag) =	ssettag $0x2  }
0x30: {  	s0 =	rddreg [dreg:$0x0];
	s2 =	stileid.u32  }
0x31: {  	s1 =	rddreg [dreg:$0x1];
	p0 =	sne.s32 s2, $0x0  }
0x32: {  	s3 =	rddreg [dreg:$0x2];
	[bflag:$0x3] =	sbarrier.arrive $0xFFFF;
	s2 =	simm.s32 @!p0 $0x1C01  }
0x33: {  	[timem:s3], [sflag:s2] =	dma.local @!p0 [hbm:s0], s1  }
0x34: {  	s0 =	simm.s32 @!p0 $0x1  }
0x35: {  	_ =	swait.ge @!p0 [sflag:s0], s1  }
0x36: {  	s1 =	ssub.s32 @!p0 $0x0, s1;
	[sflag:s0] =	ssyncset.done @!p0 $0x0  }
0x37: {  	[sflag:s0] =	ssyncadd.s32 @!p0 s1  }
0x38: {  	[bflag:$0x3] =	sbarrier.arrive $0xFFFF  }
0x39: {  	_ =	shalt  }

</sc_bundles>
